<compile_context>
chip_gen: v7x
topology: tpu7x:2x2x1
jax: 0.10.2.dev20260603
libtpu: 0.0.44.dev20260713+nightly
codegen_flags: <defaults>
</compile_context>

<pallas_src>
import jax
import jax.numpy as jnp
from jax import lax
from jax.experimental import pallas as pl
from jax.experimental.pallas import tpu as pltpu
from jax.experimental.pallas import tpu_sc as plsc

NL = 100000
CD = 64
PW = 128
NLP = NL // 2
NB = 16384
LRC = 0.05
THETA = 0.3

CH = 8192
CHB = 13
CHP = CH // 2
NTRASH = 128
NCH = 13
NFULL = NL // CH
LASTP = NLP - NFULL * CHP
EV_T = NB // 16
ROWS_T = CHP // 16
ACC_ROWS = CHP + NTRASH
BLK = 64
NBLK = EV_T // BLK

_mesh = plsc.VectorSubcoreMesh(core_axis_name="c", subcore_axis_name="s")
_params = pltpu.CompilerParams(use_tc_tiling_on_sc=True,
                               needs_layout_passes=False)

_i32 = jnp.int32
_f32 = jnp.float32


def _fused_body(w0_hbm, wlp_hbm, idx_hbm, con_hbm, phon_hbm, out_hbm,
                idxS, idxF, evid, conB, abuf, phonB,
                sidxB, gidxB, vidxB, smem,
                acc, dacc, sem, sem2, sem3):
    c = lax.axis_index("c")
    s = lax.axis_index("s")
    ev0 = s * EV_T
    lane = lax.iota(_i32, 16)

    pltpu.sync_copy(idx_hbm.at[pl.ds(ev0, EV_T)], idxS.at[pl.ds(0, EV_T)])

    def cntf(g, cnts):
        ck = jnp.right_shift(idxS[pl.ds(g * 16, 16)], CHB)
        return tuple(cnts[k] + jnp.sum(jnp.where(ck == k, 1, 0))
                     for k in range(NCH))
    cnts = lax.fori_loop(0, EV_T // 16, cntf, (_i32(0),) * NCH)

    running = _i32(0)
    for k in range(NCH):
        smem[k] = running
        smem[32 + k] = running
        running = running + cnts[k]

    lane0 = lane == 0

    def fill(e, _):
        iv = idxS[pl.ds(e, 16)][0]
        k = jnp.right_shift(iv, CHB)
        p = smem[32 + k]
        smem[32 + k] = p + 1
        r = jnp.full((16,), jnp.right_shift(p, 6), _i32)
        cc = jnp.full((16,), p & (BLK - 1), _i32)
        plsc.store_scatter(idxF, [r, cc], jnp.full((16,), iv, _i32),
                           mask=lane0)
        plsc.store_scatter(evid, [r, cc], jnp.full((16,), ev0 + e, _i32),
                           mask=lane0)
        return 0
    lax.fori_loop(0, EV_T, fill, 0)

    def build_sidx(b, k):
        def bld(g, _):
            iv = idxF[b, pl.ds(g * 16, 16)]
            inb = jnp.right_shift(iv, CHB) == k
            li = jnp.where(inb, jnp.right_shift(iv & (CH - 1), 1),
                           CHP + ((iv + lane) & (NTRASH - 1)))
            sidxB[0, pl.ds(g * 16, 16)] = li
            return 0
        lax.fori_loop(0, BLK // 16, bld, 0)

    def do_chunk(k, rows_t, tail=0):
        kbase = k * CHP
        lo = smem[k]
        hi = smem[32 + k]
        b0 = jnp.right_shift(lo, 6)
        b1 = jnp.right_shift(hi + BLK - 1, 6)

        pltpu.sync_copy(w0_hbm.at[pl.ds(kbase + s * rows_t, rows_t)],
                        acc.at[pl.ds(s * rows_t, rows_t)])
        pltpu.sync_copy(wlp_hbm.at[pl.ds(kbase + s * rows_t, rows_t)],
                        dacc.at[pl.ds(s * rows_t, rows_t)])
        if tail:
            @pl.when(s == 0)
            def _():
                pltpu.sync_copy(
                    w0_hbm.at[pl.ds(kbase + 16 * rows_t, tail)],
                    acc.at[pl.ds(16 * rows_t, tail)])
                pltpu.sync_copy(
                    wlp_hbm.at[pl.ds(kbase + 16 * rows_t, tail)],
                    dacc.at[pl.ds(16 * rows_t, tail)])
        plsc.subcore_barrier()

        def sblk(b, _):
            cpc = pltpu.async_copy(con_hbm.at[evid.at[b]], conB, sem3)
            build_sidx(b, k)
            cpc.wait()
            pltpu.sync_copy(conB, acc.at[sidxB.at[0]], add=True)
            return 0
        lax.fori_loop(b0, b1, sblk, 0)
        plsc.subcore_barrier()

        def gblk(b, _):
            def bld2(g, _):
                iv = idxF[b, pl.ds(g * 16, 16)]
                loc = jnp.right_shift(iv & (CH - 1), 1)
                inb = jnp.right_shift(iv, CHB) == k
                gidxB[0, pl.ds(g * 16, 16)] = loc
                vidxB[0, pl.ds(g * 16, 16)] = jnp.where(
                    inb, loc, CHP + ((iv + lane) & (NTRASH - 1)))
                return 0
            lax.fori_loop(0, BLK // 16, bld2, 0)
            cpa = pltpu.async_copy(acc.at[gidxB.at[0]], abuf, sem)
            cpc = pltpu.async_copy(con_hbm.at[evid.at[b]], conB, sem2)
            cpp = pltpu.async_copy(phon_hbm.at[evid.at[b]], phonB, sem3)
            cpa.wait()
            cpc.wait()
            cpp.wait()

            def dotf(e, _):
                sl = pl.ds(0, 16)
                r = abuf[e, sl] * conB[e, sl]
                for j in range(1, PW // 16):
                    sl = pl.ds(j * 16, 16)
                    r = r + abuf[e, sl] * conB[e, sl]
                act = jnp.sum(r)
                scale = jnp.where(act > THETA * LRC, _f32(LRC), _f32(0.0))
                for j in range(PW // 16):
                    sl = pl.ds(j * 16, 16)
                    phonB[e, sl] = phonB[e, sl] * scale
                return 0
            lax.fori_loop(0, BLK, dotf, 0)
            pltpu.sync_copy(phonB, dacc.at[vidxB.at[0]], add=True)
            return 0
        lax.fori_loop(b0, b1, gblk, 0)
        plsc.subcore_barrier()

        pltpu.sync_copy(dacc.at[pl.ds(s * rows_t, rows_t)],
                        out_hbm.at[pl.ds(kbase + s * rows_t, rows_t)])
        if tail:
            @pl.when(s == 0)
            def _():
                pltpu.sync_copy(
                    dacc.at[pl.ds(16 * rows_t, tail)],
                    out_hbm.at[pl.ds(kbase + 16 * rows_t, tail)])

    def full_chunk(kk, _):
        do_chunk(2 * kk + c, ROWS_T)
        return 0
    lax.fori_loop(0, NFULL // 2, full_chunk, 0)

    @pl.when(c == 0)
    def _():
        do_chunk(_i32(NFULL), (LASTP // 16) & ~7,
                 LASTP - 16 * ((LASTP // 16) & ~7))


_sc_fused = pl.kernel(
    _fused_body,
    out_type=jax.ShapeDtypeStruct((NLP, PW), _f32),
    mesh=_mesh,
    compiler_params=_params,
    scratch_types=[
        pltpu.VMEM((EV_T + 16,), _i32),
        pltpu.VMEM((NBLK, BLK), _i32),
        pltpu.VMEM((NBLK, BLK), _i32),
        pltpu.VMEM((BLK, PW), _f32),
        pltpu.VMEM((BLK, PW), _f32),
        pltpu.VMEM((BLK, PW), _f32),
        pltpu.VMEM((1, BLK), _i32),
        pltpu.VMEM((1, BLK), _i32),
        pltpu.VMEM((1, BLK), _i32),
        pltpu.SMEM((64,), _i32),
        pltpu.VMEM_SHARED((ACC_ROWS, PW), _f32),
        pltpu.VMEM_SHARED((ACC_ROWS, PW), _f32),
        pltpu.SemaphoreType.DMA,
        pltpu.SemaphoreType.DMA,
        pltpu.SemaphoreType.DMA,
    ],
)


def kernel(W_C_to_L, W_L_to_P, idx, concept, phon):
    idx = idx.astype(_i32)
    w0p = W_C_to_L.reshape(NLP, PW)
    wlpp = W_L_to_P.reshape(NLP, PW)
    hi = (idx & 1)[:, None] == 1
    lc = concept * _f32(LRC)
    z = jnp.zeros_like(concept)
    c4 = jnp.where(hi, jnp.concatenate([z, lc], axis=1),
                   jnp.concatenate([lc, z], axis=1))
    p4 = jnp.where(hi, jnp.concatenate([z, phon], axis=1),
                   jnp.concatenate([phon, z], axis=1))
    outp = _sc_fused(w0p, wlpp, idx, c4, p4)
    return outp.reshape(NL, CD)

# --- scband reference (transcript-rebuilt; emitter-appended) ---
"""Pipeline reference for scband-lemma-acquisition-module-14242111553584 (READ-ONLY COPY).

The authoritative reference and input builder live on the scoring server;
editing this copy changes nothing except your own understanding.
"""

import jax, jax.numpy as jnp
import numpy as np

N_LEMMAS = 100000
N_CONCEPTS = 64
D_PHON = 64
B = 16384
LR = 0.05
THETA_A = 0.3


def setup_inputs(seed: int = 0) -> dict:
    key = jax.random.key(seed)
    k1, k2, k3, k4, k5 = jax.random.split(key, 5)
    # Substrate matrices (owned outside the optimizer; mutated by scatter writes)
    W_C_to_L = jax.random.normal(k1, (N_LEMMAS, N_CONCEPTS), dtype=jnp.float32) * 0.02
    W_L_to_P = jax.random.normal(k2, (N_LEMMAS, D_PHON), dtype=jnp.float32) * 0.02
    # Lemma slot indices targeted by this batch of acquisition/reinforcement events
    idx = jax.random.randint(k3, (B,), 0, N_LEMMAS)
    # Concept vectors and phonological codes for each event
    concept = jax.random.normal(k4, (B, N_CONCEPTS), dtype=jnp.float32)
    phon = jax.random.normal(k5, (B, D_PHON), dtype=jnp.float32)
    return {"W_C_to_L": W_C_to_L, "W_L_to_P": W_L_to_P, "idx": idx, "concept": concept, "phon": phon}


def reference(W_C_to_L, W_L_to_P, idx, concept, phon):
    # Hebbian reinforcement step on the concept->lemma matrix (reinforce_row):
    # scatter-add of lr-scaled concept vectors into the targeted rows.
    wcl = W_C_to_L.at[idx].add(LR * concept)
    # Lemma activation readout (select_lemma_for_production / confirm gating):
    # gather the updated rows and compute the activation against the concept cue.
    gathered = jnp.take(wcl, idx, axis=0)
    act = jnp.sum(gathered * concept, axis=-1)
    # DA / activation threshold gate (theta_a): only sufficiently active lemmas
    # receive the lemma->phonology reinforcement write.
    gate = (act > THETA_A).astype(jnp.float32)
    # Gated Hebbian scatter-add into the lemma->phonology matrix (write_row/reinforce_row)
    wlp = W_L_to_P.at[idx].add(LR * gate[:, None] * phon)
    return wlp

if __name__ == "__main__":
    import jax
    _d = setup_inputs()
    print(jax.jit(kernel)(*tuple(_d.values())))

</pallas_src>

<mosaic_0001>
#map = affine_map<(d0, d1) -> (0, 0)>
#map1 = affine_map<(d0, d1) -> (0)>
module attributes {stable_mosaic.version = 14 : i64} {
  func.func @_fused_body(%arg0: i32, %arg1: i32, %arg2: memref<50000x128xf32, #tpu.memory_space<hbm>>, %arg3: memref<50000x128xf32, #tpu.memory_space<hbm>>, %arg4: memref<16384xi32, #tpu.memory_space<hbm>>, %arg5: memref<16384x128xf32, #tpu.memory_space<hbm>>, %arg6: memref<16384x128xf32, #tpu.memory_space<hbm>>, %arg7: memref<50000x128xf32, #tpu.memory_space<hbm>>, %arg8: memref<1040xi32, #tpu.memory_space<vmem>>, %arg9: memref<16x64xi32, #tpu.memory_space<vmem>>, %arg10: memref<16x64xi32, #tpu.memory_space<vmem>>, %arg11: memref<64x128xf32, #tpu.memory_space<vmem>>, %arg12: memref<64x128xf32, #tpu.memory_space<vmem>>, %arg13: memref<64x128xf32, #tpu.memory_space<vmem>>, %arg14: memref<1x64xi32, #tpu.memory_space<vmem>>, %arg15: memref<1x64xi32, #tpu.memory_space<vmem>>, %arg16: memref<1x64xi32, #tpu.memory_space<vmem>>, %arg17: memref<64xi32, #tpu.memory_space<smem>>, %arg18: memref<4224x128xf32, #tpu.memory_space<vmem_shared>>, %arg19: memref<4224x128xf32, #tpu.memory_space<vmem_shared>>, %arg20: memref<!tpu.dma_semaphore, #tpu.memory_space<semaphore_mem>>, %arg21: memref<!tpu.dma_semaphore, #tpu.memory_space<semaphore_mem>>, %arg22: memref<!tpu.dma_semaphore, #tpu.memory_space<semaphore_mem>>) attributes {dimension_semantics = [#tpu.dimension_semantics<core_parallel>, #tpu.dimension_semantics<subcore_parallel>], iteration_bounds = array<i64: 2, 16>, scalar_prefetch = 0 : i64, scratch_operands = 15 : i64, tpu.core_type = #tpu.core_type<sc_vector_subcore>, window_params = [{transform_indices = #map}, {transform_indices = #map}, {transform_indices = #map1}, {transform_indices = #map}, {transform_indices = #map}, {transform_indices = #map}]} {
    %mul3A = arith.constant 1024 : i32
    %mul3A_0 = arith.muli %arg1, %mul3A : i32
    %iota3A = tpu.iota {dimensions = array<i32: 0>} : vector<16xi32>
    "tpu.region"() ({
      %run_scoped3A = tpu.sem_alloc : memref<!tpu.dma_semaphore, #tpu.memory_space<semaphore_mem>>
      %dma_start3A = arith.constant 0 : i32
      %dma_start3A_130 = tpu.memref_slice %arg8[%dma_start3A] : memref<1040xi32, #tpu.memory_space<vmem>> -> memref<1024xi32, #tpu.memory_space<vmem>>
      %dma_start3A_131 = tpu.memref_slice %arg4[%mul3A_0] : memref<16384xi32, #tpu.memory_space<hbm>> -> memref<1024xi32, #tpu.memory_space<hbm>>
      %dma_start3A_132 = arith.constant 0 : i32
      %dma_start3A_133 = tpu.memref_slice %arg8[%dma_start3A_132] : memref<1040xi32, #tpu.memory_space<vmem>> -> memref<1024xi32, #tpu.memory_space<vmem>>
      %dma_start3A_134 = tpu.memref_slice %arg4[%mul3A_0] : memref<16384xi32, #tpu.memory_space<hbm>> -> memref<1024xi32, #tpu.memory_space<hbm>>
      tpu.enqueue_dma source(%dma_start3A_134 : memref<1024xi32, #tpu.memory_space<hbm>>) target(%dma_start3A_133 : memref<1024xi32, #tpu.memory_space<vmem>>) target_semaphore(%run_scoped3A : memref<!tpu.dma_semaphore, #tpu.memory_space<semaphore_mem>>)
      %dma_wait3A = arith.constant 0 : i32
      %dma_wait3A_135 = tpu.memref_slice %arg8[%dma_wait3A] : memref<1040xi32, #tpu.memory_space<vmem>> -> memref<1024xi32, #tpu.memory_space<vmem>>
      %dma_wait3A_136 = tpu.memref_slice %arg4[%mul3A_0] : memref<16384xi32, #tpu.memory_space<hbm>> -> memref<1024xi32, #tpu.memory_space<hbm>>
      %dma_wait3A_137 = arith.constant 0 : i32
      %dma_wait3A_138 = tpu.memref_slice %arg8[%dma_wait3A_137] : memref<1040xi32, #tpu.memory_space<vmem>> -> memref<1024xi32, #tpu.memory_space<vmem>>
      %dma_wait3A_139 = tpu.memref_slice %arg4[%mul3A_0] : memref<16384xi32, #tpu.memory_space<hbm>> -> memref<1024xi32, #tpu.memory_space<hbm>>
      tpu.wait_dma2 semaphore(%run_scoped3A : memref<!tpu.dma_semaphore, #tpu.memory_space<semaphore_mem>>) src(%dma_wait3A_139 : memref<1024xi32, #tpu.memory_space<hbm>>) dst(%dma_wait3A_138 : memref<1024xi32, #tpu.memory_space<vmem>>)
      tpu.yield
    }) : () -> ()
    %scan3A = arith.constant 0 : i32
    %scan3A_1 = arith.constant 0 : i32
    %scan3A_2 = arith.constant 0 : i32
    %scan3A_3 = arith.constant 0 : i32
    %scan3A_4 = arith.constant 0 : i32
    %scan3A_5 = arith.constant 0 : i32
    %scan3A_6 = arith.constant 0 : i32
    %scan3A_7 = arith.constant 0 : i32
    %scan3A_8 = arith.constant 0 : i32
    %scan3A_9 = arith.constant 0 : i32
    %scan3A_10 = arith.constant 0 : i32
    %scan3A_11 = arith.constant 0 : i32
    %scan3A_12 = arith.constant 0 : i32
    %scan3A_13 = arith.constant 0 : i32
    %scan3A_14 = arith.constant 64 : i32
    %scan3A_15 = arith.addi %scan3A_13, %scan3A_14 : i32
    %scan3A_16 = arith.constant 1 : i32
    %scan3A_17:13 = scf.for %scan3A_130 = %scan3A_13 to %scan3A_15 step %scan3A_16 iter_args(%scan3A_131 = %scan3A, %scan3A_132 = %scan3A_1, %scan3A_133 = %scan3A_2, %scan3A_134 = %scan3A_3, %scan3A_135 = %scan3A_4, %scan3A_136 = %scan3A_5, %scan3A_137 = %scan3A_6, %scan3A_138 = %scan3A_7, %scan3A_139 = %scan3A_8, %scan3A_140 = %scan3A_9, %scan3A_141 = %scan3A_10, %scan3A_142 = %scan3A_11, %scan3A_143 = %scan3A_12) -> (i32, i32, i32, i32, i32, i32, i32, i32, i32, i32, i32, i32, i32)  : i32 {
      %mul3A_144 = arith.constant 16 : i32
      %mul3A_145 = arith.muli %scan3A_130, %mul3A_144 : i32
      %get3A = arith.index_cast %mul3A_145 : i32 to index
      %get3A_146 = tpu.vector_load %arg8[%get3A] {strides = array<i32>} : memref<1040xi32, #tpu.memory_space<vmem>>, vector<16xi32>,
      %shift_right_arithmetic3A = arith.constant 13 : i32
      %shift_right_arithmetic3A_147 = vector.broadcast %shift_right_arithmetic3A : i32 to vector<16xi32>
      %shift_right_arithmetic3A_148 = arith.shrsi %get3A_146, %shift_right_arithmetic3A_147 : vector<16xi32>
      %eq3A_149 = arith.constant 0 : i32
      %eq3A_150 = vector.broadcast %eq3A_149 : i32 to vector<16xi32>
      %eq3A_151 = arith.cmpi eq, %shift_right_arithmetic3A_148, %eq3A_150 : vector<16xi32>
      %jit3A = arith.constant 1 : i32
      %jit3A_152 = arith.constant 0 : i32
      %broadcast_in_dim3A = vector.broadcast %jit3A : i32 to vector<16xi32>
      %broadcast_in_dim3A_153 = vector.broadcast %jit3A_152 : i32 to vector<16xi32>
      %select_n3A = arith.select %eq3A_151, %broadcast_in_dim3A, %broadcast_in_dim3A_153 : vector<16xi1>, vector<16xi32>
      %reduce_sum3A = arith.constant true
      %reduce_sum3A_154 = vector.broadcast %reduce_sum3A : i1 to vector<16xi1>
      %reduce_sum3A_155 = tpu.scan <sum>, %select_n3A masked %reduce_sum3A_154 : vector<16xi32>, vector<16xi1> -> vector<16xi32>
      %reduce_sum3A_156 = vector.extract %reduce_sum3A_155[15] : i32 from vector<16xi32>
      %add3A_157 = arith.addi %scan3A_131, %reduce_sum3A_156 : i32
      %eq3A_158 = arith.constant 1 : i32
      %eq3A_159 = vector.broadcast %eq3A_158 : i32 to vector<16xi32>
      %eq3A_160 = arith.cmpi eq, %shift_right_arithmetic3A_148, %eq3A_159 : vector<16xi32>
      %jit3A_161 = arith.constant 1 : i32
      %jit3A_162 = arith.constant 0 : i32
      %broadcast_in_dim3A_163 = vector.broadcast %jit3A_161 : i32 to vector<16xi32>
      %broadcast_in_dim3A_164 = vector.broadcast %jit3A_162 : i32 to vector<16xi32>
      %select_n3A_165 = arith.select %eq3A_160, %broadcast_in_dim3A_163, %broadcast_in_dim3A_164 : vector<16xi1>, vector<16xi32>
      %reduce_sum3A_166 = arith.constant true
      %reduce_sum3A_167 = vector.broadcast %reduce_sum3A_166 : i1 to vector<16xi1>
      %reduce_sum3A_168 = tpu.scan <sum>, %select_n3A_165 masked %reduce_sum3A_167 : vector<16xi32>, vector<16xi1> -> vector<16xi32>
      %reduce_sum3A_169 = vector.extract %reduce_sum3A_168[15] : i32 from vector<16xi32>
      %add3A_170 = arith.addi %scan3A_132, %reduce_sum3A_169 : i32
      %eq3A_171 = arith.constant 2 : i32
      %eq3A_172 = vector.broadcast %eq3A_171 : i32 to vector<16xi32>
      %eq3A_173 = arith.cmpi eq, %shift_right_arithmetic3A_148, %eq3A_172 : vector<16xi32>
      %jit3A_174 = arith.constant 1 : i32
      %jit3A_175 = arith.constant 0 : i32
      %broadcast_in_dim3A_176 = vector.broadcast %jit3A_174 : i32 to vector<16xi32>
      %broadcast_in_dim3A_177 = vector.broadcast %jit3A_175 : i32 to vector<16xi32>
      %select_n3A_178 = arith.select %eq3A_173, %broadcast_in_dim3A_176, %broadcast_in_dim3A_177 : vector<16xi1>, vector<16xi32>
      %reduce_sum3A_179 = arith.constant true
      %reduce_sum3A_180 = vector.broadcast %reduce_sum3A_179 : i1 to vector<16xi1>
      %reduce_sum3A_181 = tpu.scan <sum>, %select_n3A_178 masked %reduce_sum3A_180 : vector<16xi32>, vector<16xi1> -> vector<16xi32>
      %reduce_sum3A_182 = vector.extract %reduce_sum3A_181[15] : i32 from vector<16xi32>
      %add3A_183 = arith.addi %scan3A_133, %reduce_sum3A_182 : i32
      %eq3A_184 = arith.constant 3 : i32
      %eq3A_185 = vector.broadcast %eq3A_184 : i32 to vector<16xi32>
      %eq3A_186 = arith.cmpi eq, %shift_right_arithmetic3A_148, %eq3A_185 : vector<16xi32>
      %jit3A_187 = arith.constant 1 : i32
      %jit3A_188 = arith.constant 0 : i32
      %broadcast_in_dim3A_189 = vector.broadcast %jit3A_187 : i32 to vector<16xi32>
      %broadcast_in_dim3A_190 = vector.broadcast %jit3A_188 : i32 to vector<16xi32>
      %select_n3A_191 = arith.select %eq3A_186, %broadcast_in_dim3A_189, %broadcast_in_dim3A_190 : vector<16xi1>, vector<16xi32>
      %reduce_sum3A_192 = arith.constant true
      %reduce_sum3A_193 = vector.broadcast %reduce_sum3A_192 : i1 to vector<16xi1>
      %reduce_sum3A_194 = tpu.scan <sum>, %select_n3A_191 masked %reduce_sum3A_193 : vector<16xi32>, vector<16xi1> -> vector<16xi32>
      %reduce_sum3A_195 = vector.extract %reduce_sum3A_194[15] : i32 from vector<16xi32>
      %add3A_196 = arith.addi %scan3A_134, %reduce_sum3A_195 : i32
      %eq3A_197 = arith.constant 4 : i32
      %eq3A_198 = vector.broadcast %eq3A_197 : i32 to vector<16xi32>
      %eq3A_199 = arith.cmpi eq, %shift_right_arithmetic3A_148, %eq3A_198 : vector<16xi32>
      %jit3A_200 = arith.constant 1 : i32
      %jit3A_201 = arith.constant 0 : i32
      %broadcast_in_dim3A_202 = vector.broadcast %jit3A_200 : i32 to vector<16xi32>
      %broadcast_in_dim3A_203 = vector.broadcast %jit3A_201 : i32 to vector<16xi32>
      %select_n3A_204 = arith.select %eq3A_199, %broadcast_in_dim3A_202, %broadcast_in_dim3A_203 : vector<16xi1>, vector<16xi32>
      %reduce_sum3A_205 = arith.constant true
      %reduce_sum3A_206 = vector.broadcast %reduce_sum3A_205 : i1 to vector<16xi1>
      %reduce_sum3A_207 = tpu.scan <sum>, %select_n3A_204 masked %reduce_sum3A_206 : vector<16xi32>, vector<16xi1> -> vector<16xi32>
      %reduce_sum3A_208 = vector.extract %reduce_sum3A_207[15] : i32 from vector<16xi32>
      %add3A_209 = arith.addi %scan3A_135, %reduce_sum3A_208 : i32
      %eq3A_210 = arith.constant 5 : i32
      %eq3A_211 = vector.broadcast %eq3A_210 : i32 to vector<16xi32>
      %eq3A_212 = arith.cmpi eq, %shift_right_arithmetic3A_148, %eq3A_211 : vector<16xi32>
      %jit3A_213 = arith.constant 1 : i32
      %jit3A_214 = arith.constant 0 : i32
      %broadcast_in_dim3A_215 = vector.broadcast %jit3A_213 : i32 to vector<16xi32>
      %broadcast_in_dim3A_216 = vector.broadcast %jit3A_214 : i32 to vector<16xi32>
      %select_n3A_217 = arith.select %eq3A_212, %broadcast_in_dim3A_215, %broadcast_in_dim3A_216 : vector<16xi1>, vector<16xi32>
      %reduce_sum3A_218 = arith.constant true
      %reduce_sum3A_219 = vector.broadcast %reduce_sum3A_218 : i1 to vector<16xi1>
      %reduce_sum3A_220 = tpu.scan <sum>, %select_n3A_217 masked %reduce_sum3A_219 : vector<16xi32>, vector<16xi1> -> vector<16xi32>
      %reduce_sum3A_221 = vector.extract %reduce_sum3A_220[15] : i32 from vector<16xi32>
      %add3A_222 = arith.addi %scan3A_136, %reduce_sum3A_221 : i32
      %eq3A_223 = arith.constant 6 : i32
      %eq3A_224 = vector.broadcast %eq3A_223 : i32 to vector<16xi32>
      %eq3A_225 = arith.cmpi eq, %shift_right_arithmetic3A_148, %eq3A_224 : vector<16xi32>
      %jit3A_226 = arith.constant 1 : i32
      %jit3A_227 = arith.constant 0 : i32
      %broadcast_in_dim3A_228 = vector.broadcast %jit3A_226 : i32 to vector<16xi32>
      %broadcast_in_dim3A_229 = vector.broadcast %jit3A_227 : i32 to vector<16xi32>
      %select_n3A_230 = arith.select %eq3A_225, %broadcast_in_dim3A_228, %broadcast_in_dim3A_229 : vector<16xi1>, vector<16xi32>
      %reduce_sum3A_231 = arith.constant true
      %reduce_sum3A_232 = vector.broadcast %reduce_sum3A_231 : i1 to vector<16xi1>
      %reduce_sum3A_233 = tpu.scan <sum>, %select_n3A_230 masked %reduce_sum3A_232 : vector<16xi32>, vector<16xi1> -> vector<16xi32>
      %reduce_sum3A_234 = vector.extract %reduce_sum3A_233[15] : i32 from vector<16xi32>
      %add3A_235 = arith.addi %scan3A_137, %reduce_sum3A_234 : i32
      %eq3A_236 = arith.constant 7 : i32
      %eq3A_237 = vector.broadcast %eq3A_236 : i32 to vector<16xi32>
      %eq3A_238 = arith.cmpi eq, %shift_right_arithmetic3A_148, %eq3A_237 : vector<16xi32>
      %jit3A_239 = arith.constant 1 : i32
      %jit3A_240 = arith.constant 0 : i32
      %broadcast_in_dim3A_241 = vector.broadcast %jit3A_239 : i32 to vector<16xi32>
      %broadcast_in_dim3A_242 = vector.broadcast %jit3A_240 : i32 to vector<16xi32>
      %select_n3A_243 = arith.select %eq3A_238, %broadcast_in_dim3A_241, %broadcast_in_dim3A_242 : vector<16xi1>, vector<16xi32>
      %reduce_sum3A_244 = arith.constant true
      %reduce_sum3A_245 = vector.broadcast %reduce_sum3A_244 : i1 to vector<16xi1>
      %reduce_sum3A_246 = tpu.scan <sum>, %select_n3A_243 masked %reduce_sum3A_245 : vector<16xi32>, vector<16xi1> -> vector<16xi32>
      %reduce_sum3A_247 = vector.extract %reduce_sum3A_246[15] : i32 from vector<16xi32>
      %add3A_248 = arith.addi %scan3A_138, %reduce_sum3A_247 : i32
      %eq3A_249 = arith.constant 8 : i32
      %eq3A_250 = vector.broadcast %eq3A_249 : i32 to vector<16xi32>
      %eq3A_251 = arith.cmpi eq, %shift_right_arithmetic3A_148, %eq3A_250 : vector<16xi32>
      %jit3A_252 = arith.constant 1 : i32
      %jit3A_253 = arith.constant 0 : i32
      %broadcast_in_dim3A_254 = vector.broadcast %jit3A_252 : i32 to vector<16xi32>
      %broadcast_in_dim3A_255 = vector.broadcast %jit3A_253 : i32 to vector<16xi32>
      %select_n3A_256 = arith.select %eq3A_251, %broadcast_in_dim3A_254, %broadcast_in_dim3A_255 : vector<16xi1>, vector<16xi32>
      %reduce_sum3A_257 = arith.constant true
      %reduce_sum3A_258 = vector.broadcast %reduce_sum3A_257 : i1 to vector<16xi1>
      %reduce_sum3A_259 = tpu.scan <sum>, %select_n3A_256 masked %reduce_sum3A_258 : vector<16xi32>, vector<16xi1> -> vector<16xi32>
      %reduce_sum3A_260 = vector.extract %reduce_sum3A_259[15] : i32 from vector<16xi32>
      %add3A_261 = arith.addi %scan3A_139, %reduce_sum3A_260 : i32
      %eq3A_262 = arith.constant 9 : i32
      %eq3A_263 = vector.broadcast %eq3A_262 : i32 to vector<16xi32>
      %eq3A_264 = arith.cmpi eq, %shift_right_arithmetic3A_148, %eq3A_263 : vector<16xi32>
      %jit3A_265 = arith.constant 1 : i32
      %jit3A_266 = arith.constant 0 : i32
      %broadcast_in_dim3A_267 = vector.broadcast %jit3A_265 : i32 to vector<16xi32>
      %broadcast_in_dim3A_268 = vector.broadcast %jit3A_266 : i32 to vector<16xi32>
      %select_n3A_269 = arith.select %eq3A_264, %broadcast_in_dim3A_267, %broadcast_in_dim3A_268 : vector<16xi1>, vector<16xi32>
      %reduce_sum3A_270 = arith.constant true
      %reduce_sum3A_271 = vector.broadcast %reduce_sum3A_270 : i1 to vector<16xi1>
      %reduce_sum3A_272 = tpu.scan <sum>, %select_n3A_269 masked %reduce_sum3A_271 : vector<16xi32>, vector<16xi1> -> vector<16xi32>
      %reduce_sum3A_273 = vector.extract %reduce_sum3A_272[15] : i32 from vector<16xi32>
      %add3A_274 = arith.addi %scan3A_140, %reduce_sum3A_273 : i32
      %eq3A_275 = arith.constant 10 : i32
      %eq3A_276 = vector.broadcast %eq3A_275 : i32 to vector<16xi32>
      %eq3A_277 = arith.cmpi eq, %shift_right_arithmetic3A_148, %eq3A_276 : vector<16xi32>
      %jit3A_278 = arith.constant 1 : i32
      %jit3A_279 = arith.constant 0 : i32
      %broadcast_in_dim3A_280 = vector.broadcast %jit3A_278 : i32 to vector<16xi32>
      %broadcast_in_dim3A_281 = vector.broadcast %jit3A_279 : i32 to vector<16xi32>
      %select_n3A_282 = arith.select %eq3A_277, %broadcast_in_dim3A_280, %broadcast_in_dim3A_281 : vector<16xi1>, vector<16xi32>
      %reduce_sum3A_283 = arith.constant true
      %reduce_sum3A_284 = vector.broadcast %reduce_sum3A_283 : i1 to vector<16xi1>
      %reduce_sum3A_285 = tpu.scan <sum>, %select_n3A_282 masked %reduce_sum3A_284 : vector<16xi32>, vector<16xi1> -> vector<16xi32>
      %reduce_sum3A_286 = vector.extract %reduce_sum3A_285[15] : i32 from vector<16xi32>
      %add3A_287 = arith.addi %scan3A_141, %reduce_sum3A_286 : i32
      %eq3A_288 = arith.constant 11 : i32
      %eq3A_289 = vector.broadcast %eq3A_288 : i32 to vector<16xi32>
      %eq3A_290 = arith.cmpi eq, %shift_right_arithmetic3A_148, %eq3A_289 : vector<16xi32>
      %jit3A_291 = arith.constant 1 : i32
      %jit3A_292 = arith.constant 0 : i32
      %broadcast_in_dim3A_293 = vector.broadcast %jit3A_291 : i32 to vector<16xi32>
      %broadcast_in_dim3A_294 = vector.broadcast %jit3A_292 : i32 to vector<16xi32>
      %select_n3A_295 = arith.select %eq3A_290, %broadcast_in_dim3A_293, %broadcast_in_dim3A_294 : vector<16xi1>, vector<16xi32>
      %reduce_sum3A_296 = arith.constant true
      %reduce_sum3A_297 = vector.broadcast %reduce_sum3A_296 : i1 to vector<16xi1>
      %reduce_sum3A_298 = tpu.scan <sum>, %select_n3A_295 masked %reduce_sum3A_297 : vector<16xi32>, vector<16xi1> -> vector<16xi32>
      %reduce_sum3A_299 = vector.extract %reduce_sum3A_298[15] : i32 from vector<16xi32>
      %add3A_300 = arith.addi %scan3A_142, %reduce_sum3A_299 : i32
      %eq3A_301 = arith.constant 12 : i32
      %eq3A_302 = vector.broadcast %eq3A_301 : i32 to vector<16xi32>
      %eq3A_303 = arith.cmpi eq, %shift_right_arithmetic3A_148, %eq3A_302 : vector<16xi32>
      %jit3A_304 = arith.constant 1 : i32
      %jit3A_305 = arith.constant 0 : i32
      %broadcast_in_dim3A_306 = vector.broadcast %jit3A_304 : i32 to vector<16xi32>
      %broadcast_in_dim3A_307 = vector.broadcast %jit3A_305 : i32 to vector<16xi32>
      %select_n3A_308 = arith.select %eq3A_303, %broadcast_in_dim3A_306, %broadcast_in_dim3A_307 : vector<16xi1>, vector<16xi32>
      %reduce_sum3A_309 = arith.constant true
      %reduce_sum3A_310 = vector.broadcast %reduce_sum3A_309 : i1 to vector<16xi1>
      %reduce_sum3A_311 = tpu.scan <sum>, %select_n3A_308 masked %reduce_sum3A_310 : vector<16xi32>, vector<16xi1> -> vector<16xi32>
      %reduce_sum3A_312 = vector.extract %reduce_sum3A_311[15] : i32 from vector<16xi32>
      %add3A_313 = arith.addi %scan3A_143, %reduce_sum3A_312 : i32
      scf.yield %add3A_157, %add3A_170, %add3A_183, %add3A_196, %add3A_209, %add3A_222, %add3A_235, %add3A_248, %add3A_261, %add3A_274, %add3A_287, %add3A_300, %add3A_313 : i32, i32, i32, i32, i32, i32, i32, i32, i32, i32, i32, i32, i32
    }
    %scan3A_18 = arith.constant 64 : i32
    %swap3A = arith.constant 0 : i32
    %swap3A_19 = arith.constant 0 : i32
    %swap3A_20 = arith.index_cast %swap3A_19 : i32 to index
    %swap3A_21 = memref.load %arg17[%swap3A_20] : memref<64xi32, #tpu.memory_space<smem>>
    memref.store %swap3A, %arg17[%swap3A_20] : memref<64xi32, #tpu.memory_space<smem>>
    %swap3A_22 = arith.constant 0 : i32
    %swap3A_23 = arith.constant 32 : i32
    %swap3A_24 = arith.index_cast %swap3A_23 : i32 to index
    %swap3A_25 = memref.load %arg17[%swap3A_24] : memref<64xi32, #tpu.memory_space<smem>>
    memref.store %swap3A_22, %arg17[%swap3A_24] : memref<64xi32, #tpu.memory_space<smem>>
    %add3A = arith.constant 0 : i32
    %add3A_26 = arith.addi %add3A, %scan3A_17#0 : i32
    %swap3A_27 = arith.constant 1 : i32
    %swap3A_28 = arith.index_cast %swap3A_27 : i32 to index
    %swap3A_29 = memref.load %arg17[%swap3A_28] : memref<64xi32, #tpu.memory_space<smem>>
    memref.store %add3A_26, %arg17[%swap3A_28] : memref<64xi32, #tpu.memory_space<smem>>
    %swap3A_30 = arith.constant 33 : i32
    %swap3A_31 = arith.index_cast %swap3A_30 : i32 to index
    %swap3A_32 = memref.load %arg17[%swap3A_31] : memref<64xi32, #tpu.memory_space<smem>>
    memref.store %add3A_26, %arg17[%swap3A_31] : memref<64xi32, #tpu.memory_space<smem>>
    %add3A_33 = arith.addi %add3A_26, %scan3A_17#1 : i32
    %swap3A_34 = arith.constant 2 : i32
    %swap3A_35 = arith.index_cast %swap3A_34 : i32 to index
    %swap3A_36 = memref.load %arg17[%swap3A_35] : memref<64xi32, #tpu.memory_space<smem>>
    memref.store %add3A_33, %arg17[%swap3A_35] : memref<64xi32, #tpu.memory_space<smem>>
    %swap3A_37 = arith.constant 34 : i32
    %swap3A_38 = arith.index_cast %swap3A_37 : i32 to index
    %swap3A_39 = memref.load %arg17[%swap3A_38] : memref<64xi32, #tpu.memory_space<smem>>
    memref.store %add3A_33, %arg17[%swap3A_38] : memref<64xi32, #tpu.memory_space<smem>>
    %add3A_40 = arith.addi %add3A_33, %scan3A_17#2 : i32
    %swap3A_41 = arith.constant 3 : i32
    %swap3A_42 = arith.index_cast %swap3A_41 : i32 to index
    %swap3A_43 = memref.load %arg17[%swap3A_42] : memref<64xi32, #tpu.memory_space<smem>>
    memref.store %add3A_40, %arg17[%swap3A_42] : memref<64xi32, #tpu.memory_space<smem>>
    %swap3A_44 = arith.constant 35 : i32
    %swap3A_45 = arith.index_cast %swap3A_44 : i32 to index
    %swap3A_46 = memref.load %arg17[%swap3A_45] : memref<64xi32, #tpu.memory_space<smem>>
    memref.store %add3A_40, %arg17[%swap3A_45] : memref<64xi32, #tpu.memory_space<smem>>
    %add3A_47 = arith.addi %add3A_40, %scan3A_17#3 : i32
    %swap3A_48 = arith.constant 4 : i32
    %swap3A_49 = arith.index_cast %swap3A_48 : i32 to index
    %swap3A_50 = memref.load %arg17[%swap3A_49] : memref<64xi32, #tpu.memory_space<smem>>
    memref.store %add3A_47, %arg17[%swap3A_49] : memref<64xi32, #tpu.memory_space<smem>>
    %swap3A_51 = arith.constant 36 : i32
    %swap3A_52 = arith.index_cast %swap3A_51 : i32 to index
    %swap3A_53 = memref.load %arg17[%swap3A_52] : memref<64xi32, #tpu.memory_space<smem>>
    memref.store %add3A_47, %arg17[%swap3A_52] : memref<64xi32, #tpu.memory_space<smem>>
    %add3A_54 = arith.addi %add3A_47, %scan3A_17#4 : i32
    %swap3A_55 = arith.constant 5 : i32
    %swap3A_56 = arith.index_cast %swap3A_55 : i32 to index
    %swap3A_57 = memref.load %arg17[%swap3A_56] : memref<64xi32, #tpu.memory_space<smem>>
    memref.store %add3A_54, %arg17[%swap3A_56] : memref<64xi32, #tpu.memory_space<smem>>
    %swap3A_58 = arith.constant 37 : i32
    %swap3A_59 = arith.index_cast %swap3A_58 : i32 to index
    %swap3A_60 = memref.load %arg17[%swap3A_59] : memref<64xi32, #tpu.memory_space<smem>>
    memref.store %add3A_54, %arg17[%swap3A_59] : memref<64xi32, #tpu.memory_space<smem>>
    %add3A_61 = arith.addi %add3A_54, %scan3A_17#5 : i32
    %swap3A_62 = arith.constant 6 : i32
    %swap3A_63 = arith.index_cast %swap3A_62 : i32 to index
    %swap3A_64 = memref.load %arg17[%swap3A_63] : memref<64xi32, #tpu.memory_space<smem>>
    memref.store %add3A_61, %arg17[%swap3A_63] : memref<64xi32, #tpu.memory_space<smem>>
    %swap3A_65 = arith.constant 38 : i32
    %swap3A_66 = arith.index_cast %swap3A_65 : i32 to index
    %swap3A_67 = memref.load %arg17[%swap3A_66] : memref<64xi32, #tpu.memory_space<smem>>
    memref.store %add3A_61, %arg17[%swap3A_66] : memref<64xi32, #tpu.memory_space<smem>>
    %add3A_68 = arith.addi %add3A_61, %scan3A_17#6 : i32
    %swap3A_69 = arith.constant 7 : i32
    %swap3A_70 = arith.index_cast %swap3A_69 : i32 to index
    %swap3A_71 = memref.load %arg17[%swap3A_70] : memref<64xi32, #tpu.memory_space<smem>>
    memref.store %add3A_68, %arg17[%swap3A_70] : memref<64xi32, #tpu.memory_space<smem>>
    %swap3A_72 = arith.constant 39 : i32
    %swap3A_73 = arith.index_cast %swap3A_72 : i32 to index
    %swap3A_74 = memref.load %arg17[%swap3A_73] : memref<64xi32, #tpu.memory_space<smem>>
    memref.store %add3A_68, %arg17[%swap3A_73] : memref<64xi32, #tpu.memory_space<smem>>
    %add3A_75 = arith.addi %add3A_68, %scan3A_17#7 : i32
    %swap3A_76 = arith.constant 8 : i32
    %swap3A_77 = arith.index_cast %swap3A_76 : i32 to index
    %swap3A_78 = memref.load %arg17[%swap3A_77] : memref<64xi32, #tpu.memory_space<smem>>
    memref.store %add3A_75, %arg17[%swap3A_77] : memref<64xi32, #tpu.memory_space<smem>>
    %swap3A_79 = arith.constant 40 : i32
    %swap3A_80 = arith.index_cast %swap3A_79 : i32 to index
    %swap3A_81 = memref.load %arg17[%swap3A_80] : memref<64xi32, #tpu.memory_space<smem>>
    memref.store %add3A_75, %arg17[%swap3A_80] : memref<64xi32, #tpu.memory_space<smem>>
    %add3A_82 = arith.addi %add3A_75, %scan3A_17#8 : i32
    %swap3A_83 = arith.constant 9 : i32
    %swap3A_84 = arith.index_cast %swap3A_83 : i32 to index
    %swap3A_85 = memref.load %arg17[%swap3A_84] : memref<64xi32, #tpu.memory_space<smem>>
    memref.store %add3A_82, %arg17[%swap3A_84] : memref<64xi32, #tpu.memory_space<smem>>
    %swap3A_86 = arith.constant 41 : i32
    %swap3A_87 = arith.index_cast %swap3A_86 : i32 to index
    %swap3A_88 = memref.load %arg17[%swap3A_87] : memref<64xi32, #tpu.memory_space<smem>>
    memref.store %add3A_82, %arg17[%swap3A_87] : memref<64xi32, #tpu.memory_space<smem>>
    %add3A_89 = arith.addi %add3A_82, %scan3A_17#9 : i32
    %swap3A_90 = arith.constant 10 : i32
    %swap3A_91 = arith.index_cast %swap3A_90 : i32 to index
    %swap3A_92 = memref.load %arg17[%swap3A_91] : memref<64xi32, #tpu.memory_space<smem>>
    memref.store %add3A_89, %arg17[%swap3A_91] : memref<64xi32, #tpu.memory_space<smem>>
    %swap3A_93 = arith.constant 42 : i32
    %swap3A_94 = arith.index_cast %swap3A_93 : i32 to index
    %swap3A_95 = memref.load %arg17[%swap3A_94] : memref<64xi32, #tpu.memory_space<smem>>
    memref.store %add3A_89, %arg17[%swap3A_94] : memref<64xi32, #tpu.memory_space<smem>>
    %add3A_96 = arith.addi %add3A_89, %scan3A_17#10 : i32
    %swap3A_97 = arith.constant 11 : i32
    %swap3A_98 = arith.index_cast %swap3A_97 : i32 to index
    %swap3A_99 = memref.load %arg17[%swap3A_98] : memref<64xi32, #tpu.memory_space<smem>>
    memref.store %add3A_96, %arg17[%swap3A_98] : memref<64xi32, #tpu.memory_space<smem>>
    %swap3A_100 = arith.constant 43 : i32
    %swap3A_101 = arith.index_cast %swap3A_100 : i32 to index
    %swap3A_102 = memref.load %arg17[%swap3A_101] : memref<64xi32, #tpu.memory_space<smem>>
    memref.store %add3A_96, %arg17[%swap3A_101] : memref<64xi32, #tpu.memory_space<smem>>
    %add3A_103 = arith.addi %add3A_96, %scan3A_17#11 : i32
    %swap3A_104 = arith.constant 12 : i32
    %swap3A_105 = arith.index_cast %swap3A_104 : i32 to index
    %swap3A_106 = memref.load %arg17[%swap3A_105] : memref<64xi32, #tpu.memory_space<smem>>
    memref.store %add3A_103, %arg17[%swap3A_105] : memref<64xi32, #tpu.memory_space<smem>>
    %swap3A_107 = arith.constant 44 : i32
    %swap3A_108 = arith.index_cast %swap3A_107 : i32 to index
    %swap3A_109 = memref.load %arg17[%swap3A_108] : memref<64xi32, #tpu.memory_space<smem>>
    memref.store %add3A_103, %arg17[%swap3A_108] : memref<64xi32, #tpu.memory_space<smem>>
    %add3A_110 = arith.addi %add3A_103, %scan3A_17#12 : i32
    %eq3A = arith.constant 0 : i32
    %eq3A_111 = vector.broadcast %eq3A : i32 to vector<16xi32>
    %eq3A_112 = arith.cmpi eq, %iota3A, %eq3A_111 : vector<16xi32>
    %scan3A_113 = arith.constant 0 : i32
    %scan3A_114 = arith.constant 0 : i32
    %scan3A_115 = arith.constant 1024 : i32
    %scan3A_116 = arith.addi %scan3A_114, %scan3A_115 : i32
    %scan3A_117 = arith.constant 1 : i32
    %scan3A_118 = scf.for %scan3A_130 = %scan3A_114 to %scan3A_116 step %scan3A_117 iter_args(%scan3A_131 = %scan3A_113) -> (i32)  : i32 {
      %get3A = arith.index_cast %scan3A_130 : i32 to index
      %get3A_132 = tpu.vector_load %arg8[%get3A] {strides = array<i32>} : memref<1040xi32, #tpu.memory_space<vmem>>, vector<16xi32>,
      %slice3A = vector.extract_strided_slice %get3A_132 {offsets = [0], sizes = [1], strides = [1]} : vector<16xi32> to vector<1xi32>
      %squeeze3A = vector.extract %slice3A[0] : i32 from vector<1xi32>
      %shift_right_arithmetic3A = arith.constant 13 : i32
      %shift_right_arithmetic3A_133 = arith.shrsi %squeeze3A, %shift_right_arithmetic3A : i32
      %add3A_134 = arith.constant 32 : i32
      %add3A_135 = arith.addi %add3A_134, %shift_right_arithmetic3A_133 : i32
      %get3A_136 = arith.index_cast %add3A_135 : i32 to index
      %get3A_137 = memref.load %arg17[%get3A_136] : memref<64xi32, #tpu.memory_space<smem>>
      %add3A_138 = arith.constant 1 : i32
      %add3A_139 = arith.addi %get3A_137, %add3A_138 : i32
      %add3A_140 = arith.constant 32 : i32
      %add3A_141 = arith.addi %add3A_140, %shift_right_arithmetic3A_133 : i32
      %swap3A_142 = arith.index_cast %add3A_141 : i32 to index
      %swap3A_143 = memref.load %arg17[%swap3A_142] : memref<64xi32, #tpu.memory_space<smem>>
      memref.store %add3A_139, %arg17[%swap3A_142] : memref<64xi32, #tpu.memory_space<smem>>
      %shift_right_arithmetic3A_144 = arith.constant 6 : i32
      %shift_right_arithmetic3A_145 = arith.shrsi %get3A_137, %shift_right_arithmetic3A_144 : i32
      %broadcast_in_dim3A = vector.broadcast %shift_right_arithmetic3A_145 : i32 to vector<16xi32>
      %and3A = arith.constant 63 : i32
      %and3A_146 = arith.andi %get3A_137, %and3A : i32
      %broadcast_in_dim3A_147 = vector.broadcast %and3A_146 : i32 to vector<16xi32>
      %broadcast_in_dim3A_148 = vector.broadcast %squeeze3A : i32 to vector<16xi32>
      tpu.vector_store_idx %arg9[%broadcast_in_dim3A, %broadcast_in_dim3A_147], %broadcast_in_dim3A_148 masked %eq3A_112 : memref<16x64xi32, #tpu.memory_space<vmem>>[vector<16xi32>, vector<16xi32>], vector<16xi32>, vector<16xi1>
      %add3A_149 = arith.addi %mul3A_0, %scan3A_130 : i32
      %broadcast_in_dim3A_150 = vector.broadcast %add3A_149 : i32 to vector<16xi32>
      tpu.vector_store_idx %arg10[%broadcast_in_dim3A, %broadcast_in_dim3A_147], %broadcast_in_dim3A_150 masked %eq3A_112 : memref<16x64xi32, #tpu.memory_space<vmem>>[vector<16xi32>, vector<16xi32>], vector<16xi32>, vector<16xi1>
      %scan3A_151 = arith.constant 0 : i32
      scf.yield %scan3A_151 : i32
    }
    %scan3A_119 = arith.constant 1024 : i32
    %scan3A_120 = arith.constant 0 : i32
    %scan3A_121 = arith.constant 0 : i32
    %scan3A_122 = arith.constant 6 : i32
    %scan3A_123 = arith.addi %scan3A_121, %scan3A_122 : i32
    %scan3A_124 = arith.constant 1 : i32
    %scan3A_125 = scf.for %scan3A_130 = %scan3A_121 to %scan3A_123 step %scan3A_124 iter_args(%scan3A_131 = %scan3A_120) -> (i32)  : i32 {
      %mul3A_132 = arith.constant 2 : i32
      %mul3A_133 = arith.muli %mul3A_132, %scan3A_130 : i32
      %add3A_134 = arith.addi %mul3A_133, %arg0 : i32
      %mul3A_135 = arith.constant 4096 : i32
      %mul3A_136 = arith.muli %add3A_134, %mul3A_135 : i32
      %get3A = arith.index_cast %add3A_134 : i32 to index
      %get3A_137 = memref.load %arg17[%get3A] : memref<64xi32, #tpu.memory_space<smem>>
      %add3A_138 = arith.constant 32 : i32
      %add3A_139 = arith.addi %add3A_138, %add3A_134 : i32
      %get3A_140 = arith.index_cast %add3A_139 : i32 to index
      %get3A_141 = memref.load %arg17[%get3A_140] : memref<64xi32, #tpu.memory_space<smem>>
      %shift_right_arithmetic3A = arith.constant 6 : i32
      %shift_right_arithmetic3A_142 = arith.shrsi %get3A_137, %shift_right_arithmetic3A : i32
      %add3A_143 = arith.constant 64 : i32
      %add3A_144 = arith.addi %get3A_141, %add3A_143 : i32
      %sub3A = arith.constant 1 : i32
      %sub3A_145 = arith.subi %add3A_144, %sub3A : i32
      %shift_right_arithmetic3A_146 = arith.constant 6 : i32
      %shift_right_arithmetic3A_147 = arith.shrsi %sub3A_145, %shift_right_arithmetic3A_146 : i32
      %mul3A_148 = arith.constant 256 : i32
      %mul3A_149 = arith.muli %arg1, %mul3A_148 : i32
      %add3A_150 = arith.addi %mul3A_136, %mul3A_149 : i32
      %mul3A_151 = arith.constant 256 : i32
      %mul3A_152 = arith.muli %arg1, %mul3A_151 : i32
      "tpu.region"() ({
        %run_scoped3A = tpu.sem_alloc : memref<!tpu.dma_semaphore, #tpu.memory_space<semaphore_mem>>
        %dma_start3A = arith.constant 0 : i32
        %dma_start3A_187 = tpu.memref_slice %arg18[%mul3A_152, %dma_start3A] : memref<4224x128xf32, #tpu.memory_space<vmem_shared>> -> memref<256x128xf32, #tpu.memory_space<vmem_shared>>
        %dma_start3A_188 = arith.constant 0 : i32
        %dma_start3A_189 = tpu.memref_slice %arg2[%add3A_150, %dma_start3A_188] : memref<50000x128xf32, #tpu.memory_space<hbm>> -> memref<256x128xf32, #tpu.memory_space<hbm>>
        tpu.enqueue_dma source(%dma_start3A_189 : memref<256x128xf32, #tpu.memory_space<hbm>>) target(%dma_start3A_187 : memref<256x128xf32, #tpu.memory_space<vmem_shared>>) target_semaphore(%run_scoped3A : memref<!tpu.dma_semaphore, #tpu.memory_space<semaphore_mem>>)
        %dma_wait3A = arith.constant 0 : i32
        %dma_wait3A_190 = tpu.memref_slice %arg18[%mul3A_152, %dma_wait3A] : memref<4224x128xf32, #tpu.memory_space<vmem_shared>> -> memref<256x128xf32, #tpu.memory_space<vmem_shared>>
        %dma_wait3A_191 = arith.constant 0 : i32
        %dma_wait3A_192 = tpu.memref_slice %arg2[%add3A_150, %dma_wait3A_191] : memref<50000x128xf32, #tpu.memory_space<hbm>> -> memref<256x128xf32, #tpu.memory_space<hbm>>
        tpu.wait_dma2 semaphore(%run_scoped3A : memref<!tpu.dma_semaphore, #tpu.memory_space<semaphore_mem>>) src(%dma_wait3A_192 : memref<256x128xf32, #tpu.memory_space<hbm>>) dst(%dma_wait3A_190 : memref<256x128xf32, #tpu.memory_space<vmem_shared>>)
        tpu.yield
      }) : () -> ()
      %mul3A_153 = arith.constant 256 : i32
      %mul3A_154 = arith.muli %arg1, %mul3A_153 : i32
      %add3A_155 = arith.addi %mul3A_136, %mul3A_154 : i32
      %mul3A_156 = arith.constant 256 : i32
      %mul3A_157 = arith.muli %arg1, %mul3A_156 : i32
      "tpu.region"() ({
        %run_scoped3A = tpu.sem_alloc : memref<!tpu.dma_semaphore, #tpu.memory_space<semaphore_mem>>
        %dma_start3A = arith.constant 0 : i32
        %dma_start3A_187 = tpu.memref_slice %arg19[%mul3A_157, %dma_start3A] : memref<4224x128xf32, #tpu.memory_space<vmem_shared>> -> memref<256x128xf32, #tpu.memory_space<vmem_shared>>
        %dma_start3A_188 = arith.constant 0 : i32
        %dma_start3A_189 = tpu.memref_slice %arg3[%add3A_155, %dma_start3A_188] : memref<50000x128xf32, #tpu.memory_space<hbm>> -> memref<256x128xf32, #tpu.memory_space<hbm>>
        tpu.enqueue_dma source(%dma_start3A_189 : memref<256x128xf32, #tpu.memory_space<hbm>>) target(%dma_start3A_187 : memref<256x128xf32, #tpu.memory_space<vmem_shared>>) target_semaphore(%run_scoped3A : memref<!tpu.dma_semaphore, #tpu.memory_space<semaphore_mem>>)
        %dma_wait3A = arith.constant 0 : i32
        %dma_wait3A_190 = tpu.memref_slice %arg19[%mul3A_157, %dma_wait3A] : memref<4224x128xf32, #tpu.memory_space<vmem_shared>> -> memref<256x128xf32, #tpu.memory_space<vmem_shared>>
        %dma_wait3A_191 = arith.constant 0 : i32
        %dma_wait3A_192 = tpu.memref_slice %arg3[%add3A_155, %dma_wait3A_191] : memref<50000x128xf32, #tpu.memory_space<hbm>> -> memref<256x128xf32, #tpu.memory_space<hbm>>
        tpu.wait_dma2 semaphore(%run_scoped3A : memref<!tpu.dma_semaphore, #tpu.memory_space<semaphore_mem>>) src(%dma_wait3A_192 : memref<256x128xf32, #tpu.memory_space<hbm>>) dst(%dma_wait3A_190 : memref<256x128xf32, #tpu.memory_space<vmem_shared>>)
        tpu.yield
      }) : () -> ()
      %barrier3A = arith.constant 0 : index
      tpu.barrier barrier_id(%barrier3A)
      %while3A = arith.constant 0 : i32
      %while3A_158 = arith.subi %shift_right_arithmetic3A_147, %shift_right_arithmetic3A_142 : i32
      %while3A_159 = arith.addi %shift_right_arithmetic3A_142, %while3A_158 : i32
      %while3A_160 = arith.constant 1 : i32
      %while3A_161 = arith.divsi %while3A_158, %while3A_160 : i32
      %while3A_162 = arith.muli %while3A_161, %while3A_160 : i32
      %while3A_163 = arith.addi %shift_right_arithmetic3A_142, %while3A_162 : i32
      %while3A_164 = arith.constant 1 : i32
      %while3A_165 = scf.for %while3A_187 = %shift_right_arithmetic3A_142 to %while3A_163 step %while3A_164 iter_args(%while3A_188 = %while3A) -> (i32)  : i32 {
        %dma_start3A = arith.constant 0 : i32
        %dma_start3A_189 = tpu.memref_slice %arg10[%while3A_187, %dma_start3A] : memref<16x64xi32, #tpu.memory_space<vmem>> -> memref<1x64xi32, #tpu.memory_space<vmem>>
        %dma_start3A_190 = tpu.memref_squeeze %dma_start3A_189 : memref<1x64xi32, #tpu.memory_space<vmem>> -> memref<64xi32, #tpu.memory_space<vmem>>
        %dma_start3A_191 = arith.constant 0 : i32
        %dma_start3A_192 = arith.constant 0 : i32
        %dma_start3A_193 = tpu.memref_slice %arg5[%dma_start3A_191, %dma_start3A_192] : memref<16384x128xf32, #tpu.memory_space<hbm>> -> memref<16384x128xf32, #tpu.memory_space<hbm>>
        tpu.enqueue_indirect_dma source(%dma_start3A_193 : memref<16384x128xf32, #tpu.memory_space<hbm>>) target(%arg11 : memref<64x128xf32, #tpu.memory_space<vmem>>) offsets(%dma_start3A_190 : memref<64xi32, #tpu.memory_space<vmem>>) semaphore(%arg22 : memref<!tpu.dma_semaphore, #tpu.memory_space<semaphore_mem>>)
        %scan3A_194 = arith.constant 0 : i32
        %scan3A_195 = arith.constant 0 : i32
        %scan3A_196 = arith.constant 4 : i32
        %scan3A_197 = arith.addi %scan3A_195, %scan3A_196 : i32
        %scan3A_198 = arith.constant 1 : i32
        %scan3A_199 = scf.for %scan3A_207 = %scan3A_195 to %scan3A_197 step %scan3A_198 iter_args(%scan3A_208 = %scan3A_194) -> (i32)  : i32 {
          %mul3A_209 = arith.constant 16 : i32
          %mul3A_210 = arith.muli %scan3A_207, %mul3A_209 : i32
          %get3A_211 = arith.index_cast %while3A_187 : i32 to index
          %get3A_212 = arith.index_cast %mul3A_210 : i32 to index
          %get3A_213 = tpu.vector_load %arg9[%get3A_211, %get3A_212] {strides = array<i32>} : memref<16x64xi32, #tpu.memory_space<vmem>>, vector<16xi32>,
          %shift_right_arithmetic3A_214 = arith.constant 13 : i32
          %shift_right_arithmetic3A_215 = vector.broadcast %shift_right_arithmetic3A_214 : i32 to vector<16xi32>
          %shift_right_arithmetic3A_216 = arith.shrsi %get3A_213, %shift_right_arithmetic3A_215 : vector<16xi32>
          %eq3A_217 = vector.broadcast %add3A_134 : i32 to vector<16xi32>
          %eq3A_218 = arith.cmpi eq, %shift_right_arithmetic3A_216, %eq3A_217 : vector<16xi32>
          %and3A = arith.constant 8191 : i32
          %and3A_219 = vector.broadcast %and3A : i32 to vector<16xi32>
          %and3A_220 = arith.andi %get3A_213, %and3A_219 : vector<16xi32>
          %shift_right_arithmetic3A_221 = arith.constant 1 : i32
          %shift_right_arithmetic3A_222 = vector.broadcast %shift_right_arithmetic3A_221 : i32 to vector<16xi32>
          %shift_right_arithmetic3A_223 = arith.shrsi %and3A_220, %shift_right_arithmetic3A_222 : vector<16xi32>
          %add3A_224 = arith.addi %get3A_213, %iota3A : vector<16xi32>
          %and3A_225 = arith.constant 127 : i32
          %and3A_226 = vector.broadcast %and3A_225 : i32 to vector<16xi32>
          %and3A_227 = arith.andi %add3A_224, %and3A_226 : vector<16xi32>
          %add3A_228 = arith.constant 4096 : i32
          %add3A_229 = vector.broadcast %add3A_228 : i32 to vector<16xi32>
          %add3A_230 = arith.addi %add3A_229, %and3A_227 : vector<16xi32>
          %select_n3A = arith.select %eq3A_218, %shift_right_arithmetic3A_223, %add3A_230 : vector<16xi1>, vector<16xi32>
          %mul3A_231 = arith.constant 16 : i32
          %mul3A_232 = arith.muli %scan3A_207, %mul3A_231 : i32
          %swap3A_233 = arith.constant 0 : i32
          %swap3A_234 = arith.index_cast %swap3A_233 : i32 to index
          %swap3A_235 = arith.index_cast %mul3A_232 : i32 to index
          %swap3A_236 = tpu.vector_load %arg14[%swap3A_234, %swap3A_235] {strides = array<i32>} : memref<1x64xi32, #tpu.memory_space<vmem>>, vector<16xi32>,
          tpu.vector_store %arg14[%swap3A_234, %swap3A_235], %select_n3A {strides = array<i32>} : memref<1x64xi32, #tpu.memory_space<vmem>>, vector<16xi32>,
          %scan3A_237 = arith.constant 0 : i32
          scf.yield %scan3A_237 : i32
        }
        %scan3A_200 = arith.constant 4 : i32
        %dma_wait3A = arith.constant 0 : i32
        %dma_wait3A_201 = tpu.memref_slice %arg10[%while3A_187, %dma_wait3A] : memref<16x64xi32, #tpu.memory_space<vmem>> -> memref<1x64xi32, #tpu.memory_space<vmem>>
        %dma_wait3A_202 = tpu.memref_squeeze %dma_wait3A_201 : memref<1x64xi32, #tpu.memory_space<vmem>> -> memref<64xi32, #tpu.memory_space<vmem>>
        %dma_wait3A_203 = arith.constant 0 : i32
        %dma_wait3A_204 = arith.constant 0 : i32
        %dma_wait3A_205 = tpu.memref_slice %arg5[%dma_wait3A_203, %dma_wait3A_204] : memref<16384x128xf32, #tpu.memory_space<hbm>> -> memref<16384x128xf32, #tpu.memory_space<hbm>>
        tpu.wait_indirect_dma semaphore(%arg22 : memref<!tpu.dma_semaphore, #tpu.memory_space<semaphore_mem>>) src(%dma_wait3A_205 : memref<16384x128xf32, #tpu.memory_space<hbm>>) dst(%arg11 : memref<64x128xf32, #tpu.memory_space<vmem>>)
        %run_scoped3A = arith.constant 0 : i32
        "tpu.region"() ({
          %run_scoped3A_207 = tpu.sem_alloc : memref<!tpu.dma_semaphore, #tpu.memory_space<semaphore_mem>>
          %dma_start3A_208 = arith.constant 0 : i32
          %dma_start3A_209 = tpu.memref_slice %arg14[%run_scoped3A, %dma_start3A_208] : memref<1x64xi32, #tpu.memory_space<vmem>> -> memref<1x64xi32, #tpu.memory_space<vmem>>
          %dma_start3A_210 = tpu.memref_squeeze %dma_start3A_209 : memref<1x64xi32, #tpu.memory_space<vmem>> -> memref<64xi32, #tpu.memory_space<vmem>>
          %dma_start3A_211 = arith.constant 0 : i32
          %dma_start3A_212 = arith.constant 0 : i32
          %dma_start3A_213 = tpu.memref_slice %arg18[%dma_start3A_211, %dma_start3A_212] : memref<4224x128xf32, #tpu.memory_space<vmem_shared>> -> memref<4224x128xf32, #tpu.memory_space<vmem_shared>>
          tpu.enqueue_indirect_dma source(%arg11 : memref<64x128xf32, #tpu.memory_space<vmem>>) target(%dma_start3A_213 : memref<4224x128xf32, #tpu.memory_space<vmem_shared>>) offsets(%dma_start3A_210 : memref<64xi32, #tpu.memory_space<vmem>>) semaphore(%run_scoped3A_207 : memref<!tpu.dma_semaphore, #tpu.memory_space<semaphore_mem>>) {add = true}
          %dma_wait3A_214 = arith.constant 0 : i32
          %dma_wait3A_215 = tpu.memref_slice %arg14[%run_scoped3A, %dma_wait3A_214] : memref<1x64xi32, #tpu.memory_space<vmem>> -> memref<1x64xi32, #tpu.memory_space<vmem>>
          %dma_wait3A_216 = tpu.memref_squeeze %dma_wait3A_215 : memref<1x64xi32, #tpu.memory_space<vmem>> -> memref<64xi32, #tpu.memory_space<vmem>>
          %dma_wait3A_217 = arith.constant 0 : i32
          %dma_wait3A_218 = arith.constant 0 : i32
          %dma_wait3A_219 = tpu.memref_slice %arg18[%dma_wait3A_217, %dma_wait3A_218] : memref<4224x128xf32, #tpu.memory_space<vmem_shared>> -> memref<4224x128xf32, #tpu.memory_space<vmem_shared>>
          tpu.wait_indirect_dma semaphore(%run_scoped3A_207 : memref<!tpu.dma_semaphore, #tpu.memory_space<semaphore_mem>>) src(%arg11 : memref<64x128xf32, #tpu.memory_space<vmem>>) dst(%dma_wait3A_219 : memref<4224x128xf32, #tpu.memory_space<vmem_shared>>)
          tpu.yield
        }) : () -> ()
        %while3A_206 = arith.constant 0 : i32
        scf.yield %while3A_206 : i32
      }
      %while3A_166 = arith.constant 1 : i32
      %while3A_167 = scf.for %while3A_187 = %while3A_163 to %while3A_159 step %while3A_166 iter_args(%while3A_188 = %while3A_165) -> (i32)  : i32 {
        %dma_start3A = arith.constant 0 : i32
        %dma_start3A_189 = tpu.memref_slice %arg10[%while3A_187, %dma_start3A] : memref<16x64xi32, #tpu.memory_space<vmem>> -> memref<1x64xi32, #tpu.memory_space<vmem>>
        %dma_start3A_190 = tpu.memref_squeeze %dma_start3A_189 : memref<1x64xi32, #tpu.memory_space<vmem>> -> memref<64xi32, #tpu.memory_space<vmem>>
        %dma_start3A_191 = arith.constant 0 : i32
        %dma_start3A_192 = arith.constant 0 : i32
        %dma_start3A_193 = tpu.memref_slice %arg5[%dma_start3A_191, %dma_start3A_192] : memref<16384x128xf32, #tpu.memory_space<hbm>> -> memref<16384x128xf32, #tpu.memory_space<hbm>>
        tpu.enqueue_indirect_dma source(%dma_start3A_193 : memref<16384x128xf32, #tpu.memory_space<hbm>>) target(%arg11 : memref<64x128xf32, #tpu.memory_space<vmem>>) offsets(%dma_start3A_190 : memref<64xi32, #tpu.memory_space<vmem>>) semaphore(%arg22 : memref<!tpu.dma_semaphore, #tpu.memory_space<semaphore_mem>>)
        %scan3A_194 = arith.constant 0 : i32
        %scan3A_195 = arith.constant 0 : i32
        %scan3A_196 = arith.constant 4 : i32
        %scan3A_197 = arith.addi %scan3A_195, %scan3A_196 : i32
        %scan3A_198 = arith.constant 1 : i32
        %scan3A_199 = scf.for %scan3A_207 = %scan3A_195 to %scan3A_197 step %scan3A_198 iter_args(%scan3A_208 = %scan3A_194) -> (i32)  : i32 {
          %mul3A_209 = arith.constant 16 : i32
          %mul3A_210 = arith.muli %scan3A_207, %mul3A_209 : i32
          %get3A_211 = arith.index_cast %while3A_187 : i32 to index
          %get3A_212 = arith.index_cast %mul3A_210 : i32 to index
          %get3A_213 = tpu.vector_load %arg9[%get3A_211, %get3A_212] {strides = array<i32>} : memref<16x64xi32, #tpu.memory_space<vmem>>, vector<16xi32>,
          %shift_right_arithmetic3A_214 = arith.constant 13 : i32
          %shift_right_arithmetic3A_215 = vector.broadcast %shift_right_arithmetic3A_214 : i32 to vector<16xi32>
          %shift_right_arithmetic3A_216 = arith.shrsi %get3A_213, %shift_right_arithmetic3A_215 : vector<16xi32>
          %eq3A_217 = vector.broadcast %add3A_134 : i32 to vector<16xi32>
          %eq3A_218 = arith.cmpi eq, %shift_right_arithmetic3A_216, %eq3A_217 : vector<16xi32>
          %and3A = arith.constant 8191 : i32
          %and3A_219 = vector.broadcast %and3A : i32 to vector<16xi32>
          %and3A_220 = arith.andi %get3A_213, %and3A_219 : vector<16xi32>
          %shift_right_arithmetic3A_221 = arith.constant 1 : i32
          %shift_right_arithmetic3A_222 = vector.broadcast %shift_right_arithmetic3A_221 : i32 to vector<16xi32>
          %shift_right_arithmetic3A_223 = arith.shrsi %and3A_220, %shift_right_arithmetic3A_222 : vector<16xi32>
          %add3A_224 = arith.addi %get3A_213, %iota3A : vector<16xi32>
          %and3A_225 = arith.constant 127 : i32
          %and3A_226 = vector.broadcast %and3A_225 : i32 to vector<16xi32>
          %and3A_227 = arith.andi %add3A_224, %and3A_226 : vector<16xi32>
          %add3A_228 = arith.constant 4096 : i32
          %add3A_229 = vector.broadcast %add3A_228 : i32 to vector<16xi32>
          %add3A_230 = arith.addi %add3A_229, %and3A_227 : vector<16xi32>
          %select_n3A = arith.select %eq3A_218, %shift_right_arithmetic3A_223, %add3A_230 : vector<16xi1>, vector<16xi32>
          %mul3A_231 = arith.constant 16 : i32
          %mul3A_232 = arith.muli %scan3A_207, %mul3A_231 : i32
          %swap3A_233 = arith.constant 0 : i32
          %swap3A_234 = arith.index_cast %swap3A_233 : i32 to index
          %swap3A_235 = arith.index_cast %mul3A_232 : i32 to index
          %swap3A_236 = tpu.vector_load %arg14[%swap3A_234, %swap3A_235] {strides = array<i32>} : memref<1x64xi32, #tpu.memory_space<vmem>>, vector<16xi32>,
          tpu.vector_store %arg14[%swap3A_234, %swap3A_235], %select_n3A {strides = array<i32>} : memref<1x64xi32, #tpu.memory_space<vmem>>, vector<16xi32>,
          %scan3A_237 = arith.constant 0 : i32
          scf.yield %scan3A_237 : i32
        }
        %scan3A_200 = arith.constant 4 : i32
        %dma_wait3A = arith.constant 0 : i32
        %dma_wait3A_201 = tpu.memref_slice %arg10[%while3A_187, %dma_wait3A] : memref<16x64xi32, #tpu.memory_space<vmem>> -> memref<1x64xi32, #tpu.memory_space<vmem>>
        %dma_wait3A_202 = tpu.memref_squeeze %dma_wait3A_201 : memref<1x64xi32, #tpu.memory_space<vmem>> -> memref<64xi32, #tpu.memory_space<vmem>>
        %dma_wait3A_203 = arith.constant 0 : i32
        %dma_wait3A_204 = arith.constant 0 : i32
        %dma_wait3A_205 = tpu.memref_slice %arg5[%dma_wait3A_203, %dma_wait3A_204] : memref<16384x128xf32, #tpu.memory_space<hbm>> -> memref<16384x128xf32, #tpu.memory_space<hbm>>
        tpu.wait_indirect_dma semaphore(%arg22 : memref<!tpu.dma_semaphore, #tpu.memory_space<semaphore_mem>>) src(%dma_wait3A_205 : memref<16384x128xf32, #tpu.memory_space<hbm>>) dst(%arg11 : memref<64x128xf32, #tpu.memory_space<vmem>>)
        %run_scoped3A = arith.constant 0 : i32
        "tpu.region"() ({
          %run_scoped3A_207 = tpu.sem_alloc : memref<!tpu.dma_semaphore, #tpu.memory_space<semaphore_mem>>
          %dma_start3A_208 = arith.constant 0 : i32
          %dma_start3A_209 = tpu.memref_slice %arg14[%run_scoped3A, %dma_start3A_208] : memref<1x64xi32, #tpu.memory_space<vmem>> -> memref<1x64xi32, #tpu.memory_space<vmem>>
          %dma_start3A_210 = tpu.memref_squeeze %dma_start3A_209 : memref<1x64xi32, #tpu.memory_space<vmem>> -> memref<64xi32, #tpu.memory_space<vmem>>
          %dma_start3A_211 = arith.constant 0 : i32
          %dma_start3A_212 = arith.constant 0 : i32
          %dma_start3A_213 = tpu.memref_slice %arg18[%dma_start3A_211, %dma_start3A_212] : memref<4224x128xf32, #tpu.memory_space<vmem_shared>> -> memref<4224x128xf32, #tpu.memory_space<vmem_shared>>
          tpu.enqueue_indirect_dma source(%arg11 : memref<64x128xf32, #tpu.memory_space<vmem>>) target(%dma_start3A_213 : memref<4224x128xf32, #tpu.memory_space<vmem_shared>>) offsets(%dma_start3A_210 : memref<64xi32, #tpu.memory_space<vmem>>) semaphore(%run_scoped3A_207 : memref<!tpu.dma_semaphore, #tpu.memory_space<semaphore_mem>>) {add = true}
          %dma_wait3A_214 = arith.constant 0 : i32
          %dma_wait3A_215 = tpu.memref_slice %arg14[%run_scoped3A, %dma_wait3A_214] : memref<1x64xi32, #tpu.memory_space<vmem>> -> memref<1x64xi32, #tpu.memory_space<vmem>>
          %dma_wait3A_216 = tpu.memref_squeeze %dma_wait3A_215 : memref<1x64xi32, #tpu.memory_space<vmem>> -> memref<64xi32, #tpu.memory_space<vmem>>
          %dma_wait3A_217 = arith.constant 0 : i32
          %dma_wait3A_218 = arith.constant 0 : i32
          %dma_wait3A_219 = tpu.memref_slice %arg18[%dma_wait3A_217, %dma_wait3A_218] : memref<4224x128xf32, #tpu.memory_space<vmem_shared>> -> memref<4224x128xf32, #tpu.memory_space<vmem_shared>>
          tpu.wait_indirect_dma semaphore(%run_scoped3A_207 : memref<!tpu.dma_semaphore, #tpu.memory_space<semaphore_mem>>) src(%arg11 : memref<64x128xf32, #tpu.memory_space<vmem>>) dst(%dma_wait3A_219 : memref<4224x128xf32, #tpu.memory_space<vmem_shared>>)
          tpu.yield
        }) : () -> ()
        %while3A_206 = arith.constant 0 : i32
        scf.yield %while3A_206 : i32
      }
      %barrier3A_168 = arith.constant 0 : index
      tpu.barrier barrier_id(%barrier3A_168)
      %while3A_169 = arith.constant 0 : i32
      %while3A_170 = arith.subi %shift_right_arithmetic3A_147, %shift_right_arithmetic3A_142 : i32
      %while3A_171 = arith.addi %shift_right_arithmetic3A_142, %while3A_170 : i32
      %while3A_172 = arith.constant 1 : i32
      %while3A_173 = arith.divsi %while3A_170, %while3A_172 : i32
      %while3A_174 = arith.muli %while3A_173, %while3A_172 : i32
      %while3A_175 = arith.addi %shift_right_arithmetic3A_142, %while3A_174 : i32
      %while3A_176 = arith.constant 1 : i32
      %while3A_177 = scf.for %while3A_187 = %shift_right_arithmetic3A_142 to %while3A_175 step %while3A_176 iter_args(%while3A_188 = %while3A_169) -> (i32)  : i32 {
        %scan3A_189 = arith.constant 0 : i32
        %scan3A_190 = arith.constant 0 : i32
        %scan3A_191 = arith.constant 4 : i32
        %scan3A_192 = arith.addi %scan3A_190, %scan3A_191 : i32
        %scan3A_193 = arith.constant 1 : i32
        %scan3A_194 = scf.for %scan3A_240 = %scan3A_190 to %scan3A_192 step %scan3A_193 iter_args(%scan3A_241 = %scan3A_189) -> (i32)  : i32 {
          %mul3A_242 = arith.constant 16 : i32
          %mul3A_243 = arith.muli %scan3A_240, %mul3A_242 : i32
          %get3A_244 = arith.index_cast %while3A_187 : i32 to index
          %get3A_245 = arith.index_cast %mul3A_243 : i32 to index
          %get3A_246 = tpu.vector_load %arg9[%get3A_244, %get3A_245] {strides = array<i32>} : memref<16x64xi32, #tpu.memory_space<vmem>>, vector<16xi32>,
          %and3A = arith.constant 8191 : i32
          %and3A_247 = vector.broadcast %and3A : i32 to vector<16xi32>
          %and3A_248 = arith.andi %get3A_246, %and3A_247 : vector<16xi32>
          %shift_right_arithmetic3A_249 = arith.constant 1 : i32
          %shift_right_arithmetic3A_250 = vector.broadcast %shift_right_arithmetic3A_249 : i32 to vector<16xi32>
          %shift_right_arithmetic3A_251 = arith.shrsi %and3A_248, %shift_right_arithmetic3A_250 : vector<16xi32>
          %shift_right_arithmetic3A_252 = arith.constant 13 : i32
          %shift_right_arithmetic3A_253 = vector.broadcast %shift_right_arithmetic3A_252 : i32 to vector<16xi32>
          %shift_right_arithmetic3A_254 = arith.shrsi %get3A_246, %shift_right_arithmetic3A_253 : vector<16xi32>
          %eq3A_255 = vector.broadcast %add3A_134 : i32 to vector<16xi32>
          %eq3A_256 = arith.cmpi eq, %shift_right_arithmetic3A_254, %eq3A_255 : vector<16xi32>
          %mul3A_257 = arith.constant 16 : i32
          %mul3A_258 = arith.muli %scan3A_240, %mul3A_257 : i32
          %swap3A_259 = arith.constant 0 : i32
          %swap3A_260 = arith.index_cast %swap3A_259 : i32 to index
          %swap3A_261 = arith.index_cast %mul3A_258 : i32 to index
          %swap3A_262 = tpu.vector_load %arg15[%swap3A_260, %swap3A_261] {strides = array<i32>} : memref<1x64xi32, #tpu.memory_space<vmem>>, vector<16xi32>,
          tpu.vector_store %arg15[%swap3A_260, %swap3A_261], %shift_right_arithmetic3A_251 {strides = array<i32>} : memref<1x64xi32, #tpu.memory_space<vmem>>, vector<16xi32>,
          %add3A_263 = arith.addi %get3A_246, %iota3A : vector<16xi32>
          %and3A_264 = arith.constant 127 : i32
          %and3A_265 = vector.broadcast %and3A_264 : i32 to vector<16xi32>
          %and3A_266 = arith.andi %add3A_263, %and3A_265 : vector<16xi32>
          %add3A_267 = arith.constant 4096 : i32
          %add3A_268 = vector.broadcast %add3A_267 : i32 to vector<16xi32>
          %add3A_269 = arith.addi %add3A_268, %and3A_266 : vector<16xi32>
          %select_n3A = arith.select %eq3A_256, %shift_right_arithmetic3A_251, %add3A_269 : vector<16xi1>, vector<16xi32>
          %mul3A_270 = arith.constant 16 : i32
          %mul3A_271 = arith.muli %scan3A_240, %mul3A_270 : i32
          %swap3A_272 = arith.constant 0 : i32
          %swap3A_273 = arith.index_cast %swap3A_272 : i32 to index
          %swap3A_274 = arith.index_cast %mul3A_271 : i32 to index
          %swap3A_275 = tpu.vector_load %arg16[%swap3A_273, %swap3A_274] {strides = array<i32>} : memref<1x64xi32, #tpu.memory_space<vmem>>, vector<16xi32>,
          tpu.vector_store %arg16[%swap3A_273, %swap3A_274], %select_n3A {strides = array<i32>} : memref<1x64xi32, #tpu.memory_space<vmem>>, vector<16xi32>,
          %scan3A_276 = arith.constant 0 : i32
          scf.yield %scan3A_276 : i32
        }
        %scan3A_195 = arith.constant 4 : i32
        %dma_start3A = arith.constant 0 : i32
        %dma_start3A_196 = arith.constant 0 : i32
        %dma_start3A_197 = tpu.memref_slice %arg15[%dma_start3A, %dma_start3A_196] : memref<1x64xi32, #tpu.memory_space<vmem>> -> memref<1x64xi32, #tpu.memory_space<vmem>>
        %dma_start3A_198 = tpu.memref_squeeze %dma_start3A_197 : memref<1x64xi32, #tpu.memory_space<vmem>> -> memref<64xi32, #tpu.memory_space<vmem>>
        %dma_start3A_199 = arith.constant 0 : i32
        %dma_start3A_200 = arith.constant 0 : i32
        %dma_start3A_201 = tpu.memref_slice %arg18[%dma_start3A_199, %dma_start3A_200] : memref<4224x128xf32, #tpu.memory_space<vmem_shared>> -> memref<4224x128xf32, #tpu.memory_space<vmem_shared>>
        tpu.enqueue_indirect_dma source(%dma_start3A_201 : memref<4224x128xf32, #tpu.memory_space<vmem_shared>>) target(%arg12 : memref<64x128xf32, #tpu.memory_space<vmem>>) offsets(%dma_start3A_198 : memref<64xi32, #tpu.memory_space<vmem>>) semaphore(%arg20 : memref<!tpu.dma_semaphore, #tpu.memory_space<semaphore_mem>>)
        %dma_start3A_202 = arith.constant 0 : i32
        %dma_start3A_203 = tpu.memref_slice %arg10[%while3A_187, %dma_start3A_202] : memref<16x64xi32, #tpu.memory_space<vmem>> -> memref<1x64xi32, #tpu.memory_space<vmem>>
        %dma_start3A_204 = tpu.memref_squeeze %dma_start3A_203 : memref<1x64xi32, #tpu.memory_space<vmem>> -> memref<64xi32, #tpu.memory_space<vmem>>
        %dma_start3A_205 = arith.constant 0 : i32
        %dma_start3A_206 = arith.constant 0 : i32
        %dma_start3A_207 = tpu.memref_slice %arg5[%dma_start3A_205, %dma_start3A_206] : memref<16384x128xf32, #tpu.memory_space<hbm>> -> memref<16384x128xf32, #tpu.memory_space<hbm>>
        tpu.enqueue_indirect_dma source(%dma_start3A_207 : memref<16384x128xf32, #tpu.memory_space<hbm>>) target(%arg11 : memref<64x128xf32, #tpu.memory_space<vmem>>) offsets(%dma_start3A_204 : memref<64xi32, #tpu.memory_space<vmem>>) semaphore(%arg21 : memref<!tpu.dma_semaphore, #tpu.memory_space<semaphore_mem>>)
        %dma_start3A_208 = arith.constant 0 : i32
        %dma_start3A_209 = tpu.memref_slice %arg10[%while3A_187, %dma_start3A_208] : memref<16x64xi32, #tpu.memory_space<vmem>> -> memref<1x64xi32, #tpu.memory_space<vmem>>
        %dma_start3A_210 = tpu.memref_squeeze %dma_start3A_209 : memref<1x64xi32, #tpu.memory_space<vmem>> -> memref<64xi32, #tpu.memory_space<vmem>>
        %dma_start3A_211 = arith.constant 0 : i32
        %dma_start3A_212 = arith.constant 0 : i32
        %dma_start3A_213 = tpu.memref_slice %arg6[%dma_start3A_211, %dma_start3A_212] : memref<16384x128xf32, #tpu.memory_space<hbm>> -> memref<16384x128xf32, #tpu.memory_space<hbm>>
        tpu.enqueue_indirect_dma source(%dma_start3A_213 : memref<16384x128xf32, #tpu.memory_space<hbm>>) target(%arg13 : memref<64x128xf32, #tpu.memory_space<vmem>>) offsets(%dma_start3A_210 : memref<64xi32, #tpu.memory_space<vmem>>) semaphore(%arg22 : memref<!tpu.dma_semaphore, #tpu.memory_space<semaphore_mem>>)
        %dma_wait3A = arith.constant 0 : i32
        %dma_wait3A_214 = arith.constant 0 : i32
        %dma_wait3A_215 = tpu.memref_slice %arg15[%dma_wait3A, %dma_wait3A_214] : memref<1x64xi32, #tpu.memory_space<vmem>> -> memref<1x64xi32, #tpu.memory_space<vmem>>
        %dma_wait3A_216 = tpu.memref_squeeze %dma_wait3A_215 : memref<1x64xi32, #tpu.memory_space<vmem>> -> memref<64xi32, #tpu.memory_space<vmem>>
        %dma_wait3A_217 = arith.constant 0 : i32
        %dma_wait3A_218 = arith.constant 0 : i32
        %dma_wait3A_219 = tpu.memref_slice %arg18[%dma_wait3A_217, %dma_wait3A_218] : memref<4224x128xf32, #tpu.memory_space<vmem_shared>> -> memref<4224x128xf32, #tpu.memory_space<vmem_shared>>
        tpu.wait_indirect_dma semaphore(%arg20 : memref<!tpu.dma_semaphore, #tpu.memory_space<semaphore_mem>>) src(%dma_wait3A_219 : memref<4224x128xf32, #tpu.memory_space<vmem_shared>>) dst(%arg12 : memref<64x128xf32, #tpu.memory_space<vmem>>)
        %dma_wait3A_220 = arith.constant 0 : i32
        %dma_wait3A_221 = tpu.memref_slice %arg10[%while3A_187, %dma_wait3A_220] : memref<16x64xi32, #tpu.memory_space<vmem>> -> memref<1x64xi32, #tpu.memory_space<vmem>>
        %dma_wait3A_222 = tpu.memref_squeeze %dma_wait3A_221 : memref<1x64xi32, #tpu.memory_space<vmem>> -> memref<64xi32, #tpu.memory_space<vmem>>
        %dma_wait3A_223 = arith.constant 0 : i32
        %dma_wait3A_224 = arith.constant 0 : i32
        %dma_wait3A_225 = tpu.memref_slice %arg5[%dma_wait3A_223, %dma_wait3A_224] : memref<16384x128xf32, #tpu.memory_space<hbm>> -> memref<16384x128xf32, #tpu.memory_space<hbm>>
        tpu.wait_indirect_dma semaphore(%arg21 : memref<!tpu.dma_semaphore, #tpu.memory_space<semaphore_mem>>) src(%dma_wait3A_225 : memref<16384x128xf32, #tpu.memory_space<hbm>>) dst(%arg11 : memref<64x128xf32, #tpu.memory_space<vmem>>)
        %dma_wait3A_226 = arith.constant 0 : i32
        %dma_wait3A_227 = tpu.memref_slice %arg10[%while3A_187, %dma_wait3A_226] : memref<16x64xi32, #tpu.memory_space<vmem>> -> memref<1x64xi32, #tpu.memory_space<vmem>>
        %dma_wait3A_228 = tpu.memref_squeeze %dma_wait3A_227 : memref<1x64xi32, #tpu.memory_space<vmem>> -> memref<64xi32, #tpu.memory_space<vmem>>
        %dma_wait3A_229 = arith.constant 0 : i32
        %dma_wait3A_230 = arith.constant 0 : i32
        %dma_wait3A_231 = tpu.memref_slice %arg6[%dma_wait3A_229, %dma_wait3A_230] : memref<16384x128xf32, #tpu.memory_space<hbm>> -> memref<16384x128xf32, #tpu.memory_space<hbm>>
        tpu.wait_indirect_dma semaphore(%arg22 : memref<!tpu.dma_semaphore, #tpu.memory_space<semaphore_mem>>) src(%dma_wait3A_231 : memref<16384x128xf32, #tpu.memory_space<hbm>>) dst(%arg13 : memref<64x128xf32, #tpu.memory_space<vmem>>)
        %scan3A_232 = arith.constant 0 : i32
        %scan3A_233 = arith.constant 0 : i32
        %scan3A_234 = arith.constant 64 : i32
        %scan3A_235 = arith.addi %scan3A_233, %scan3A_234 : i32
        %scan3A_236 = arith.constant 1 : i32
        %scan3A_237 = scf.for %scan3A_240 = %scan3A_233 to %scan3A_235 step %scan3A_236 iter_args(%scan3A_241 = %scan3A_232) -> (i32)  : i32 {
          %get3A_242 = arith.index_cast %scan3A_240 : i32 to index
          %get3A_243 = arith.constant 0 : index
          %get3A_244 = tpu.vector_load %arg12[%get3A_242, %get3A_243] {strides = array<i32>} : memref<64x128xf32, #tpu.memory_space<vmem>>, vector<16xf32>,
          %get3A_245 = arith.index_cast %scan3A_240 : i32 to index
          %get3A_246 = arith.constant 0 : index
          %get3A_247 = tpu.vector_load %arg11[%get3A_245, %get3A_246] {strides = array<i32>} : memref<64x128xf32, #tpu.memory_space<vmem>>, vector<16xf32>,
          %mul3A_248 = arith.mulf %get3A_244, %get3A_247 : vector<16xf32>
          %get3A_249 = arith.index_cast %scan3A_240 : i32 to index
          %get3A_250 = arith.constant 16 : index
          %get3A_251 = tpu.vector_load %arg12[%get3A_249, %get3A_250] {strides = array<i32>} : memref<64x128xf32, #tpu.memory_space<vmem>>, vector<16xf32>,
          %get3A_252 = arith.index_cast %scan3A_240 : i32 to index
          %get3A_253 = arith.constant 16 : index
          %get3A_254 = tpu.vector_load %arg11[%get3A_252, %get3A_253] {strides = array<i32>} : memref<64x128xf32, #tpu.memory_space<vmem>>, vector<16xf32>,
          %mul3A_255 = arith.mulf %get3A_251, %get3A_254 : vector<16xf32>
          %add3A_256 = arith.addf %mul3A_248, %mul3A_255 : vector<16xf32>
          %get3A_257 = arith.index_cast %scan3A_240 : i32 to index
          %get3A_258 = arith.constant 32 : index
          %get3A_259 = tpu.vector_load %arg12[%get3A_257, %get3A_258] {strides = array<i32>} : memref<64x128xf32, #tpu.memory_space<vmem>>, vector<16xf32>,
          %get3A_260 = arith.index_cast %scan3A_240 : i32 to index
          %get3A_261 = arith.constant 32 : index
          %get3A_262 = tpu.vector_load %arg11[%get3A_260, %get3A_261] {strides = array<i32>} : memref<64x128xf32, #tpu.memory_space<vmem>>, vector<16xf32>,
          %mul3A_263 = arith.mulf %get3A_259, %get3A_262 : vector<16xf32>
          %add3A_264 = arith.addf %add3A_256, %mul3A_263 : vector<16xf32>
          %get3A_265 = arith.index_cast %scan3A_240 : i32 to index
          %get3A_266 = arith.constant 48 : index
          %get3A_267 = tpu.vector_load %arg12[%get3A_265, %get3A_266] {strides = array<i32>} : memref<64x128xf32, #tpu.memory_space<vmem>>, vector<16xf32>,
          %get3A_268 = arith.index_cast %scan3A_240 : i32 to index
          %get3A_269 = arith.constant 48 : index
          %get3A_270 = tpu.vector_load %arg11[%get3A_268, %get3A_269] {strides = array<i32>} : memref<64x128xf32, #tpu.memory_space<vmem>>, vector<16xf32>,
          %mul3A_271 = arith.mulf %get3A_267, %get3A_270 : vector<16xf32>
          %add3A_272 = arith.addf %add3A_264, %mul3A_271 : vector<16xf32>
          %get3A_273 = arith.index_cast %scan3A_240 : i32 to index
          %get3A_274 = arith.constant 64 : index
          %get3A_275 = tpu.vector_load %arg12[%get3A_273, %get3A_274] {strides = array<i32>} : memref<64x128xf32, #tpu.memory_space<vmem>>, vector<16xf32>,
          %get3A_276 = arith.index_cast %scan3A_240 : i32 to index
          %get3A_277 = arith.constant 64 : index
          %get3A_278 = tpu.vector_load %arg11[%get3A_276, %get3A_277] {strides = array<i32>} : memref<64x128xf32, #tpu.memory_space<vmem>>, vector<16xf32>,
          %mul3A_279 = arith.mulf %get3A_275, %get3A_278 : vector<16xf32>
          %add3A_280 = arith.addf %add3A_272, %mul3A_279 : vector<16xf32>
          %get3A_281 = arith.index_cast %scan3A_240 : i32 to index
          %get3A_282 = arith.constant 80 : index
          %get3A_283 = tpu.vector_load %arg12[%get3A_281, %get3A_282] {strides = array<i32>} : memref<64x128xf32, #tpu.memory_space<vmem>>, vector<16xf32>,
          %get3A_284 = arith.index_cast %scan3A_240 : i32 to index
          %get3A_285 = arith.constant 80 : index
          %get3A_286 = tpu.vector_load %arg11[%get3A_284, %get3A_285] {strides = array<i32>} : memref<64x128xf32, #tpu.memory_space<vmem>>, vector<16xf32>,
          %mul3A_287 = arith.mulf %get3A_283, %get3A_286 : vector<16xf32>
          %add3A_288 = arith.addf %add3A_280, %mul3A_287 : vector<16xf32>
          %get3A_289 = arith.index_cast %scan3A_240 : i32 to index
          %get3A_290 = arith.constant 96 : index
          %get3A_291 = tpu.vector_load %arg12[%get3A_289, %get3A_290] {strides = array<i32>} : memref<64x128xf32, #tpu.memory_space<vmem>>, vector<16xf32>,
          %get3A_292 = arith.index_cast %scan3A_240 : i32 to index
          %get3A_293 = arith.constant 96 : index
          %get3A_294 = tpu.vector_load %arg11[%get3A_292, %get3A_293] {strides = array<i32>} : memref<64x128xf32, #tpu.memory_space<vmem>>, vector<16xf32>,
          %mul3A_295 = arith.mulf %get3A_291, %get3A_294 : vector<16xf32>
          %add3A_296 = arith.addf %add3A_288, %mul3A_295 : vector<16xf32>
          %get3A_297 = arith.index_cast %scan3A_240 : i32 to index
          %get3A_298 = arith.constant 112 : index
          %get3A_299 = tpu.vector_load %arg12[%get3A_297, %get3A_298] {strides = array<i32>} : memref<64x128xf32, #tpu.memory_space<vmem>>, vector<16xf32>,
          %get3A_300 = arith.index_cast %scan3A_240 : i32 to index
          %get3A_301 = arith.constant 112 : index
          %get3A_302 = tpu.vector_load %arg11[%get3A_300, %get3A_301] {strides = array<i32>} : memref<64x128xf32, #tpu.memory_space<vmem>>, vector<16xf32>,
          %mul3A_303 = arith.mulf %get3A_299, %get3A_302 : vector<16xf32>
          %add3A_304 = arith.addf %add3A_296, %mul3A_303 : vector<16xf32>
          %reduce_sum3A = arith.constant true
          %reduce_sum3A_305 = vector.broadcast %reduce_sum3A : i1 to vector<16xi1>
          %reduce_sum3A_306 = tpu.scan <sum>, %add3A_304 masked %reduce_sum3A_305 : vector<16xf32>, vector<16xi1> -> vector<16xf32>
          %reduce_sum3A_307 = vector.extract %reduce_sum3A_306[15] : f32 from vector<16xf32>
          %gt3A = arith.constant 1.500000e-02 : f32
          %gt3A_308 = arith.cmpf ogt, %reduce_sum3A_307, %gt3A : f32
          %jit3A = arith.constant 5.000000e-02 : f32
          %jit3A_309 = arith.constant 0.000000e+00 : f32
          %select_n3A = arith.select %gt3A_308, %jit3A, %jit3A_309 : f32
          %get3A_310 = arith.index_cast %scan3A_240 : i32 to index
          %get3A_311 = arith.constant 0 : index
          %get3A_312 = tpu.vector_load %arg13[%get3A_310, %get3A_311] {strides = array<i32>} : memref<64x128xf32, #tpu.memory_space<vmem>>, vector<16xf32>,
          %mul3A_313 = vector.broadcast %select_n3A : f32 to vector<16xf32>
          %mul3A_314 = arith.mulf %get3A_312, %mul3A_313 : vector<16xf32>
          %swap3A_315 = arith.index_cast %scan3A_240 : i32 to index
          %swap3A_316 = arith.constant 0 : index
          %swap3A_317 = tpu.vector_load %arg13[%swap3A_315, %swap3A_316] {strides = array<i32>} : memref<64x128xf32, #tpu.memory_space<vmem>>, vector<16xf32>,
          tpu.vector_store %arg13[%swap3A_315, %swap3A_316], %mul3A_314 {strides = array<i32>} : memref<64x128xf32, #tpu.memory_space<vmem>>, vector<16xf32>,
          %get3A_318 = arith.index_cast %scan3A_240 : i32 to index
          %get3A_319 = arith.constant 16 : index
          %get3A_320 = tpu.vector_load %arg13[%get3A_318, %get3A_319] {strides = array<i32>} : memref<64x128xf32, #tpu.memory_space<vmem>>, vector<16xf32>,
          %mul3A_321 = vector.broadcast %select_n3A : f32 to vector<16xf32>
          %mul3A_322 = arith.mulf %get3A_320, %mul3A_321 : vector<16xf32>
          %swap3A_323 = arith.index_cast %scan3A_240 : i32 to index
          %swap3A_324 = arith.constant 16 : index
          %swap3A_325 = tpu.vector_load %arg13[%swap3A_323, %swap3A_324] {strides = array<i32>} : memref<64x128xf32, #tpu.memory_space<vmem>>, vector<16xf32>,
          tpu.vector_store %arg13[%swap3A_323, %swap3A_324], %mul3A_322 {strides = array<i32>} : memref<64x128xf32, #tpu.memory_space<vmem>>, vector<16xf32>,
          %get3A_326 = arith.index_cast %scan3A_240 : i32 to index
          %get3A_327 = arith.constant 32 : index
          %get3A_328 = tpu.vector_load %arg13[%get3A_326, %get3A_327] {strides = array<i32>} : memref<64x128xf32, #tpu.memory_space<vmem>>, vector<16xf32>,
          %mul3A_329 = vector.broadcast %select_n3A : f32 to vector<16xf32>
          %mul3A_330 = arith.mulf %get3A_328, %mul3A_329 : vector<16xf32>
          %swap3A_331 = arith.index_cast %scan3A_240 : i32 to index
          %swap3A_332 = arith.constant 32 : index
          %swap3A_333 = tpu.vector_load %arg13[%swap3A_331, %swap3A_332] {strides = array<i32>} : memref<64x128xf32, #tpu.memory_space<vmem>>, vector<16xf32>,
          tpu.vector_store %arg13[%swap3A_331, %swap3A_332], %mul3A_330 {strides = array<i32>} : memref<64x128xf32, #tpu.memory_space<vmem>>, vector<16xf32>,
          %get3A_334 = arith.index_cast %scan3A_240 : i32 to index
          %get3A_335 = arith.constant 48 : index
          %get3A_336 = tpu.vector_load %arg13[%get3A_334, %get3A_335] {strides = array<i32>} : memref<64x128xf32, #tpu.memory_space<vmem>>, vector<16xf32>,
          %mul3A_337 = vector.broadcast %select_n3A : f32 to vector<16xf32>
          %mul3A_338 = arith.mulf %get3A_336, %mul3A_337 : vector<16xf32>
          %swap3A_339 = arith.index_cast %scan3A_240 : i32 to index
          %swap3A_340 = arith.constant 48 : index
          %swap3A_341 = tpu.vector_load %arg13[%swap3A_339, %swap3A_340] {strides = array<i32>} : memref<64x128xf32, #tpu.memory_space<vmem>>, vector<16xf32>,
          tpu.vector_store %arg13[%swap3A_339, %swap3A_340], %mul3A_338 {strides = array<i32>} : memref<64x128xf32, #tpu.memory_space<vmem>>, vector<16xf32>,
          %get3A_342 = arith.index_cast %scan3A_240 : i32 to index
          %get3A_343 = arith.constant 64 : index
          %get3A_344 = tpu.vector_load %arg13[%get3A_342, %get3A_343] {strides = array<i32>} : memref<64x128xf32, #tpu.memory_space<vmem>>, vector<16xf32>,
          %mul3A_345 = vector.broadcast %select_n3A : f32 to vector<16xf32>
          %mul3A_346 = arith.mulf %get3A_344, %mul3A_345 : vector<16xf32>
          %swap3A_347 = arith.index_cast %scan3A_240 : i32 to index
          %swap3A_348 = arith.constant 64 : index
          %swap3A_349 = tpu.vector_load %arg13[%swap3A_347, %swap3A_348] {strides = array<i32>} : memref<64x128xf32, #tpu.memory_space<vmem>>, vector<16xf32>,
          tpu.vector_store %arg13[%swap3A_347, %swap3A_348], %mul3A_346 {strides = array<i32>} : memref<64x128xf32, #tpu.memory_space<vmem>>, vector<16xf32>,
          %get3A_350 = arith.index_cast %scan3A_240 : i32 to index
          %get3A_351 = arith.constant 80 : index
          %get3A_352 = tpu.vector_load %arg13[%get3A_350, %get3A_351] {strides = array<i32>} : memref<64x128xf32, #tpu.memory_space<vmem>>, vector<16xf32>,
          %mul3A_353 = vector.broadcast %select_n3A : f32 to vector<16xf32>
          %mul3A_354 = arith.mulf %get3A_352, %mul3A_353 : vector<16xf32>
          %swap3A_355 = arith.index_cast %scan3A_240 : i32 to index
          %swap3A_356 = arith.constant 80 : index
          %swap3A_357 = tpu.vector_load %arg13[%swap3A_355, %swap3A_356] {strides = array<i32>} : memref<64x128xf32, #tpu.memory_space<vmem>>, vector<16xf32>,
          tpu.vector_store %arg13[%swap3A_355, %swap3A_356], %mul3A_354 {strides = array<i32>} : memref<64x128xf32, #tpu.memory_space<vmem>>, vector<16xf32>,
          %get3A_358 = arith.index_cast %scan3A_240 : i32 to index
          %get3A_359 = arith.constant 96 : index
          %get3A_360 = tpu.vector_load %arg13[%get3A_358, %get3A_359] {strides = array<i32>} : memref<64x128xf32, #tpu.memory_space<vmem>>, vector<16xf32>,
          %mul3A_361 = vector.broadcast %select_n3A : f32 to vector<16xf32>
          %mul3A_362 = arith.mulf %get3A_360, %mul3A_361 : vector<16xf32>
          %swap3A_363 = arith.index_cast %scan3A_240 : i32 to index
          %swap3A_364 = arith.constant 96 : index
          %swap3A_365 = tpu.vector_load %arg13[%swap3A_363, %swap3A_364] {strides = array<i32>} : memref<64x128xf32, #tpu.memory_space<vmem>>, vector<16xf32>,
          tpu.vector_store %arg13[%swap3A_363, %swap3A_364], %mul3A_362 {strides = array<i32>} : memref<64x128xf32, #tpu.memory_space<vmem>>, vector<16xf32>,
          %get3A_366 = arith.index_cast %scan3A_240 : i32 to index
          %get3A_367 = arith.constant 112 : index
          %get3A_368 = tpu.vector_load %arg13[%get3A_366, %get3A_367] {strides = array<i32>} : memref<64x128xf32, #tpu.memory_space<vmem>>, vector<16xf32>,
          %mul3A_369 = vector.broadcast %select_n3A : f32 to vector<16xf32>
          %mul3A_370 = arith.mulf %get3A_368, %mul3A_369 : vector<16xf32>
          %swap3A_371 = arith.index_cast %scan3A_240 : i32 to index
          %swap3A_372 = arith.constant 112 : index
          %swap3A_373 = tpu.vector_load %arg13[%swap3A_371, %swap3A_372] {strides = array<i32>} : memref<64x128xf32, #tpu.memory_space<vmem>>, vector<16xf32>,
          tpu.vector_store %arg13[%swap3A_371, %swap3A_372], %mul3A_370 {strides = array<i32>} : memref<64x128xf32, #tpu.memory_space<vmem>>, vector<16xf32>,
          %scan3A_374 = arith.constant 0 : i32
          scf.yield %scan3A_374 : i32
        }
        %scan3A_238 = arith.constant 64 : i32
        %run_scoped3A = arith.constant 0 : i32
        "tpu.region"() ({
          %run_scoped3A_240 = tpu.sem_alloc : memref<!tpu.dma_semaphore, #tpu.memory_space<semaphore_mem>>
          %dma_start3A_241 = arith.constant 0 : i32
          %dma_start3A_242 = tpu.memref_slice %arg16[%run_scoped3A, %dma_start3A_241] : memref<1x64xi32, #tpu.memory_space<vmem>> -> memref<1x64xi32, #tpu.memory_space<vmem>>
          %dma_start3A_243 = tpu.memref_squeeze %dma_start3A_242 : memref<1x64xi32, #tpu.memory_space<vmem>> -> memref<64xi32, #tpu.memory_space<vmem>>
          %dma_start3A_244 = arith.constant 0 : i32
          %dma_start3A_245 = arith.constant 0 : i32
          %dma_start3A_246 = tpu.memref_slice %arg19[%dma_start3A_244, %dma_start3A_245] : memref<4224x128xf32, #tpu.memory_space<vmem_shared>> -> memref<4224x128xf32, #tpu.memory_space<vmem_shared>>
          tpu.enqueue_indirect_dma source(%arg13 : memref<64x128xf32, #tpu.memory_space<vmem>>) target(%dma_start3A_246 : memref<4224x128xf32, #tpu.memory_space<vmem_shared>>) offsets(%dma_start3A_243 : memref<64xi32, #tpu.memory_space<vmem>>) semaphore(%run_scoped3A_240 : memref<!tpu.dma_semaphore, #tpu.memory_space<semaphore_mem>>) {add = true}
          %dma_wait3A_247 = arith.constant 0 : i32
          %dma_wait3A_248 = tpu.memref_slice %arg16[%run_scoped3A, %dma_wait3A_247] : memref<1x64xi32, #tpu.memory_space<vmem>> -> memref<1x64xi32, #tpu.memory_space<vmem>>
          %dma_wait3A_249 = tpu.memref_squeeze %dma_wait3A_248 : memref<1x64xi32, #tpu.memory_space<vmem>> -> memref<64xi32, #tpu.memory_space<vmem>>
          %dma_wait3A_250 = arith.constant 0 : i32
          %dma_wait3A_251 = arith.constant 0 : i32
          %dma_wait3A_252 = tpu.memref_slice %arg19[%dma_wait3A_250, %dma_wait3A_251] : memref<4224x128xf32, #tpu.memory_space<vmem_shared>> -> memref<4224x128xf32, #tpu.memory_space<vmem_shared>>
          tpu.wait_indirect_dma semaphore(%run_scoped3A_240 : memref<!tpu.dma_semaphore, #tpu.memory_space<semaphore_mem>>) src(%arg13 : memref<64x128xf32, #tpu.memory_space<vmem>>) dst(%dma_wait3A_252 : memref<4224x128xf32, #tpu.memory_space<vmem_shared>>)
          tpu.yield
        }) : () -> ()
        %while3A_239 = arith.constant 0 : i32
        scf.yield %while3A_239 : i32
      }
      %while3A_178 = arith.constant 1 : i32
      %while3A_179 = scf.for %while3A_187 = %while3A_175 to %while3A_171 step %while3A_178 iter_args(%while3A_188 = %while3A_177) -> (i32)  : i32 {
        %scan3A_189 = arith.constant 0 : i32
        %scan3A_190 = arith.constant 0 : i32
        %scan3A_191 = arith.constant 4 : i32
        %scan3A_192 = arith.addi %scan3A_190, %scan3A_191 : i32
        %scan3A_193 = arith.constant 1 : i32
        %scan3A_194 = scf.for %scan3A_240 = %scan3A_190 to %scan3A_192 step %scan3A_193 iter_args(%scan3A_241 = %scan3A_189) -> (i32)  : i32 {
          %mul3A_242 = arith.constant 16 : i32
          %mul3A_243 = arith.muli %scan3A_240, %mul3A_242 : i32
          %get3A_244 = arith.index_cast %while3A_187 : i32 to index
          %get3A_245 = arith.index_cast %mul3A_243 : i32 to index
          %get3A_246 = tpu.vector_load %arg9[%get3A_244, %get3A_245] {strides = array<i32>} : memref<16x64xi32, #tpu.memory_space<vmem>>, vector<16xi32>,
          %and3A = arith.constant 8191 : i32
          %and3A_247 = vector.broadcast %and3A : i32 to vector<16xi32>
          %and3A_248 = arith.andi %get3A_246, %and3A_247 : vector<16xi32>
          %shift_right_arithmetic3A_249 = arith.constant 1 : i32
          %shift_right_arithmetic3A_250 = vector.broadcast %shift_right_arithmetic3A_249 : i32 to vector<16xi32>
          %shift_right_arithmetic3A_251 = arith.shrsi %and3A_248, %shift_right_arithmetic3A_250 : vector<16xi32>
          %shift_right_arithmetic3A_252 = arith.constant 13 : i32
          %shift_right_arithmetic3A_253 = vector.broadcast %shift_right_arithmetic3A_252 : i32 to vector<16xi32>
          %shift_right_arithmetic3A_254 = arith.shrsi %get3A_246, %shift_right_arithmetic3A_253 : vector<16xi32>
          %eq3A_255 = vector.broadcast %add3A_134 : i32 to vector<16xi32>
          %eq3A_256 = arith.cmpi eq, %shift_right_arithmetic3A_254, %eq3A_255 : vector<16xi32>
          %mul3A_257 = arith.constant 16 : i32
          %mul3A_258 = arith.muli %scan3A_240, %mul3A_257 : i32
          %swap3A_259 = arith.constant 0 : i32
          %swap3A_260 = arith.index_cast %swap3A_259 : i32 to index
          %swap3A_261 = arith.index_cast %mul3A_258 : i32 to index
          %swap3A_262 = tpu.vector_load %arg15[%swap3A_260, %swap3A_261] {strides = array<i32>} : memref<1x64xi32, #tpu.memory_space<vmem>>, vector<16xi32>,
          tpu.vector_store %arg15[%swap3A_260, %swap3A_261], %shift_right_arithmetic3A_251 {strides = array<i32>} : memref<1x64xi32, #tpu.memory_space<vmem>>, vector<16xi32>,
          %add3A_263 = arith.addi %get3A_246, %iota3A : vector<16xi32>
          %and3A_264 = arith.constant 127 : i32
          %and3A_265 = vector.broadcast %and3A_264 : i32 to vector<16xi32>
          %and3A_266 = arith.andi %add3A_263, %and3A_265 : vector<16xi32>
          %add3A_267 = arith.constant 4096 : i32
          %add3A_268 = vector.broadcast %add3A_267 : i32 to vector<16xi32>
          %add3A_269 = arith.addi %add3A_268, %and3A_266 : vector<16xi32>
          %select_n3A = arith.select %eq3A_256, %shift_right_arithmetic3A_251, %add3A_269 : vector<16xi1>, vector<16xi32>
          %mul3A_270 = arith.constant 16 : i32
          %mul3A_271 = arith.muli %scan3A_240, %mul3A_270 : i32
          %swap3A_272 = arith.constant 0 : i32
          %swap3A_273 = arith.index_cast %swap3A_272 : i32 to index
          %swap3A_274 = arith.index_cast %mul3A_271 : i32 to index
          %swap3A_275 = tpu.vector_load %arg16[%swap3A_273, %swap3A_274] {strides = array<i32>} : memref<1x64xi32, #tpu.memory_space<vmem>>, vector<16xi32>,
          tpu.vector_store %arg16[%swap3A_273, %swap3A_274], %select_n3A {strides = array<i32>} : memref<1x64xi32, #tpu.memory_space<vmem>>, vector<16xi32>,
          %scan3A_276 = arith.constant 0 : i32
          scf.yield %scan3A_276 : i32
        }
        %scan3A_195 = arith.constant 4 : i32
        %dma_start3A = arith.constant 0 : i32
        %dma_start3A_196 = arith.constant 0 : i32
        %dma_start3A_197 = tpu.memref_slice %arg15[%dma_start3A, %dma_start3A_196] : memref<1x64xi32, #tpu.memory_space<vmem>> -> memref<1x64xi32, #tpu.memory_space<vmem>>
        %dma_start3A_198 = tpu.memref_squeeze %dma_start3A_197 : memref<1x64xi32, #tpu.memory_space<vmem>> -> memref<64xi32, #tpu.memory_space<vmem>>
        %dma_start3A_199 = arith.constant 0 : i32
        %dma_start3A_200 = arith.constant 0 : i32
        %dma_start3A_201 = tpu.memref_slice %arg18[%dma_start3A_199, %dma_start3A_200] : memref<4224x128xf32, #tpu.memory_space<vmem_shared>> -> memref<4224x128xf32, #tpu.memory_space<vmem_shared>>
        tpu.enqueue_indirect_dma source(%dma_start3A_201 : memref<4224x128xf32, #tpu.memory_space<vmem_shared>>) target(%arg12 : memref<64x128xf32, #tpu.memory_space<vmem>>) offsets(%dma_start3A_198 : memref<64xi32, #tpu.memory_space<vmem>>) semaphore(%arg20 : memref<!tpu.dma_semaphore, #tpu.memory_space<semaphore_mem>>)
        %dma_start3A_202 = arith.constant 0 : i32
        %dma_start3A_203 = tpu.memref_slice %arg10[%while3A_187, %dma_start3A_202] : memref<16x64xi32, #tpu.memory_space<vmem>> -> memref<1x64xi32, #tpu.memory_space<vmem>>
        %dma_start3A_204 = tpu.memref_squeeze %dma_start3A_203 : memref<1x64xi32, #tpu.memory_space<vmem>> -> memref<64xi32, #tpu.memory_space<vmem>>
        %dma_start3A_205 = arith.constant 0 : i32
        %dma_start3A_206 = arith.constant 0 : i32
        %dma_start3A_207 = tpu.memref_slice %arg5[%dma_start3A_205, %dma_start3A_206] : memref<16384x128xf32, #tpu.memory_space<hbm>> -> memref<16384x128xf32, #tpu.memory_space<hbm>>
        tpu.enqueue_indirect_dma source(%dma_start3A_207 : memref<16384x128xf32, #tpu.memory_space<hbm>>) target(%arg11 : memref<64x128xf32, #tpu.memory_space<vmem>>) offsets(%dma_start3A_204 : memref<64xi32, #tpu.memory_space<vmem>>) semaphore(%arg21 : memref<!tpu.dma_semaphore, #tpu.memory_space<semaphore_mem>>)
        %dma_start3A_208 = arith.constant 0 : i32
        %dma_start3A_209 = tpu.memref_slice %arg10[%while3A_187, %dma_start3A_208] : memref<16x64xi32, #tpu.memory_space<vmem>> -> memref<1x64xi32, #tpu.memory_space<vmem>>
        %dma_start3A_210 = tpu.memref_squeeze %dma_start3A_209 : memref<1x64xi32, #tpu.memory_space<vmem>> -> memref<64xi32, #tpu.memory_space<vmem>>
        %dma_start3A_211 = arith.constant 0 : i32
        %dma_start3A_212 = arith.constant 0 : i32
        %dma_start3A_213 = tpu.memref_slice %arg6[%dma_start3A_211, %dma_start3A_212] : memref<16384x128xf32, #tpu.memory_space<hbm>> -> memref<16384x128xf32, #tpu.memory_space<hbm>>
        tpu.enqueue_indirect_dma source(%dma_start3A_213 : memref<16384x128xf32, #tpu.memory_space<hbm>>) target(%arg13 : memref<64x128xf32, #tpu.memory_space<vmem>>) offsets(%dma_start3A_210 : memref<64xi32, #tpu.memory_space<vmem>>) semaphore(%arg22 : memref<!tpu.dma_semaphore, #tpu.memory_space<semaphore_mem>>)
        %dma_wait3A = arith.constant 0 : i32
        %dma_wait3A_214 = arith.constant 0 : i32
        %dma_wait3A_215 = tpu.memref_slice %arg15[%dma_wait3A, %dma_wait3A_214] : memref<1x64xi32, #tpu.memory_space<vmem>> -> memref<1x64xi32, #tpu.memory_space<vmem>>
        %dma_wait3A_216 = tpu.memref_squeeze %dma_wait3A_215 : memref<1x64xi32, #tpu.memory_space<vmem>> -> memref<64xi32, #tpu.memory_space<vmem>>
        %dma_wait3A_217 = arith.constant 0 : i32
        %dma_wait3A_218 = arith.constant 0 : i32
        %dma_wait3A_219 = tpu.memref_slice %arg18[%dma_wait3A_217, %dma_wait3A_218] : memref<4224x128xf32, #tpu.memory_space<vmem_shared>> -> memref<4224x128xf32, #tpu.memory_space<vmem_shared>>
        tpu.wait_indirect_dma semaphore(%arg20 : memref<!tpu.dma_semaphore, #tpu.memory_space<semaphore_mem>>) src(%dma_wait3A_219 : memref<4224x128xf32, #tpu.memory_space<vmem_shared>>) dst(%arg12 : memref<64x128xf32, #tpu.memory_space<vmem>>)
        %dma_wait3A_220 = arith.constant 0 : i32
        %dma_wait3A_221 = tpu.memref_slice %arg10[%while3A_187, %dma_wait3A_220] : memref<16x64xi32, #tpu.memory_space<vmem>> -> memref<1x64xi32, #tpu.memory_space<vmem>>
        %dma_wait3A_222 = tpu.memref_squeeze %dma_wait3A_221 : memref<1x64xi32, #tpu.memory_space<vmem>> -> memref<64xi32, #tpu.memory_space<vmem>>
        %dma_wait3A_223 = arith.constant 0 : i32
        %dma_wait3A_224 = arith.constant 0 : i32
        %dma_wait3A_225 = tpu.memref_slice %arg5[%dma_wait3A_223, %dma_wait3A_224] : memref<16384x128xf32, #tpu.memory_space<hbm>> -> memref<16384x128xf32, #tpu.memory_space<hbm>>
        tpu.wait_indirect_dma semaphore(%arg21 : memref<!tpu.dma_semaphore, #tpu.memory_space<semaphore_mem>>) src(%dma_wait3A_225 : memref<16384x128xf32, #tpu.memory_space<hbm>>) dst(%arg11 : memref<64x128xf32, #tpu.memory_space<vmem>>)
        %dma_wait3A_226 = arith.constant 0 : i32
        %dma_wait3A_227 = tpu.memref_slice %arg10[%while3A_187, %dma_wait3A_226] : memref<16x64xi32, #tpu.memory_space<vmem>> -> memref<1x64xi32, #tpu.memory_space<vmem>>
        %dma_wait3A_228 = tpu.memref_squeeze %dma_wait3A_227 : memref<1x64xi32, #tpu.memory_space<vmem>> -> memref<64xi32, #tpu.memory_space<vmem>>
        %dma_wait3A_229 = arith.constant 0 : i32
        %dma_wait3A_230 = arith.constant 0 : i32
        %dma_wait3A_231 = tpu.memref_slice %arg6[%dma_wait3A_229, %dma_wait3A_230] : memref<16384x128xf32, #tpu.memory_space<hbm>> -> memref<16384x128xf32, #tpu.memory_space<hbm>>
        tpu.wait_indirect_dma semaphore(%arg22 : memref<!tpu.dma_semaphore, #tpu.memory_space<semaphore_mem>>) src(%dma_wait3A_231 : memref<16384x128xf32, #tpu.memory_space<hbm>>) dst(%arg13 : memref<64x128xf32, #tpu.memory_space<vmem>>)
        %scan3A_232 = arith.constant 0 : i32
        %scan3A_233 = arith.constant 0 : i32
        %scan3A_234 = arith.constant 64 : i32
        %scan3A_235 = arith.addi %scan3A_233, %scan3A_234 : i32
        %scan3A_236 = arith.constant 1 : i32
        %scan3A_237 = scf.for %scan3A_240 = %scan3A_233 to %scan3A_235 step %scan3A_236 iter_args(%scan3A_241 = %scan3A_232) -> (i32)  : i32 {
          %get3A_242 = arith.index_cast %scan3A_240 : i32 to index
          %get3A_243 = arith.constant 0 : index
          %get3A_244 = tpu.vector_load %arg12[%get3A_242, %get3A_243] {strides = array<i32>} : memref<64x128xf32, #tpu.memory_space<vmem>>, vector<16xf32>,
          %get3A_245 = arith.index_cast %scan3A_240 : i32 to index
          %get3A_246 = arith.constant 0 : index
          %get3A_247 = tpu.vector_load %arg11[%get3A_245, %get3A_246] {strides = array<i32>} : memref<64x128xf32, #tpu.memory_space<vmem>>, vector<16xf32>,
          %mul3A_248 = arith.mulf %get3A_244, %get3A_247 : vector<16xf32>
          %get3A_249 = arith.index_cast %scan3A_240 : i32 to index
          %get3A_250 = arith.constant 16 : index
          %get3A_251 = tpu.vector_load %arg12[%get3A_249, %get3A_250] {strides = array<i32>} : memref<64x128xf32, #tpu.memory_space<vmem>>, vector<16xf32>,
          %get3A_252 = arith.index_cast %scan3A_240 : i32 to index
          %get3A_253 = arith.constant 16 : index
          %get3A_254 = tpu.vector_load %arg11[%get3A_252, %get3A_253] {strides = array<i32>} : memref<64x128xf32, #tpu.memory_space<vmem>>, vector<16xf32>,
          %mul3A_255 = arith.mulf %get3A_251, %get3A_254 : vector<16xf32>
          %add3A_256 = arith.addf %mul3A_248, %mul3A_255 : vector<16xf32>
          %get3A_257 = arith.index_cast %scan3A_240 : i32 to index
          %get3A_258 = arith.constant 32 : index
          %get3A_259 = tpu.vector_load %arg12[%get3A_257, %get3A_258] {strides = array<i32>} : memref<64x128xf32, #tpu.memory_space<vmem>>, vector<16xf32>,
          %get3A_260 = arith.index_cast %scan3A_240 : i32 to index
          %get3A_261 = arith.constant 32 : index
          %get3A_262 = tpu.vector_load %arg11[%get3A_260, %get3A_261] {strides = array<i32>} : memref<64x128xf32, #tpu.memory_space<vmem>>, vector<16xf32>,
          %mul3A_263 = arith.mulf %get3A_259, %get3A_262 : vector<16xf32>
          %add3A_264 = arith.addf %add3A_256, %mul3A_263 : vector<16xf32>
          %get3A_265 = arith.index_cast %scan3A_240 : i32 to index
          %get3A_266 = arith.constant 48 : index
          %get3A_267 = tpu.vector_load %arg12[%get3A_265, %get3A_266] {strides = array<i32>} : memref<64x128xf32, #tpu.memory_space<vmem>>, vector<16xf32>,
          %get3A_268 = arith.index_cast %scan3A_240 : i32 to index
          %get3A_269 = arith.constant 48 : index
          %get3A_270 = tpu.vector_load %arg11[%get3A_268, %get3A_269] {strides = array<i32>} : memref<64x128xf32, #tpu.memory_space<vmem>>, vector<16xf32>,
          %mul3A_271 = arith.mulf %get3A_267, %get3A_270 : vector<16xf32>
          %add3A_272 = arith.addf %add3A_264, %mul3A_271 : vector<16xf32>
          %get3A_273 = arith.index_cast %scan3A_240 : i32 to index
          %get3A_274 = arith.constant 64 : index
          %get3A_275 = tpu.vector_load %arg12[%get3A_273, %get3A_274] {strides = array<i32>} : memref<64x128xf32, #tpu.memory_space<vmem>>, vector<16xf32>,
          %get3A_276 = arith.index_cast %scan3A_240 : i32 to index
          %get3A_277 = arith.constant 64 : index
          %get3A_278 = tpu.vector_load %arg11[%get3A_276, %get3A_277] {strides = array<i32>} : memref<64x128xf32, #tpu.memory_space<vmem>>, vector<16xf32>,
          %mul3A_279 = arith.mulf %get3A_275, %get3A_278 : vector<16xf32>
          %add3A_280 = arith.addf %add3A_272, %mul3A_279 : vector<16xf32>
          %get3A_281 = arith.index_cast %scan3A_240 : i32 to index
          %get3A_282 = arith.constant 80 : index
          %get3A_283 = tpu.vector_load %arg12[%get3A_281, %get3A_282] {strides = array<i32>} : memref<64x128xf32, #tpu.memory_space<vmem>>, vector<16xf32>,
          %get3A_284 = arith.index_cast %scan3A_240 : i32 to index
          %get3A_285 = arith.constant 80 : index
          %get3A_286 = tpu.vector_load %arg11[%get3A_284, %get3A_285] {strides = array<i32>} : memref<64x128xf32, #tpu.memory_space<vmem>>, vector<16xf32>,
          %mul3A_287 = arith.mulf %get3A_283, %get3A_286 : vector<16xf32>
          %add3A_288 = arith.addf %add3A_280, %mul3A_287 : vector<16xf32>
          %get3A_289 = arith.index_cast %scan3A_240 : i32 to index
          %get3A_290 = arith.constant 96 : index
          %get3A_291 = tpu.vector_load %arg12[%get3A_289, %get3A_290] {strides = array<i32>} : memref<64x128xf32, #tpu.memory_space<vmem>>, vector<16xf32>,
          %get3A_292 = arith.index_cast %scan3A_240 : i32 to index
          %get3A_293 = arith.constant 96 : index
          %get3A_294 = tpu.vector_load %arg11[%get3A_292, %get3A_293] {strides = array<i32>} : memref<64x128xf32, #tpu.memory_space<vmem>>, vector<16xf32>,
          %mul3A_295 = arith.mulf %get3A_291, %get3A_294 : vector<16xf32>
          %add3A_296 = arith.addf %add3A_288, %mul3A_295 : vector<16xf32>
          %get3A_297 = arith.index_cast %scan3A_240 : i32 to index
          %get3A_298 = arith.constant 112 : index
          %get3A_299 = tpu.vector_load %arg12[%get3A_297, %get3A_298] {strides = array<i32>} : memref<64x128xf32, #tpu.memory_space<vmem>>, vector<16xf32>,
          %get3A_300 = arith.index_cast %scan3A_240 : i32 to index
          %get3A_301 = arith.constant 112 : index
          %get3A_302 = tpu.vector_load %arg11[%get3A_300, %get3A_301] {strides = array<i32>} : memref<64x128xf32, #tpu.memory_space<vmem>>, vector<16xf32>,
          %mul3A_303 = arith.mulf %get3A_299, %get3A_302 : vector<16xf32>
          %add3A_304 = arith.addf %add3A_296, %mul3A_303 : vector<16xf32>
          %reduce_sum3A = arith.constant true
          %reduce_sum3A_305 = vector.broadcast %reduce_sum3A : i1 to vector<16xi1>
          %reduce_sum3A_306 = tpu.scan <sum>, %add3A_304 masked %reduce_sum3A_305 : vector<16xf32>, vector<16xi1> -> vector<16xf32>
          %reduce_sum3A_307 = vector.extract %reduce_sum3A_306[15] : f32 from vector<16xf32>
          %gt3A = arith.constant 1.500000e-02 : f32
          %gt3A_308 = arith.cmpf ogt, %reduce_sum3A_307, %gt3A : f32
          %jit3A = arith.constant 5.000000e-02 : f32
          %jit3A_309 = arith.constant 0.000000e+00 : f32
          %select_n3A = arith.select %gt3A_308, %jit3A, %jit3A_309 : f32
          %get3A_310 = arith.index_cast %scan3A_240 : i32 to index
          %get3A_311 = arith.constant 0 : index
          %get3A_312 = tpu.vector_load %arg13[%get3A_310, %get3A_311] {strides = array<i32>} : memref<64x128xf32, #tpu.memory_space<vmem>>, vector<16xf32>,
          %mul3A_313 = vector.broadcast %select_n3A : f32 to vector<16xf32>
          %mul3A_314 = arith.mulf %get3A_312, %mul3A_313 : vector<16xf32>
          %swap3A_315 = arith.index_cast %scan3A_240 : i32 to index
          %swap3A_316 = arith.constant 0 : index
          %swap3A_317 = tpu.vector_load %arg13[%swap3A_315, %swap3A_316] {strides = array<i32>} : memref<64x128xf32, #tpu.memory_space<vmem>>, vector<16xf32>,
          tpu.vector_store %arg13[%swap3A_315, %swap3A_316], %mul3A_314 {strides = array<i32>} : memref<64x128xf32, #tpu.memory_space<vmem>>, vector<16xf32>,
          %get3A_318 = arith.index_cast %scan3A_240 : i32 to index
          %get3A_319 = arith.constant 16 : index
          %get3A_320 = tpu.vector_load %arg13[%get3A_318, %get3A_319] {strides = array<i32>} : memref<64x128xf32, #tpu.memory_space<vmem>>, vector<16xf32>,
          %mul3A_321 = vector.broadcast %select_n3A : f32 to vector<16xf32>
          %mul3A_322 = arith.mulf %get3A_320, %mul3A_321 : vector<16xf32>
          %swap3A_323 = arith.index_cast %scan3A_240 : i32 to index
          %swap3A_324 = arith.constant 16 : index
          %swap3A_325 = tpu.vector_load %arg13[%swap3A_323, %swap3A_324] {strides = array<i32>} : memref<64x128xf32, #tpu.memory_space<vmem>>, vector<16xf32>,
          tpu.vector_store %arg13[%swap3A_323, %swap3A_324], %mul3A_322 {strides = array<i32>} : memref<64x128xf32, #tpu.memory_space<vmem>>, vector<16xf32>,
          %get3A_326 = arith.index_cast %scan3A_240 : i32 to index
          %get3A_327 = arith.constant 32 : index
          %get3A_328 = tpu.vector_load %arg13[%get3A_326, %get3A_327] {strides = array<i32>} : memref<64x128xf32, #tpu.memory_space<vmem>>, vector<16xf32>,
          %mul3A_329 = vector.broadcast %select_n3A : f32 to vector<16xf32>
          %mul3A_330 = arith.mulf %get3A_328, %mul3A_329 : vector<16xf32>
          %swap3A_331 = arith.index_cast %scan3A_240 : i32 to index
          %swap3A_332 = arith.constant 32 : index
          %swap3A_333 = tpu.vector_load %arg13[%swap3A_331, %swap3A_332] {strides = array<i32>} : memref<64x128xf32, #tpu.memory_space<vmem>>, vector<16xf32>,
          tpu.vector_store %arg13[%swap3A_331, %swap3A_332], %mul3A_330 {strides = array<i32>} : memref<64x128xf32, #tpu.memory_space<vmem>>, vector<16xf32>,
          %get3A_334 = arith.index_cast %scan3A_240 : i32 to index
          %get3A_335 = arith.constant 48 : index
          %get3A_336 = tpu.vector_load %arg13[%get3A_334, %get3A_335] {strides = array<i32>} : memref<64x128xf32, #tpu.memory_space<vmem>>, vector<16xf32>,
          %mul3A_337 = vector.broadcast %select_n3A : f32 to vector<16xf32>
          %mul3A_338 = arith.mulf %get3A_336, %mul3A_337 : vector<16xf32>
          %swap3A_339 = arith.index_cast %scan3A_240 : i32 to index
          %swap3A_340 = arith.constant 48 : index
          %swap3A_341 = tpu.vector_load %arg13[%swap3A_339, %swap3A_340] {strides = array<i32>} : memref<64x128xf32, #tpu.memory_space<vmem>>, vector<16xf32>,
          tpu.vector_store %arg13[%swap3A_339, %swap3A_340], %mul3A_338 {strides = array<i32>} : memref<64x128xf32, #tpu.memory_space<vmem>>, vector<16xf32>,
          %get3A_342 = arith.index_cast %scan3A_240 : i32 to index
          %get3A_343 = arith.constant 64 : index
          %get3A_344 = tpu.vector_load %arg13[%get3A_342, %get3A_343] {strides = array<i32>} : memref<64x128xf32, #tpu.memory_space<vmem>>, vector<16xf32>,
          %mul3A_345 = vector.broadcast %select_n3A : f32 to vector<16xf32>
          %mul3A_346 = arith.mulf %get3A_344, %mul3A_345 : vector<16xf32>
          %swap3A_347 = arith.index_cast %scan3A_240 : i32 to index
          %swap3A_348 = arith.constant 64 : index
          %swap3A_349 = tpu.vector_load %arg13[%swap3A_347, %swap3A_348] {strides = array<i32>} : memref<64x128xf32, #tpu.memory_space<vmem>>, vector<16xf32>,
          tpu.vector_store %arg13[%swap3A_347, %swap3A_348], %mul3A_346 {strides = array<i32>} : memref<64x128xf32, #tpu.memory_space<vmem>>, vector<16xf32>,
          %get3A_350 = arith.index_cast %scan3A_240 : i32 to index
          %get3A_351 = arith.constant 80 : index
          %get3A_352 = tpu.vector_load %arg13[%get3A_350, %get3A_351] {strides = array<i32>} : memref<64x128xf32, #tpu.memory_space<vmem>>, vector<16xf32>,
          %mul3A_353 = vector.broadcast %select_n3A : f32 to vector<16xf32>
          %mul3A_354 = arith.mulf %get3A_352, %mul3A_353 : vector<16xf32>
          %swap3A_355 = arith.index_cast %scan3A_240 : i32 to index
          %swap3A_356 = arith.constant 80 : index
          %swap3A_357 = tpu.vector_load %arg13[%swap3A_355, %swap3A_356] {strides = array<i32>} : memref<64x128xf32, #tpu.memory_space<vmem>>, vector<16xf32>,
          tpu.vector_store %arg13[%swap3A_355, %swap3A_356], %mul3A_354 {strides = array<i32>} : memref<64x128xf32, #tpu.memory_space<vmem>>, vector<16xf32>,
          %get3A_358 = arith.index_cast %scan3A_240 : i32 to index
          %get3A_359 = arith.constant 96 : index
          %get3A_360 = tpu.vector_load %arg13[%get3A_358, %get3A_359] {strides = array<i32>} : memref<64x128xf32, #tpu.memory_space<vmem>>, vector<16xf32>,
          %mul3A_361 = vector.broadcast %select_n3A : f32 to vector<16xf32>
          %mul3A_362 = arith.mulf %get3A_360, %mul3A_361 : vector<16xf32>
          %swap3A_363 = arith.index_cast %scan3A_240 : i32 to index
          %swap3A_364 = arith.constant 96 : index
          %swap3A_365 = tpu.vector_load %arg13[%swap3A_363, %swap3A_364] {strides = array<i32>} : memref<64x128xf32, #tpu.memory_space<vmem>>, vector<16xf32>,
          tpu.vector_store %arg13[%swap3A_363, %swap3A_364], %mul3A_362 {strides = array<i32>} : memref<64x128xf32, #tpu.memory_space<vmem>>, vector<16xf32>,
          %get3A_366 = arith.index_cast %scan3A_240 : i32 to index
          %get3A_367 = arith.constant 112 : index
          %get3A_368 = tpu.vector_load %arg13[%get3A_366, %get3A_367] {strides = array<i32>} : memref<64x128xf32, #tpu.memory_space<vmem>>, vector<16xf32>,
          %mul3A_369 = vector.broadcast %select_n3A : f32 to vector<16xf32>
          %mul3A_370 = arith.mulf %get3A_368, %mul3A_369 : vector<16xf32>
          %swap3A_371 = arith.index_cast %scan3A_240 : i32 to index
          %swap3A_372 = arith.constant 112 : index
          %swap3A_373 = tpu.vector_load %arg13[%swap3A_371, %swap3A_372] {strides = array<i32>} : memref<64x128xf32, #tpu.memory_space<vmem>>, vector<16xf32>,
          tpu.vector_store %arg13[%swap3A_371, %swap3A_372], %mul3A_370 {strides = array<i32>} : memref<64x128xf32, #tpu.memory_space<vmem>>, vector<16xf32>,
          %scan3A_374 = arith.constant 0 : i32
          scf.yield %scan3A_374 : i32
        }
        %scan3A_238 = arith.constant 64 : i32
        %run_scoped3A = arith.constant 0 : i32
        "tpu.region"() ({
          %run_scoped3A_240 = tpu.sem_alloc : memref<!tpu.dma_semaphore, #tpu.memory_space<semaphore_mem>>
          %dma_start3A_241 = arith.constant 0 : i32
          %dma_start3A_242 = tpu.memref_slice %arg16[%run_scoped3A, %dma_start3A_241] : memref<1x64xi32, #tpu.memory_space<vmem>> -> memref<1x64xi32, #tpu.memory_space<vmem>>
          %dma_start3A_243 = tpu.memref_squeeze %dma_start3A_242 : memref<1x64xi32, #tpu.memory_space<vmem>> -> memref<64xi32, #tpu.memory_space<vmem>>
          %dma_start3A_244 = arith.constant 0 : i32
          %dma_start3A_245 = arith.constant 0 : i32
          %dma_start3A_246 = tpu.memref_slice %arg19[%dma_start3A_244, %dma_start3A_245] : memref<4224x128xf32, #tpu.memory_space<vmem_shared>> -> memref<4224x128xf32, #tpu.memory_space<vmem_shared>>
          tpu.enqueue_indirect_dma source(%arg13 : memref<64x128xf32, #tpu.memory_space<vmem>>) target(%dma_start3A_246 : memref<4224x128xf32, #tpu.memory_space<vmem_shared>>) offsets(%dma_start3A_243 : memref<64xi32, #tpu.memory_space<vmem>>) semaphore(%run_scoped3A_240 : memref<!tpu.dma_semaphore, #tpu.memory_space<semaphore_mem>>) {add = true}
          %dma_wait3A_247 = arith.constant 0 : i32
          %dma_wait3A_248 = tpu.memref_slice %arg16[%run_scoped3A, %dma_wait3A_247] : memref<1x64xi32, #tpu.memory_space<vmem>> -> memref<1x64xi32, #tpu.memory_space<vmem>>
          %dma_wait3A_249 = tpu.memref_squeeze %dma_wait3A_248 : memref<1x64xi32, #tpu.memory_space<vmem>> -> memref<64xi32, #tpu.memory_space<vmem>>
          %dma_wait3A_250 = arith.constant 0 : i32
          %dma_wait3A_251 = arith.constant 0 : i32
          %dma_wait3A_252 = tpu.memref_slice %arg19[%dma_wait3A_250, %dma_wait3A_251] : memref<4224x128xf32, #tpu.memory_space<vmem_shared>> -> memref<4224x128xf32, #tpu.memory_space<vmem_shared>>
          tpu.wait_indirect_dma semaphore(%run_scoped3A_240 : memref<!tpu.dma_semaphore, #tpu.memory_space<semaphore_mem>>) src(%arg13 : memref<64x128xf32, #tpu.memory_space<vmem>>) dst(%dma_wait3A_252 : memref<4224x128xf32, #tpu.memory_space<vmem_shared>>)
          tpu.yield
        }) : () -> ()
        %while3A_239 = arith.constant 0 : i32
        scf.yield %while3A_239 : i32
      }
      %barrier3A_180 = arith.constant 0 : index
      tpu.barrier barrier_id(%barrier3A_180)
      %mul3A_181 = arith.constant 256 : i32
      %mul3A_182 = arith.muli %arg1, %mul3A_181 : i32
      %mul3A_183 = arith.constant 256 : i32
      %mul3A_184 = arith.muli %arg1, %mul3A_183 : i32
      %add3A_185 = arith.addi %mul3A_136, %mul3A_184 : i32
      "tpu.region"() ({
        %run_scoped3A = tpu.sem_alloc : memref<!tpu.dma_semaphore, #tpu.memory_space<semaphore_mem>>
        %dma_start3A = arith.constant 0 : i32
        %dma_start3A_187 = tpu.memref_slice %arg7[%add3A_185, %dma_start3A] : memref<50000x128xf32, #tpu.memory_space<hbm>> -> memref<256x128xf32, #tpu.memory_space<hbm>>
        %dma_start3A_188 = arith.constant 0 : i32
        %dma_start3A_189 = tpu.memref_slice %arg19[%mul3A_182, %dma_start3A_188] : memref<4224x128xf32, #tpu.memory_space<vmem_shared>> -> memref<256x128xf32, #tpu.memory_space<vmem_shared>>
        tpu.enqueue_dma source(%dma_start3A_189 : memref<256x128xf32, #tpu.memory_space<vmem_shared>>) target(%dma_start3A_187 : memref<256x128xf32, #tpu.memory_space<hbm>>) target_semaphore(%run_scoped3A : memref<!tpu.dma_semaphore, #tpu.memory_space<semaphore_mem>>)
        %dma_wait3A = arith.constant 0 : i32
        %dma_wait3A_190 = tpu.memref_slice %arg7[%add3A_185, %dma_wait3A] : memref<50000x128xf32, #tpu.memory_space<hbm>> -> memref<256x128xf32, #tpu.memory_space<hbm>>
        %dma_wait3A_191 = arith.constant 0 : i32
        %dma_wait3A_192 = tpu.memref_slice %arg19[%mul3A_182, %dma_wait3A_191] : memref<4224x128xf32, #tpu.memory_space<vmem_shared>> -> memref<256x128xf32, #tpu.memory_space<vmem_shared>>
        tpu.wait_dma2 semaphore(%run_scoped3A : memref<!tpu.dma_semaphore, #tpu.memory_space<semaphore_mem>>) src(%dma_wait3A_192 : memref<256x128xf32, #tpu.memory_space<vmem_shared>>) dst(%dma_wait3A_190 : memref<256x128xf32, #tpu.memory_space<hbm>>)
        tpu.yield
      }) : () -> ()
      %scan3A_186 = arith.constant 0 : i32
      scf.yield %scan3A_186 : i32
    }
    %scan3A_126 = arith.constant 6 : i32
    %eq3A_127 = arith.constant 0 : i32
    %eq3A_128 = arith.cmpi eq, %arg0, %eq3A_127 : i32
    %convert_element_type3A = arith.extui %eq3A_128 : i1 to i32
    %cond3A = arith.constant 0 : i32
    %cond3A_129 = arith.cmpi ne, %convert_element_type3A, %cond3A : i32
    scf.if %cond3A_129 {
      %mul3A_130 = arith.constant 12 : i32
      %mul3A_131 = arith.constant 4096 : i32
      %mul3A_132 = arith.muli %mul3A_130, %mul3A_131 : i32
      %get3A = arith.constant 12 : i32
      %get3A_133 = arith.index_cast %get3A : i32 to index
      %get3A_134 = memref.load %arg17[%get3A_133] : memref<64xi32, #tpu.memory_space<smem>>
      %add3A_135 = arith.constant 32 : i32
      %add3A_136 = arith.constant 12 : i32
      %add3A_137 = arith.addi %add3A_135, %add3A_136 : i32
      %get3A_138 = arith.index_cast %add3A_137 : i32 to index
      %get3A_139 = memref.load %arg17[%get3A_138] : memref<64xi32, #tpu.memory_space<smem>>
      %shift_right_arithmetic3A = arith.constant 6 : i32
      %shift_right_arithmetic3A_140 = arith.shrsi %get3A_134, %shift_right_arithmetic3A : i32
      %add3A_141 = arith.constant 64 : i32
      %add3A_142 = arith.addi %get3A_139, %add3A_141 : i32
      %sub3A = arith.constant 1 : i32
      %sub3A_143 = arith.subi %add3A_142, %sub3A : i32
      %shift_right_arithmetic3A_144 = arith.constant 6 : i32
      %shift_right_arithmetic3A_145 = arith.shrsi %sub3A_143, %shift_right_arithmetic3A_144 : i32
      %mul3A_146 = arith.constant 48 : i32
      %mul3A_147 = arith.muli %arg1, %mul3A_146 : i32
      %add3A_148 = arith.addi %mul3A_132, %mul3A_147 : i32
      %mul3A_149 = arith.constant 48 : i32
      %mul3A_150 = arith.muli %arg1, %mul3A_149 : i32
      "tpu.region"() ({
        %run_scoped3A = tpu.sem_alloc : memref<!tpu.dma_semaphore, #tpu.memory_space<semaphore_mem>>
        %dma_start3A = arith.constant 0 : i32
        %dma_start3A_196 = tpu.memref_slice %arg18[%mul3A_150, %dma_start3A] : memref<4224x128xf32, #tpu.memory_space<vmem_shared>> -> memref<48x128xf32, #tpu.memory_space<vmem_shared>>
        %dma_start3A_197 = arith.constant 0 : i32
        %dma_start3A_198 = tpu.memref_slice %arg2[%add3A_148, %dma_start3A_197] : memref<50000x128xf32, #tpu.memory_space<hbm>> -> memref<48x128xf32, #tpu.memory_space<hbm>>
        tpu.enqueue_dma source(%dma_start3A_198 : memref<48x128xf32, #tpu.memory_space<hbm>>) target(%dma_start3A_196 : memref<48x128xf32, #tpu.memory_space<vmem_shared>>) target_semaphore(%run_scoped3A : memref<!tpu.dma_semaphore, #tpu.memory_space<semaphore_mem>>)
        %dma_wait3A = arith.constant 0 : i32
        %dma_wait3A_199 = tpu.memref_slice %arg18[%mul3A_150, %dma_wait3A] : memref<4224x128xf32, #tpu.memory_space<vmem_shared>> -> memref<48x128xf32, #tpu.memory_space<vmem_shared>>
        %dma_wait3A_200 = arith.constant 0 : i32
        %dma_wait3A_201 = tpu.memref_slice %arg2[%add3A_148, %dma_wait3A_200] : memref<50000x128xf32, #tpu.memory_space<hbm>> -> memref<48x128xf32, #tpu.memory_space<hbm>>
        tpu.wait_dma2 semaphore(%run_scoped3A : memref<!tpu.dma_semaphore, #tpu.memory_space<semaphore_mem>>) src(%dma_wait3A_201 : memref<48x128xf32, #tpu.memory_space<hbm>>) dst(%dma_wait3A_199 : memref<48x128xf32, #tpu.memory_space<vmem_shared>>)
        tpu.yield
      }) : () -> ()
      %mul3A_151 = arith.constant 48 : i32
      %mul3A_152 = arith.muli %arg1, %mul3A_151 : i32
      %add3A_153 = arith.addi %mul3A_132, %mul3A_152 : i32
      %mul3A_154 = arith.constant 48 : i32
      %mul3A_155 = arith.muli %arg1, %mul3A_154 : i32
      "tpu.region"() ({
        %run_scoped3A = tpu.sem_alloc : memref<!tpu.dma_semaphore, #tpu.memory_space<semaphore_mem>>
        %dma_start3A = arith.constant 0 : i32
        %dma_start3A_196 = tpu.memref_slice %arg19[%mul3A_155, %dma_start3A] : memref<4224x128xf32, #tpu.memory_space<vmem_shared>> -> memref<48x128xf32, #tpu.memory_space<vmem_shared>>
        %dma_start3A_197 = arith.constant 0 : i32
        %dma_start3A_198 = tpu.memref_slice %arg3[%add3A_153, %dma_start3A_197] : memref<50000x128xf32, #tpu.memory_space<hbm>> -> memref<48x128xf32, #tpu.memory_space<hbm>>
        tpu.enqueue_dma source(%dma_start3A_198 : memref<48x128xf32, #tpu.memory_space<hbm>>) target(%dma_start3A_196 : memref<48x128xf32, #tpu.memory_space<vmem_shared>>) target_semaphore(%run_scoped3A : memref<!tpu.dma_semaphore, #tpu.memory_space<semaphore_mem>>)
        %dma_wait3A = arith.constant 0 : i32
        %dma_wait3A_199 = tpu.memref_slice %arg19[%mul3A_155, %dma_wait3A] : memref<4224x128xf32, #tpu.memory_space<vmem_shared>> -> memref<48x128xf32, #tpu.memory_space<vmem_shared>>
        %dma_wait3A_200 = arith.constant 0 : i32
        %dma_wait3A_201 = tpu.memref_slice %arg3[%add3A_153, %dma_wait3A_200] : memref<50000x128xf32, #tpu.memory_space<hbm>> -> memref<48x128xf32, #tpu.memory_space<hbm>>
        tpu.wait_dma2 semaphore(%run_scoped3A : memref<!tpu.dma_semaphore, #tpu.memory_space<semaphore_mem>>) src(%dma_wait3A_201 : memref<48x128xf32, #tpu.memory_space<hbm>>) dst(%dma_wait3A_199 : memref<48x128xf32, #tpu.memory_space<vmem_shared>>)
        tpu.yield
      }) : () -> ()
      %eq3A_156 = arith.constant 0 : i32
      %eq3A_157 = arith.cmpi eq, %arg1, %eq3A_156 : i32
      %convert_element_type3A_158 = arith.extui %eq3A_157 : i1 to i32
      %cond3A_159 = arith.constant 0 : i32
      %cond3A_160 = arith.cmpi ne, %convert_element_type3A_158, %cond3A_159 : i32
      scf.if %cond3A_160 {
        %add3A_196 = arith.constant 768 : i32
        %add3A_197 = arith.addi %mul3A_132, %add3A_196 : i32
        "tpu.region"() ({
          %run_scoped3A = tpu.sem_alloc : memref<!tpu.dma_semaphore, #tpu.memory_space<semaphore_mem>>
          %dma_start3A = arith.constant 768 : i32
          %dma_start3A_200 = arith.constant 0 : i32
          %dma_start3A_201 = tpu.memref_slice %arg18[%dma_start3A, %dma_start3A_200] : memref<4224x128xf32, #tpu.memory_space<vmem_shared>> -> memref<80x128xf32, #tpu.memory_space<vmem_shared>>
          %dma_start3A_202 = arith.constant 0 : i32
          %dma_start3A_203 = tpu.memref_slice %arg2[%add3A_197, %dma_start3A_202] : memref<50000x128xf32, #tpu.memory_space<hbm>> -> memref<80x128xf32, #tpu.memory_space<hbm>>
          tpu.enqueue_dma source(%dma_start3A_203 : memref<80x128xf32, #tpu.memory_space<hbm>>) target(%dma_start3A_201 : memref<80x128xf32, #tpu.memory_space<vmem_shared>>) target_semaphore(%run_scoped3A : memref<!tpu.dma_semaphore, #tpu.memory_space<semaphore_mem>>)
          %dma_wait3A = arith.constant 768 : i32
          %dma_wait3A_204 = arith.constant 0 : i32
          %dma_wait3A_205 = tpu.memref_slice %arg18[%dma_wait3A, %dma_wait3A_204] : memref<4224x128xf32, #tpu.memory_space<vmem_shared>> -> memref<80x128xf32, #tpu.memory_space<vmem_shared>>
          %dma_wait3A_206 = arith.constant 0 : i32
          %dma_wait3A_207 = tpu.memref_slice %arg2[%add3A_197, %dma_wait3A_206] : memref<50000x128xf32, #tpu.memory_space<hbm>> -> memref<80x128xf32, #tpu.memory_space<hbm>>
          tpu.wait_dma2 semaphore(%run_scoped3A : memref<!tpu.dma_semaphore, #tpu.memory_space<semaphore_mem>>) src(%dma_wait3A_207 : memref<80x128xf32, #tpu.memory_space<hbm>>) dst(%dma_wait3A_205 : memref<80x128xf32, #tpu.memory_space<vmem_shared>>)
          tpu.yield
        }) : () -> ()
        %add3A_198 = arith.constant 768 : i32
        %add3A_199 = arith.addi %mul3A_132, %add3A_198 : i32
        "tpu.region"() ({
          %run_scoped3A = tpu.sem_alloc : memref<!tpu.dma_semaphore, #tpu.memory_space<semaphore_mem>>
          %dma_start3A = arith.constant 768 : i32
          %dma_start3A_200 = arith.constant 0 : i32
          %dma_start3A_201 = tpu.memref_slice %arg19[%dma_start3A, %dma_start3A_200] : memref<4224x128xf32, #tpu.memory_space<vmem_shared>> -> memref<80x128xf32, #tpu.memory_space<vmem_shared>>
          %dma_start3A_202 = arith.constant 0 : i32
          %dma_start3A_203 = tpu.memref_slice %arg3[%add3A_199, %dma_start3A_202] : memref<50000x128xf32, #tpu.memory_space<hbm>> -> memref<80x128xf32, #tpu.memory_space<hbm>>
          tpu.enqueue_dma source(%dma_start3A_203 : memref<80x128xf32, #tpu.memory_space<hbm>>) target(%dma_start3A_201 : memref<80x128xf32, #tpu.memory_space<vmem_shared>>) target_semaphore(%run_scoped3A : memref<!tpu.dma_semaphore, #tpu.memory_space<semaphore_mem>>)
          %dma_wait3A = arith.constant 768 : i32
          %dma_wait3A_204 = arith.constant 0 : i32
          %dma_wait3A_205 = tpu.memref_slice %arg19[%dma_wait3A, %dma_wait3A_204] : memref<4224x128xf32, #tpu.memory_space<vmem_shared>> -> memref<80x128xf32, #tpu.memory_space<vmem_shared>>
          %dma_wait3A_206 = arith.constant 0 : i32
          %dma_wait3A_207 = tpu.memref_slice %arg3[%add3A_199, %dma_wait3A_206] : memref<50000x128xf32, #tpu.memory_space<hbm>> -> memref<80x128xf32, #tpu.memory_space<hbm>>
          tpu.wait_dma2 semaphore(%run_scoped3A : memref<!tpu.dma_semaphore, #tpu.memory_space<semaphore_mem>>) src(%dma_wait3A_207 : memref<80x128xf32, #tpu.memory_space<hbm>>) dst(%dma_wait3A_205 : memref<80x128xf32, #tpu.memory_space<vmem_shared>>)
          tpu.yield
        }) : () -> ()
      } else {
      }
      %barrier3A = arith.constant 0 : index
      tpu.barrier barrier_id(%barrier3A)
      %while3A = arith.constant 12 : i32
      %while3A_161 = arith.constant 0 : i32
      %while3A_162 = arith.subi %shift_right_arithmetic3A_145, %shift_right_arithmetic3A_140 : i32
      %while3A_163 = arith.addi %shift_right_arithmetic3A_140, %while3A_162 : i32
      %while3A_164 = arith.constant 1 : i32
      %while3A_165 = arith.divsi %while3A_162, %while3A_164 : i32
      %while3A_166 = arith.muli %while3A_165, %while3A_164 : i32
      %while3A_167 = arith.addi %shift_right_arithmetic3A_140, %while3A_166 : i32
      %while3A_168 = arith.constant 1 : i32
      %while3A_169 = scf.for %while3A_196 = %shift_right_arithmetic3A_140 to %while3A_167 step %while3A_168 iter_args(%while3A_197 = %while3A_161) -> (i32)  : i32 {
        %dma_start3A = arith.constant 0 : i32
        %dma_start3A_198 = tpu.memref_slice %arg10[%while3A_196, %dma_start3A] : memref<16x64xi32, #tpu.memory_space<vmem>> -> memref<1x64xi32, #tpu.memory_space<vmem>>
        %dma_start3A_199 = tpu.memref_squeeze %dma_start3A_198 : memref<1x64xi32, #tpu.memory_space<vmem>> -> memref<64xi32, #tpu.memory_space<vmem>>
        %dma_start3A_200 = arith.constant 0 : i32
        %dma_start3A_201 = arith.constant 0 : i32
        %dma_start3A_202 = tpu.memref_slice %arg5[%dma_start3A_200, %dma_start3A_201] : memref<16384x128xf32, #tpu.memory_space<hbm>> -> memref<16384x128xf32, #tpu.memory_space<hbm>>
        tpu.enqueue_indirect_dma source(%dma_start3A_202 : memref<16384x128xf32, #tpu.memory_space<hbm>>) target(%arg11 : memref<64x128xf32, #tpu.memory_space<vmem>>) offsets(%dma_start3A_199 : memref<64xi32, #tpu.memory_space<vmem>>) semaphore(%arg22 : memref<!tpu.dma_semaphore, #tpu.memory_space<semaphore_mem>>)
        %scan3A_203 = arith.constant 0 : i32
        %scan3A_204 = arith.constant 0 : i32
        %scan3A_205 = arith.constant 4 : i32
        %scan3A_206 = arith.addi %scan3A_204, %scan3A_205 : i32
        %scan3A_207 = arith.constant 1 : i32
        %scan3A_208 = scf.for %scan3A_216 = %scan3A_204 to %scan3A_206 step %scan3A_207 iter_args(%scan3A_217 = %scan3A_203) -> (i32)  : i32 {
          %mul3A_218 = arith.constant 16 : i32
          %mul3A_219 = arith.muli %scan3A_216, %mul3A_218 : i32
          %get3A_220 = arith.index_cast %while3A_196 : i32 to index
          %get3A_221 = arith.index_cast %mul3A_219 : i32 to index
          %get3A_222 = tpu.vector_load %arg9[%get3A_220, %get3A_221] {strides = array<i32>} : memref<16x64xi32, #tpu.memory_space<vmem>>, vector<16xi32>,
          %shift_right_arithmetic3A_223 = arith.constant 13 : i32
          %shift_right_arithmetic3A_224 = vector.broadcast %shift_right_arithmetic3A_223 : i32 to vector<16xi32>
          %shift_right_arithmetic3A_225 = arith.shrsi %get3A_222, %shift_right_arithmetic3A_224 : vector<16xi32>
          %eq3A_226 = vector.broadcast %while3A : i32 to vector<16xi32>
          %eq3A_227 = arith.cmpi eq, %shift_right_arithmetic3A_225, %eq3A_226 : vector<16xi32>
          %and3A = arith.constant 8191 : i32
          %and3A_228 = vector.broadcast %and3A : i32 to vector<16xi32>
          %and3A_229 = arith.andi %get3A_222, %and3A_228 : vector<16xi32>
          %shift_right_arithmetic3A_230 = arith.constant 1 : i32
          %shift_right_arithmetic3A_231 = vector.broadcast %shift_right_arithmetic3A_230 : i32 to vector<16xi32>
          %shift_right_arithmetic3A_232 = arith.shrsi %and3A_229, %shift_right_arithmetic3A_231 : vector<16xi32>
          %add3A_233 = arith.addi %get3A_222, %iota3A : vector<16xi32>
          %and3A_234 = arith.constant 127 : i32
          %and3A_235 = vector.broadcast %and3A_234 : i32 to vector<16xi32>
          %and3A_236 = arith.andi %add3A_233, %and3A_235 : vector<16xi32>
          %add3A_237 = arith.constant 4096 : i32
          %add3A_238 = vector.broadcast %add3A_237 : i32 to vector<16xi32>
          %add3A_239 = arith.addi %add3A_238, %and3A_236 : vector<16xi32>
          %select_n3A = arith.select %eq3A_227, %shift_right_arithmetic3A_232, %add3A_239 : vector<16xi1>, vector<16xi32>
          %mul3A_240 = arith.constant 16 : i32
          %mul3A_241 = arith.muli %scan3A_216, %mul3A_240 : i32
          %swap3A_242 = arith.constant 0 : i32
          %swap3A_243 = arith.index_cast %swap3A_242 : i32 to index
          %swap3A_244 = arith.index_cast %mul3A_241 : i32 to index
          %swap3A_245 = tpu.vector_load %arg14[%swap3A_243, %swap3A_244] {strides = array<i32>} : memref<1x64xi32, #tpu.memory_space<vmem>>, vector<16xi32>,
          tpu.vector_store %arg14[%swap3A_243, %swap3A_244], %select_n3A {strides = array<i32>} : memref<1x64xi32, #tpu.memory_space<vmem>>, vector<16xi32>,
          %scan3A_246 = arith.constant 0 : i32
          scf.yield %scan3A_246 : i32
        }
        %scan3A_209 = arith.constant 4 : i32
        %dma_wait3A = arith.constant 0 : i32
        %dma_wait3A_210 = tpu.memref_slice %arg10[%while3A_196, %dma_wait3A] : memref<16x64xi32, #tpu.memory_space<vmem>> -> memref<1x64xi32, #tpu.memory_space<vmem>>
        %dma_wait3A_211 = tpu.memref_squeeze %dma_wait3A_210 : memref<1x64xi32, #tpu.memory_space<vmem>> -> memref<64xi32, #tpu.memory_space<vmem>>
        %dma_wait3A_212 = arith.constant 0 : i32
        %dma_wait3A_213 = arith.constant 0 : i32
        %dma_wait3A_214 = tpu.memref_slice %arg5[%dma_wait3A_212, %dma_wait3A_213] : memref<16384x128xf32, #tpu.memory_space<hbm>> -> memref<16384x128xf32, #tpu.memory_space<hbm>>
        tpu.wait_indirect_dma semaphore(%arg22 : memref<!tpu.dma_semaphore, #tpu.memory_space<semaphore_mem>>) src(%dma_wait3A_214 : memref<16384x128xf32, #tpu.memory_space<hbm>>) dst(%arg11 : memref<64x128xf32, #tpu.memory_space<vmem>>)
        %run_scoped3A = arith.constant 0 : i32
        "tpu.region"() ({
          %run_scoped3A_216 = tpu.sem_alloc : memref<!tpu.dma_semaphore, #tpu.memory_space<semaphore_mem>>
          %dma_start3A_217 = arith.constant 0 : i32
          %dma_start3A_218 = tpu.memref_slice %arg14[%run_scoped3A, %dma_start3A_217] : memref<1x64xi32, #tpu.memory_space<vmem>> -> memref<1x64xi32, #tpu.memory_space<vmem>>
          %dma_start3A_219 = tpu.memref_squeeze %dma_start3A_218 : memref<1x64xi32, #tpu.memory_space<vmem>> -> memref<64xi32, #tpu.memory_space<vmem>>
          %dma_start3A_220 = arith.constant 0 : i32
          %dma_start3A_221 = arith.constant 0 : i32
          %dma_start3A_222 = tpu.memref_slice %arg18[%dma_start3A_220, %dma_start3A_221] : memref<4224x128xf32, #tpu.memory_space<vmem_shared>> -> memref<4224x128xf32, #tpu.memory_space<vmem_shared>>
          tpu.enqueue_indirect_dma source(%arg11 : memref<64x128xf32, #tpu.memory_space<vmem>>) target(%dma_start3A_222 : memref<4224x128xf32, #tpu.memory_space<vmem_shared>>) offsets(%dma_start3A_219 : memref<64xi32, #tpu.memory_space<vmem>>) semaphore(%run_scoped3A_216 : memref<!tpu.dma_semaphore, #tpu.memory_space<semaphore_mem>>) {add = true}
          %dma_wait3A_223 = arith.constant 0 : i32
          %dma_wait3A_224 = tpu.memref_slice %arg14[%run_scoped3A, %dma_wait3A_223] : memref<1x64xi32, #tpu.memory_space<vmem>> -> memref<1x64xi32, #tpu.memory_space<vmem>>
          %dma_wait3A_225 = tpu.memref_squeeze %dma_wait3A_224 : memref<1x64xi32, #tpu.memory_space<vmem>> -> memref<64xi32, #tpu.memory_space<vmem>>
          %dma_wait3A_226 = arith.constant 0 : i32
          %dma_wait3A_227 = arith.constant 0 : i32
          %dma_wait3A_228 = tpu.memref_slice %arg18[%dma_wait3A_226, %dma_wait3A_227] : memref<4224x128xf32, #tpu.memory_space<vmem_shared>> -> memref<4224x128xf32, #tpu.memory_space<vmem_shared>>
          tpu.wait_indirect_dma semaphore(%run_scoped3A_216 : memref<!tpu.dma_semaphore, #tpu.memory_space<semaphore_mem>>) src(%arg11 : memref<64x128xf32, #tpu.memory_space<vmem>>) dst(%dma_wait3A_228 : memref<4224x128xf32, #tpu.memory_space<vmem_shared>>)
          tpu.yield
        }) : () -> ()
        %while3A_215 = arith.constant 0 : i32
        scf.yield %while3A_215 : i32
      }
      %while3A_170 = arith.constant 1 : i32
      %while3A_171 = scf.for %while3A_196 = %while3A_167 to %while3A_163 step %while3A_170 iter_args(%while3A_197 = %while3A_169) -> (i32)  : i32 {
        %dma_start3A = arith.constant 0 : i32
        %dma_start3A_198 = tpu.memref_slice %arg10[%while3A_196, %dma_start3A] : memref<16x64xi32, #tpu.memory_space<vmem>> -> memref<1x64xi32, #tpu.memory_space<vmem>>
        %dma_start3A_199 = tpu.memref_squeeze %dma_start3A_198 : memref<1x64xi32, #tpu.memory_space<vmem>> -> memref<64xi32, #tpu.memory_space<vmem>>
        %dma_start3A_200 = arith.constant 0 : i32
        %dma_start3A_201 = arith.constant 0 : i32
        %dma_start3A_202 = tpu.memref_slice %arg5[%dma_start3A_200, %dma_start3A_201] : memref<16384x128xf32, #tpu.memory_space<hbm>> -> memref<16384x128xf32, #tpu.memory_space<hbm>>
        tpu.enqueue_indirect_dma source(%dma_start3A_202 : memref<16384x128xf32, #tpu.memory_space<hbm>>) target(%arg11 : memref<64x128xf32, #tpu.memory_space<vmem>>) offsets(%dma_start3A_199 : memref<64xi32, #tpu.memory_space<vmem>>) semaphore(%arg22 : memref<!tpu.dma_semaphore, #tpu.memory_space<semaphore_mem>>)
        %scan3A_203 = arith.constant 0 : i32
        %scan3A_204 = arith.constant 0 : i32
        %scan3A_205 = arith.constant 4 : i32
        %scan3A_206 = arith.addi %scan3A_204, %scan3A_205 : i32
        %scan3A_207 = arith.constant 1 : i32
        %scan3A_208 = scf.for %scan3A_216 = %scan3A_204 to %scan3A_206 step %scan3A_207 iter_args(%scan3A_217 = %scan3A_203) -> (i32)  : i32 {
          %mul3A_218 = arith.constant 16 : i32
          %mul3A_219 = arith.muli %scan3A_216, %mul3A_218 : i32
          %get3A_220 = arith.index_cast %while3A_196 : i32 to index
          %get3A_221 = arith.index_cast %mul3A_219 : i32 to index
          %get3A_222 = tpu.vector_load %arg9[%get3A_220, %get3A_221] {strides = array<i32>} : memref<16x64xi32, #tpu.memory_space<vmem>>, vector<16xi32>,
          %shift_right_arithmetic3A_223 = arith.constant 13 : i32
          %shift_right_arithmetic3A_224 = vector.broadcast %shift_right_arithmetic3A_223 : i32 to vector<16xi32>
          %shift_right_arithmetic3A_225 = arith.shrsi %get3A_222, %shift_right_arithmetic3A_224 : vector<16xi32>
          %eq3A_226 = vector.broadcast %while3A : i32 to vector<16xi32>
          %eq3A_227 = arith.cmpi eq, %shift_right_arithmetic3A_225, %eq3A_226 : vector<16xi32>
          %and3A = arith.constant 8191 : i32
          %and3A_228 = vector.broadcast %and3A : i32 to vector<16xi32>
          %and3A_229 = arith.andi %get3A_222, %and3A_228 : vector<16xi32>
          %shift_right_arithmetic3A_230 = arith.constant 1 : i32
          %shift_right_arithmetic3A_231 = vector.broadcast %shift_right_arithmetic3A_230 : i32 to vector<16xi32>
          %shift_right_arithmetic3A_232 = arith.shrsi %and3A_229, %shift_right_arithmetic3A_231 : vector<16xi32>
          %add3A_233 = arith.addi %get3A_222, %iota3A : vector<16xi32>
          %and3A_234 = arith.constant 127 : i32
          %and3A_235 = vector.broadcast %and3A_234 : i32 to vector<16xi32>
          %and3A_236 = arith.andi %add3A_233, %and3A_235 : vector<16xi32>
          %add3A_237 = arith.constant 4096 : i32
          %add3A_238 = vector.broadcast %add3A_237 : i32 to vector<16xi32>
          %add3A_239 = arith.addi %add3A_238, %and3A_236 : vector<16xi32>
          %select_n3A = arith.select %eq3A_227, %shift_right_arithmetic3A_232, %add3A_239 : vector<16xi1>, vector<16xi32>
          %mul3A_240 = arith.constant 16 : i32
          %mul3A_241 = arith.muli %scan3A_216, %mul3A_240 : i32
          %swap3A_242 = arith.constant 0 : i32
          %swap3A_243 = arith.index_cast %swap3A_242 : i32 to index
          %swap3A_244 = arith.index_cast %mul3A_241 : i32 to index
          %swap3A_245 = tpu.vector_load %arg14[%swap3A_243, %swap3A_244] {strides = array<i32>} : memref<1x64xi32, #tpu.memory_space<vmem>>, vector<16xi32>,
          tpu.vector_store %arg14[%swap3A_243, %swap3A_244], %select_n3A {strides = array<i32>} : memref<1x64xi32, #tpu.memory_space<vmem>>, vector<16xi32>,
          %scan3A_246 = arith.constant 0 : i32
          scf.yield %scan3A_246 : i32
        }
        %scan3A_209 = arith.constant 4 : i32
        %dma_wait3A = arith.constant 0 : i32
        %dma_wait3A_210 = tpu.memref_slice %arg10[%while3A_196, %dma_wait3A] : memref<16x64xi32, #tpu.memory_space<vmem>> -> memref<1x64xi32, #tpu.memory_space<vmem>>
        %dma_wait3A_211 = tpu.memref_squeeze %dma_wait3A_210 : memref<1x64xi32, #tpu.memory_space<vmem>> -> memref<64xi32, #tpu.memory_space<vmem>>
        %dma_wait3A_212 = arith.constant 0 : i32
        %dma_wait3A_213 = arith.constant 0 : i32
        %dma_wait3A_214 = tpu.memref_slice %arg5[%dma_wait3A_212, %dma_wait3A_213] : memref<16384x128xf32, #tpu.memory_space<hbm>> -> memref<16384x128xf32, #tpu.memory_space<hbm>>
        tpu.wait_indirect_dma semaphore(%arg22 : memref<!tpu.dma_semaphore, #tpu.memory_space<semaphore_mem>>) src(%dma_wait3A_214 : memref<16384x128xf32, #tpu.memory_space<hbm>>) dst(%arg11 : memref<64x128xf32, #tpu.memory_space<vmem>>)
        %run_scoped3A = arith.constant 0 : i32
        "tpu.region"() ({
          %run_scoped3A_216 = tpu.sem_alloc : memref<!tpu.dma_semaphore, #tpu.memory_space<semaphore_mem>>
          %dma_start3A_217 = arith.constant 0 : i32
          %dma_start3A_218 = tpu.memref_slice %arg14[%run_scoped3A, %dma_start3A_217] : memref<1x64xi32, #tpu.memory_space<vmem>> -> memref<1x64xi32, #tpu.memory_space<vmem>>
          %dma_start3A_219 = tpu.memref_squeeze %dma_start3A_218 : memref<1x64xi32, #tpu.memory_space<vmem>> -> memref<64xi32, #tpu.memory_space<vmem>>
          %dma_start3A_220 = arith.constant 0 : i32
          %dma_start3A_221 = arith.constant 0 : i32
          %dma_start3A_222 = tpu.memref_slice %arg18[%dma_start3A_220, %dma_start3A_221] : memref<4224x128xf32, #tpu.memory_space<vmem_shared>> -> memref<4224x128xf32, #tpu.memory_space<vmem_shared>>
          tpu.enqueue_indirect_dma source(%arg11 : memref<64x128xf32, #tpu.memory_space<vmem>>) target(%dma_start3A_222 : memref<4224x128xf32, #tpu.memory_space<vmem_shared>>) offsets(%dma_start3A_219 : memref<64xi32, #tpu.memory_space<vmem>>) semaphore(%run_scoped3A_216 : memref<!tpu.dma_semaphore, #tpu.memory_space<semaphore_mem>>) {add = true}
          %dma_wait3A_223 = arith.constant 0 : i32
          %dma_wait3A_224 = tpu.memref_slice %arg14[%run_scoped3A, %dma_wait3A_223] : memref<1x64xi32, #tpu.memory_space<vmem>> -> memref<1x64xi32, #tpu.memory_space<vmem>>
          %dma_wait3A_225 = tpu.memref_squeeze %dma_wait3A_224 : memref<1x64xi32, #tpu.memory_space<vmem>> -> memref<64xi32, #tpu.memory_space<vmem>>
          %dma_wait3A_226 = arith.constant 0 : i32
          %dma_wait3A_227 = arith.constant 0 : i32
          %dma_wait3A_228 = tpu.memref_slice %arg18[%dma_wait3A_226, %dma_wait3A_227] : memref<4224x128xf32, #tpu.memory_space<vmem_shared>> -> memref<4224x128xf32, #tpu.memory_space<vmem_shared>>
          tpu.wait_indirect_dma semaphore(%run_scoped3A_216 : memref<!tpu.dma_semaphore, #tpu.memory_space<semaphore_mem>>) src(%arg11 : memref<64x128xf32, #tpu.memory_space<vmem>>) dst(%dma_wait3A_228 : memref<4224x128xf32, #tpu.memory_space<vmem_shared>>)
          tpu.yield
        }) : () -> ()
        %while3A_215 = arith.constant 0 : i32
        scf.yield %while3A_215 : i32
      }
      %barrier3A_172 = arith.constant 0 : index
      tpu.barrier barrier_id(%barrier3A_172)
      %while3A_173 = arith.constant 12 : i32
      %while3A_174 = arith.constant 0 : i32
      %while3A_175 = arith.subi %shift_right_arithmetic3A_145, %shift_right_arithmetic3A_140 : i32
      %while3A_176 = arith.addi %shift_right_arithmetic3A_140, %while3A_175 : i32
      %while3A_177 = arith.constant 1 : i32
      %while3A_178 = arith.divsi %while3A_175, %while3A_177 : i32
      %while3A_179 = arith.muli %while3A_178, %while3A_177 : i32
      %while3A_180 = arith.addi %shift_right_arithmetic3A_140, %while3A_179 : i32
      %while3A_181 = arith.constant 1 : i32
      %while3A_182 = scf.for %while3A_196 = %shift_right_arithmetic3A_140 to %while3A_180 step %while3A_181 iter_args(%while3A_197 = %while3A_174) -> (i32)  : i32 {
        %scan3A_198 = arith.constant 0 : i32
        %scan3A_199 = arith.constant 0 : i32
        %scan3A_200 = arith.constant 4 : i32
        %scan3A_201 = arith.addi %scan3A_199, %scan3A_200 : i32
        %scan3A_202 = arith.constant 1 : i32
        %scan3A_203 = scf.for %scan3A_249 = %scan3A_199 to %scan3A_201 step %scan3A_202 iter_args(%scan3A_250 = %scan3A_198) -> (i32)  : i32 {
          %mul3A_251 = arith.constant 16 : i32
          %mul3A_252 = arith.muli %scan3A_249, %mul3A_251 : i32
          %get3A_253 = arith.index_cast %while3A_196 : i32 to index
          %get3A_254 = arith.index_cast %mul3A_252 : i32 to index
          %get3A_255 = tpu.vector_load %arg9[%get3A_253, %get3A_254] {strides = array<i32>} : memref<16x64xi32, #tpu.memory_space<vmem>>, vector<16xi32>,
          %and3A = arith.constant 8191 : i32
          %and3A_256 = vector.broadcast %and3A : i32 to vector<16xi32>
          %and3A_257 = arith.andi %get3A_255, %and3A_256 : vector<16xi32>
          %shift_right_arithmetic3A_258 = arith.constant 1 : i32
          %shift_right_arithmetic3A_259 = vector.broadcast %shift_right_arithmetic3A_258 : i32 to vector<16xi32>
          %shift_right_arithmetic3A_260 = arith.shrsi %and3A_257, %shift_right_arithmetic3A_259 : vector<16xi32>
          %shift_right_arithmetic3A_261 = arith.constant 13 : i32
          %shift_right_arithmetic3A_262 = vector.broadcast %shift_right_arithmetic3A_261 : i32 to vector<16xi32>
          %shift_right_arithmetic3A_263 = arith.shrsi %get3A_255, %shift_right_arithmetic3A_262 : vector<16xi32>
          %eq3A_264 = vector.broadcast %while3A_173 : i32 to vector<16xi32>
          %eq3A_265 = arith.cmpi eq, %shift_right_arithmetic3A_263, %eq3A_264 : vector<16xi32>
          %mul3A_266 = arith.constant 16 : i32
          %mul3A_267 = arith.muli %scan3A_249, %mul3A_266 : i32
          %swap3A_268 = arith.constant 0 : i32
          %swap3A_269 = arith.index_cast %swap3A_268 : i32 to index
          %swap3A_270 = arith.index_cast %mul3A_267 : i32 to index
          %swap3A_271 = tpu.vector_load %arg15[%swap3A_269, %swap3A_270] {strides = array<i32>} : memref<1x64xi32, #tpu.memory_space<vmem>>, vector<16xi32>,
          tpu.vector_store %arg15[%swap3A_269, %swap3A_270], %shift_right_arithmetic3A_260 {strides = array<i32>} : memref<1x64xi32, #tpu.memory_space<vmem>>, vector<16xi32>,
          %add3A_272 = arith.addi %get3A_255, %iota3A : vector<16xi32>
          %and3A_273 = arith.constant 127 : i32
          %and3A_274 = vector.broadcast %and3A_273 : i32 to vector<16xi32>
          %and3A_275 = arith.andi %add3A_272, %and3A_274 : vector<16xi32>
          %add3A_276 = arith.constant 4096 : i32
          %add3A_277 = vector.broadcast %add3A_276 : i32 to vector<16xi32>
          %add3A_278 = arith.addi %add3A_277, %and3A_275 : vector<16xi32>
          %select_n3A = arith.select %eq3A_265, %shift_right_arithmetic3A_260, %add3A_278 : vector<16xi1>, vector<16xi32>
          %mul3A_279 = arith.constant 16 : i32
          %mul3A_280 = arith.muli %scan3A_249, %mul3A_279 : i32
          %swap3A_281 = arith.constant 0 : i32
          %swap3A_282 = arith.index_cast %swap3A_281 : i32 to index
          %swap3A_283 = arith.index_cast %mul3A_280 : i32 to index
          %swap3A_284 = tpu.vector_load %arg16[%swap3A_282, %swap3A_283] {strides = array<i32>} : memref<1x64xi32, #tpu.memory_space<vmem>>, vector<16xi32>,
          tpu.vector_store %arg16[%swap3A_282, %swap3A_283], %select_n3A {strides = array<i32>} : memref<1x64xi32, #tpu.memory_space<vmem>>, vector<16xi32>,
          %scan3A_285 = arith.constant 0 : i32
          scf.yield %scan3A_285 : i32
        }
        %scan3A_204 = arith.constant 4 : i32
        %dma_start3A = arith.constant 0 : i32
        %dma_start3A_205 = arith.constant 0 : i32
        %dma_start3A_206 = tpu.memref_slice %arg15[%dma_start3A, %dma_start3A_205] : memref<1x64xi32, #tpu.memory_space<vmem>> -> memref<1x64xi32, #tpu.memory_space<vmem>>
        %dma_start3A_207 = tpu.memref_squeeze %dma_start3A_206 : memref<1x64xi32, #tpu.memory_space<vmem>> -> memref<64xi32, #tpu.memory_space<vmem>>
        %dma_start3A_208 = arith.constant 0 : i32
        %dma_start3A_209 = arith.constant 0 : i32
        %dma_start3A_210 = tpu.memref_slice %arg18[%dma_start3A_208, %dma_start3A_209] : memref<4224x128xf32, #tpu.memory_space<vmem_shared>> -> memref<4224x128xf32, #tpu.memory_space<vmem_shared>>
        tpu.enqueue_indirect_dma source(%dma_start3A_210 : memref<4224x128xf32, #tpu.memory_space<vmem_shared>>) target(%arg12 : memref<64x128xf32, #tpu.memory_space<vmem>>) offsets(%dma_start3A_207 : memref<64xi32, #tpu.memory_space<vmem>>) semaphore(%arg20 : memref<!tpu.dma_semaphore, #tpu.memory_space<semaphore_mem>>)
        %dma_start3A_211 = arith.constant 0 : i32
        %dma_start3A_212 = tpu.memref_slice %arg10[%while3A_196, %dma_start3A_211] : memref<16x64xi32, #tpu.memory_space<vmem>> -> memref<1x64xi32, #tpu.memory_space<vmem>>
        %dma_start3A_213 = tpu.memref_squeeze %dma_start3A_212 : memref<1x64xi32, #tpu.memory_space<vmem>> -> memref<64xi32, #tpu.memory_space<vmem>>
        %dma_start3A_214 = arith.constant 0 : i32
        %dma_start3A_215 = arith.constant 0 : i32
        %dma_start3A_216 = tpu.memref_slice %arg5[%dma_start3A_214, %dma_start3A_215] : memref<16384x128xf32, #tpu.memory_space<hbm>> -> memref<16384x128xf32, #tpu.memory_space<hbm>>
        tpu.enqueue_indirect_dma source(%dma_start3A_216 : memref<16384x128xf32, #tpu.memory_space<hbm>>) target(%arg11 : memref<64x128xf32, #tpu.memory_space<vmem>>) offsets(%dma_start3A_213 : memref<64xi32, #tpu.memory_space<vmem>>) semaphore(%arg21 : memref<!tpu.dma_semaphore, #tpu.memory_space<semaphore_mem>>)
        %dma_start3A_217 = arith.constant 0 : i32
        %dma_start3A_218 = tpu.memref_slice %arg10[%while3A_196, %dma_start3A_217] : memref<16x64xi32, #tpu.memory_space<vmem>> -> memref<1x64xi32, #tpu.memory_space<vmem>>
        %dma_start3A_219 = tpu.memref_squeeze %dma_start3A_218 : memref<1x64xi32, #tpu.memory_space<vmem>> -> memref<64xi32, #tpu.memory_space<vmem>>
        %dma_start3A_220 = arith.constant 0 : i32
        %dma_start3A_221 = arith.constant 0 : i32
        %dma_start3A_222 = tpu.memref_slice %arg6[%dma_start3A_220, %dma_start3A_221] : memref<16384x128xf32, #tpu.memory_space<hbm>> -> memref<16384x128xf32, #tpu.memory_space<hbm>>
        tpu.enqueue_indirect_dma source(%dma_start3A_222 : memref<16384x128xf32, #tpu.memory_space<hbm>>) target(%arg13 : memref<64x128xf32, #tpu.memory_space<vmem>>) offsets(%dma_start3A_219 : memref<64xi32, #tpu.memory_space<vmem>>) semaphore(%arg22 : memref<!tpu.dma_semaphore, #tpu.memory_space<semaphore_mem>>)
        %dma_wait3A = arith.constant 0 : i32
        %dma_wait3A_223 = arith.constant 0 : i32
        %dma_wait3A_224 = tpu.memref_slice %arg15[%dma_wait3A, %dma_wait3A_223] : memref<1x64xi32, #tpu.memory_space<vmem>> -> memref<1x64xi32, #tpu.memory_space<vmem>>
        %dma_wait3A_225 = tpu.memref_squeeze %dma_wait3A_224 : memref<1x64xi32, #tpu.memory_space<vmem>> -> memref<64xi32, #tpu.memory_space<vmem>>
        %dma_wait3A_226 = arith.constant 0 : i32
        %dma_wait3A_227 = arith.constant 0 : i32
        %dma_wait3A_228 = tpu.memref_slice %arg18[%dma_wait3A_226, %dma_wait3A_227] : memref<4224x128xf32, #tpu.memory_space<vmem_shared>> -> memref<4224x128xf32, #tpu.memory_space<vmem_shared>>
        tpu.wait_indirect_dma semaphore(%arg20 : memref<!tpu.dma_semaphore, #tpu.memory_space<semaphore_mem>>) src(%dma_wait3A_228 : memref<4224x128xf32, #tpu.memory_space<vmem_shared>>) dst(%arg12 : memref<64x128xf32, #tpu.memory_space<vmem>>)
        %dma_wait3A_229 = arith.constant 0 : i32
        %dma_wait3A_230 = tpu.memref_slice %arg10[%while3A_196, %dma_wait3A_229] : memref<16x64xi32, #tpu.memory_space<vmem>> -> memref<1x64xi32, #tpu.memory_space<vmem>>
        %dma_wait3A_231 = tpu.memref_squeeze %dma_wait3A_230 : memref<1x64xi32, #tpu.memory_space<vmem>> -> memref<64xi32, #tpu.memory_space<vmem>>
        %dma_wait3A_232 = arith.constant 0 : i32
        %dma_wait3A_233 = arith.constant 0 : i32
        %dma_wait3A_234 = tpu.memref_slice %arg5[%dma_wait3A_232, %dma_wait3A_233] : memref<16384x128xf32, #tpu.memory_space<hbm>> -> memref<16384x128xf32, #tpu.memory_space<hbm>>
        tpu.wait_indirect_dma semaphore(%arg21 : memref<!tpu.dma_semaphore, #tpu.memory_space<semaphore_mem>>) src(%dma_wait3A_234 : memref<16384x128xf32, #tpu.memory_space<hbm>>) dst(%arg11 : memref<64x128xf32, #tpu.memory_space<vmem>>)
        %dma_wait3A_235 = arith.constant 0 : i32
        %dma_wait3A_236 = tpu.memref_slice %arg10[%while3A_196, %dma_wait3A_235] : memref<16x64xi32, #tpu.memory_space<vmem>> -> memref<1x64xi32, #tpu.memory_space<vmem>>
        %dma_wait3A_237 = tpu.memref_squeeze %dma_wait3A_236 : memref<1x64xi32, #tpu.memory_space<vmem>> -> memref<64xi32, #tpu.memory_space<vmem>>
        %dma_wait3A_238 = arith.constant 0 : i32
        %dma_wait3A_239 = arith.constant 0 : i32
        %dma_wait3A_240 = tpu.memref_slice %arg6[%dma_wait3A_238, %dma_wait3A_239] : memref<16384x128xf32, #tpu.memory_space<hbm>> -> memref<16384x128xf32, #tpu.memory_space<hbm>>
        tpu.wait_indirect_dma semaphore(%arg22 : memref<!tpu.dma_semaphore, #tpu.memory_space<semaphore_mem>>) src(%dma_wait3A_240 : memref<16384x128xf32, #tpu.memory_space<hbm>>) dst(%arg13 : memref<64x128xf32, #tpu.memory_space<vmem>>)
        %scan3A_241 = arith.constant 0 : i32
        %scan3A_242 = arith.constant 0 : i32
        %scan3A_243 = arith.constant 64 : i32
        %scan3A_244 = arith.addi %scan3A_242, %scan3A_243 : i32
        %scan3A_245 = arith.constant 1 : i32
        %scan3A_246 = scf.for %scan3A_249 = %scan3A_242 to %scan3A_244 step %scan3A_245 iter_args(%scan3A_250 = %scan3A_241) -> (i32)  : i32 {
          %get3A_251 = arith.index_cast %scan3A_249 : i32 to index
          %get3A_252 = arith.constant 0 : index
          %get3A_253 = tpu.vector_load %arg12[%get3A_251, %get3A_252] {strides = array<i32>} : memref<64x128xf32, #tpu.memory_space<vmem>>, vector<16xf32>,
          %get3A_254 = arith.index_cast %scan3A_249 : i32 to index
          %get3A_255 = arith.constant 0 : index
          %get3A_256 = tpu.vector_load %arg11[%get3A_254, %get3A_255] {strides = array<i32>} : memref<64x128xf32, #tpu.memory_space<vmem>>, vector<16xf32>,
          %mul3A_257 = arith.mulf %get3A_253, %get3A_256 : vector<16xf32>
          %get3A_258 = arith.index_cast %scan3A_249 : i32 to index
          %get3A_259 = arith.constant 16 : index
          %get3A_260 = tpu.vector_load %arg12[%get3A_258, %get3A_259] {strides = array<i32>} : memref<64x128xf32, #tpu.memory_space<vmem>>, vector<16xf32>,
          %get3A_261 = arith.index_cast %scan3A_249 : i32 to index
          %get3A_262 = arith.constant 16 : index
          %get3A_263 = tpu.vector_load %arg11[%get3A_261, %get3A_262] {strides = array<i32>} : memref<64x128xf32, #tpu.memory_space<vmem>>, vector<16xf32>,
          %mul3A_264 = arith.mulf %get3A_260, %get3A_263 : vector<16xf32>
          %add3A_265 = arith.addf %mul3A_257, %mul3A_264 : vector<16xf32>
          %get3A_266 = arith.index_cast %scan3A_249 : i32 to index
          %get3A_267 = arith.constant 32 : index
          %get3A_268 = tpu.vector_load %arg12[%get3A_266, %get3A_267] {strides = array<i32>} : memref<64x128xf32, #tpu.memory_space<vmem>>, vector<16xf32>,
          %get3A_269 = arith.index_cast %scan3A_249 : i32 to index
          %get3A_270 = arith.constant 32 : index
          %get3A_271 = tpu.vector_load %arg11[%get3A_269, %get3A_270] {strides = array<i32>} : memref<64x128xf32, #tpu.memory_space<vmem>>, vector<16xf32>,
          %mul3A_272 = arith.mulf %get3A_268, %get3A_271 : vector<16xf32>
          %add3A_273 = arith.addf %add3A_265, %mul3A_272 : vector<16xf32>
          %get3A_274 = arith.index_cast %scan3A_249 : i32 to index
          %get3A_275 = arith.constant 48 : index
          %get3A_276 = tpu.vector_load %arg12[%get3A_274, %get3A_275] {strides = array<i32>} : memref<64x128xf32, #tpu.memory_space<vmem>>, vector<16xf32>,
          %get3A_277 = arith.index_cast %scan3A_249 : i32 to index
          %get3A_278 = arith.constant 48 : index
          %get3A_279 = tpu.vector_load %arg11[%get3A_277, %get3A_278] {strides = array<i32>} : memref<64x128xf32, #tpu.memory_space<vmem>>, vector<16xf32>,
          %mul3A_280 = arith.mulf %get3A_276, %get3A_279 : vector<16xf32>
          %add3A_281 = arith.addf %add3A_273, %mul3A_280 : vector<16xf32>
          %get3A_282 = arith.index_cast %scan3A_249 : i32 to index
          %get3A_283 = arith.constant 64 : index
          %get3A_284 = tpu.vector_load %arg12[%get3A_282, %get3A_283] {strides = array<i32>} : memref<64x128xf32, #tpu.memory_space<vmem>>, vector<16xf32>,
          %get3A_285 = arith.index_cast %scan3A_249 : i32 to index
          %get3A_286 = arith.constant 64 : index
          %get3A_287 = tpu.vector_load %arg11[%get3A_285, %get3A_286] {strides = array<i32>} : memref<64x128xf32, #tpu.memory_space<vmem>>, vector<16xf32>,
          %mul3A_288 = arith.mulf %get3A_284, %get3A_287 : vector<16xf32>
          %add3A_289 = arith.addf %add3A_281, %mul3A_288 : vector<16xf32>
          %get3A_290 = arith.index_cast %scan3A_249 : i32 to index
          %get3A_291 = arith.constant 80 : index
          %get3A_292 = tpu.vector_load %arg12[%get3A_290, %get3A_291] {strides = array<i32>} : memref<64x128xf32, #tpu.memory_space<vmem>>, vector<16xf32>,
          %get3A_293 = arith.index_cast %scan3A_249 : i32 to index
          %get3A_294 = arith.constant 80 : index
          %get3A_295 = tpu.vector_load %arg11[%get3A_293, %get3A_294] {strides = array<i32>} : memref<64x128xf32, #tpu.memory_space<vmem>>, vector<16xf32>,
          %mul3A_296 = arith.mulf %get3A_292, %get3A_295 : vector<16xf32>
          %add3A_297 = arith.addf %add3A_289, %mul3A_296 : vector<16xf32>
          %get3A_298 = arith.index_cast %scan3A_249 : i32 to index
          %get3A_299 = arith.constant 96 : index
          %get3A_300 = tpu.vector_load %arg12[%get3A_298, %get3A_299] {strides = array<i32>} : memref<64x128xf32, #tpu.memory_space<vmem>>, vector<16xf32>,
          %get3A_301 = arith.index_cast %scan3A_249 : i32 to index
          %get3A_302 = arith.constant 96 : index
          %get3A_303 = tpu.vector_load %arg11[%get3A_301, %get3A_302] {strides = array<i32>} : memref<64x128xf32, #tpu.memory_space<vmem>>, vector<16xf32>,
          %mul3A_304 = arith.mulf %get3A_300, %get3A_303 : vector<16xf32>
          %add3A_305 = arith.addf %add3A_297, %mul3A_304 : vector<16xf32>
          %get3A_306 = arith.index_cast %scan3A_249 : i32 to index
          %get3A_307 = arith.constant 112 : index
          %get3A_308 = tpu.vector_load %arg12[%get3A_306, %get3A_307] {strides = array<i32>} : memref<64x128xf32, #tpu.memory_space<vmem>>, vector<16xf32>,
          %get3A_309 = arith.index_cast %scan3A_249 : i32 to index
          %get3A_310 = arith.constant 112 : index
          %get3A_311 = tpu.vector_load %arg11[%get3A_309, %get3A_310] {strides = array<i32>} : memref<64x128xf32, #tpu.memory_space<vmem>>, vector<16xf32>,
          %mul3A_312 = arith.mulf %get3A_308, %get3A_311 : vector<16xf32>
          %add3A_313 = arith.addf %add3A_305, %mul3A_312 : vector<16xf32>
          %reduce_sum3A = arith.constant true
          %reduce_sum3A_314 = vector.broadcast %reduce_sum3A : i1 to vector<16xi1>
          %reduce_sum3A_315 = tpu.scan <sum>, %add3A_313 masked %reduce_sum3A_314 : vector<16xf32>, vector<16xi1> -> vector<16xf32>
          %reduce_sum3A_316 = vector.extract %reduce_sum3A_315[15] : f32 from vector<16xf32>
          %gt3A = arith.constant 1.500000e-02 : f32
          %gt3A_317 = arith.cmpf ogt, %reduce_sum3A_316, %gt3A : f32
          %jit3A = arith.constant 5.000000e-02 : f32
          %jit3A_318 = arith.constant 0.000000e+00 : f32
          %select_n3A = arith.select %gt3A_317, %jit3A, %jit3A_318 : f32
          %get3A_319 = arith.index_cast %scan3A_249 : i32 to index
          %get3A_320 = arith.constant 0 : index
          %get3A_321 = tpu.vector_load %arg13[%get3A_319, %get3A_320] {strides = array<i32>} : memref<64x128xf32, #tpu.memory_space<vmem>>, vector<16xf32>,
          %mul3A_322 = vector.broadcast %select_n3A : f32 to vector<16xf32>
          %mul3A_323 = arith.mulf %get3A_321, %mul3A_322 : vector<16xf32>
          %swap3A_324 = arith.index_cast %scan3A_249 : i32 to index
          %swap3A_325 = arith.constant 0 : index
          %swap3A_326 = tpu.vector_load %arg13[%swap3A_324, %swap3A_325] {strides = array<i32>} : memref<64x128xf32, #tpu.memory_space<vmem>>, vector<16xf32>,
          tpu.vector_store %arg13[%swap3A_324, %swap3A_325], %mul3A_323 {strides = array<i32>} : memref<64x128xf32, #tpu.memory_space<vmem>>, vector<16xf32>,
          %get3A_327 = arith.index_cast %scan3A_249 : i32 to index
          %get3A_328 = arith.constant 16 : index
          %get3A_329 = tpu.vector_load %arg13[%get3A_327, %get3A_328] {strides = array<i32>} : memref<64x128xf32, #tpu.memory_space<vmem>>, vector<16xf32>,
          %mul3A_330 = vector.broadcast %select_n3A : f32 to vector<16xf32>
          %mul3A_331 = arith.mulf %get3A_329, %mul3A_330 : vector<16xf32>
          %swap3A_332 = arith.index_cast %scan3A_249 : i32 to index
          %swap3A_333 = arith.constant 16 : index
          %swap3A_334 = tpu.vector_load %arg13[%swap3A_332, %swap3A_333] {strides = array<i32>} : memref<64x128xf32, #tpu.memory_space<vmem>>, vector<16xf32>,
          tpu.vector_store %arg13[%swap3A_332, %swap3A_333], %mul3A_331 {strides = array<i32>} : memref<64x128xf32, #tpu.memory_space<vmem>>, vector<16xf32>,
          %get3A_335 = arith.index_cast %scan3A_249 : i32 to index
          %get3A_336 = arith.constant 32 : index
          %get3A_337 = tpu.vector_load %arg13[%get3A_335, %get3A_336] {strides = array<i32>} : memref<64x128xf32, #tpu.memory_space<vmem>>, vector<16xf32>,
          %mul3A_338 = vector.broadcast %select_n3A : f32 to vector<16xf32>
          %mul3A_339 = arith.mulf %get3A_337, %mul3A_338 : vector<16xf32>
          %swap3A_340 = arith.index_cast %scan3A_249 : i32 to index
          %swap3A_341 = arith.constant 32 : index
          %swap3A_342 = tpu.vector_load %arg13[%swap3A_340, %swap3A_341] {strides = array<i32>} : memref<64x128xf32, #tpu.memory_space<vmem>>, vector<16xf32>,
          tpu.vector_store %arg13[%swap3A_340, %swap3A_341], %mul3A_339 {strides = array<i32>} : memref<64x128xf32, #tpu.memory_space<vmem>>, vector<16xf32>,
          %get3A_343 = arith.index_cast %scan3A_249 : i32 to index
          %get3A_344 = arith.constant 48 : index
          %get3A_345 = tpu.vector_load %arg13[%get3A_343, %get3A_344] {strides = array<i32>} : memref<64x128xf32, #tpu.memory_space<vmem>>, vector<16xf32>,
          %mul3A_346 = vector.broadcast %select_n3A : f32 to vector<16xf32>
          %mul3A_347 = arith.mulf %get3A_345, %mul3A_346 : vector<16xf32>
          %swap3A_348 = arith.index_cast %scan3A_249 : i32 to index
          %swap3A_349 = arith.constant 48 : index
          %swap3A_350 = tpu.vector_load %arg13[%swap3A_348, %swap3A_349] {strides = array<i32>} : memref<64x128xf32, #tpu.memory_space<vmem>>, vector<16xf32>,
          tpu.vector_store %arg13[%swap3A_348, %swap3A_349], %mul3A_347 {strides = array<i32>} : memref<64x128xf32, #tpu.memory_space<vmem>>, vector<16xf32>,
          %get3A_351 = arith.index_cast %scan3A_249 : i32 to index
          %get3A_352 = arith.constant 64 : index
          %get3A_353 = tpu.vector_load %arg13[%get3A_351, %get3A_352] {strides = array<i32>} : memref<64x128xf32, #tpu.memory_space<vmem>>, vector<16xf32>,
          %mul3A_354 = vector.broadcast %select_n3A : f32 to vector<16xf32>
          %mul3A_355 = arith.mulf %get3A_353, %mul3A_354 : vector<16xf32>
          %swap3A_356 = arith.index_cast %scan3A_249 : i32 to index
          %swap3A_357 = arith.constant 64 : index
          %swap3A_358 = tpu.vector_load %arg13[%swap3A_356, %swap3A_357] {strides = array<i32>} : memref<64x128xf32, #tpu.memory_space<vmem>>, vector<16xf32>,
          tpu.vector_store %arg13[%swap3A_356, %swap3A_357], %mul3A_355 {strides = array<i32>} : memref<64x128xf32, #tpu.memory_space<vmem>>, vector<16xf32>,
          %get3A_359 = arith.index_cast %scan3A_249 : i32 to index
          %get3A_360 = arith.constant 80 : index
          %get3A_361 = tpu.vector_load %arg13[%get3A_359, %get3A_360] {strides = array<i32>} : memref<64x128xf32, #tpu.memory_space<vmem>>, vector<16xf32>,
          %mul3A_362 = vector.broadcast %select_n3A : f32 to vector<16xf32>
          %mul3A_363 = arith.mulf %get3A_361, %mul3A_362 : vector<16xf32>
          %swap3A_364 = arith.index_cast %scan3A_249 : i32 to index
          %swap3A_365 = arith.constant 80 : index
          %swap3A_366 = tpu.vector_load %arg13[%swap3A_364, %swap3A_365] {strides = array<i32>} : memref<64x128xf32, #tpu.memory_space<vmem>>, vector<16xf32>,
          tpu.vector_store %arg13[%swap3A_364, %swap3A_365], %mul3A_363 {strides = array<i32>} : memref<64x128xf32, #tpu.memory_space<vmem>>, vector<16xf32>,
          %get3A_367 = arith.index_cast %scan3A_249 : i32 to index
          %get3A_368 = arith.constant 96 : index
          %get3A_369 = tpu.vector_load %arg13[%get3A_367, %get3A_368] {strides = array<i32>} : memref<64x128xf32, #tpu.memory_space<vmem>>, vector<16xf32>,
          %mul3A_370 = vector.broadcast %select_n3A : f32 to vector<16xf32>
          %mul3A_371 = arith.mulf %get3A_369, %mul3A_370 : vector<16xf32>
          %swap3A_372 = arith.index_cast %scan3A_249 : i32 to index
          %swap3A_373 = arith.constant 96 : index
          %swap3A_374 = tpu.vector_load %arg13[%swap3A_372, %swap3A_373] {strides = array<i32>} : memref<64x128xf32, #tpu.memory_space<vmem>>, vector<16xf32>,
          tpu.vector_store %arg13[%swap3A_372, %swap3A_373], %mul3A_371 {strides = array<i32>} : memref<64x128xf32, #tpu.memory_space<vmem>>, vector<16xf32>,
          %get3A_375 = arith.index_cast %scan3A_249 : i32 to index
          %get3A_376 = arith.constant 112 : index
          %get3A_377 = tpu.vector_load %arg13[%get3A_375, %get3A_376] {strides = array<i32>} : memref<64x128xf32, #tpu.memory_space<vmem>>, vector<16xf32>,
          %mul3A_378 = vector.broadcast %select_n3A : f32 to vector<16xf32>
          %mul3A_379 = arith.mulf %get3A_377, %mul3A_378 : vector<16xf32>
          %swap3A_380 = arith.index_cast %scan3A_249 : i32 to index
          %swap3A_381 = arith.constant 112 : index
          %swap3A_382 = tpu.vector_load %arg13[%swap3A_380, %swap3A_381] {strides = array<i32>} : memref<64x128xf32, #tpu.memory_space<vmem>>, vector<16xf32>,
          tpu.vector_store %arg13[%swap3A_380, %swap3A_381], %mul3A_379 {strides = array<i32>} : memref<64x128xf32, #tpu.memory_space<vmem>>, vector<16xf32>,
          %scan3A_383 = arith.constant 0 : i32
          scf.yield %scan3A_383 : i32
        }
        %scan3A_247 = arith.constant 64 : i32
        %run_scoped3A = arith.constant 0 : i32
        "tpu.region"() ({
          %run_scoped3A_249 = tpu.sem_alloc : memref<!tpu.dma_semaphore, #tpu.memory_space<semaphore_mem>>
          %dma_start3A_250 = arith.constant 0 : i32
          %dma_start3A_251 = tpu.memref_slice %arg16[%run_scoped3A, %dma_start3A_250] : memref<1x64xi32, #tpu.memory_space<vmem>> -> memref<1x64xi32, #tpu.memory_space<vmem>>
          %dma_start3A_252 = tpu.memref_squeeze %dma_start3A_251 : memref<1x64xi32, #tpu.memory_space<vmem>> -> memref<64xi32, #tpu.memory_space<vmem>>
          %dma_start3A_253 = arith.constant 0 : i32
          %dma_start3A_254 = arith.constant 0 : i32
          %dma_start3A_255 = tpu.memref_slice %arg19[%dma_start3A_253, %dma_start3A_254] : memref<4224x128xf32, #tpu.memory_space<vmem_shared>> -> memref<4224x128xf32, #tpu.memory_space<vmem_shared>>
          tpu.enqueue_indirect_dma source(%arg13 : memref<64x128xf32, #tpu.memory_space<vmem>>) target(%dma_start3A_255 : memref<4224x128xf32, #tpu.memory_space<vmem_shared>>) offsets(%dma_start3A_252 : memref<64xi32, #tpu.memory_space<vmem>>) semaphore(%run_scoped3A_249 : memref<!tpu.dma_semaphore, #tpu.memory_space<semaphore_mem>>) {add = true}
          %dma_wait3A_256 = arith.constant 0 : i32
          %dma_wait3A_257 = tpu.memref_slice %arg16[%run_scoped3A, %dma_wait3A_256] : memref<1x64xi32, #tpu.memory_space<vmem>> -> memref<1x64xi32, #tpu.memory_space<vmem>>
          %dma_wait3A_258 = tpu.memref_squeeze %dma_wait3A_257 : memref<1x64xi32, #tpu.memory_space<vmem>> -> memref<64xi32, #tpu.memory_space<vmem>>
          %dma_wait3A_259 = arith.constant 0 : i32
          %dma_wait3A_260 = arith.constant 0 : i32
          %dma_wait3A_261 = tpu.memref_slice %arg19[%dma_wait3A_259, %dma_wait3A_260] : memref<4224x128xf32, #tpu.memory_space<vmem_shared>> -> memref<4224x128xf32, #tpu.memory_space<vmem_shared>>
          tpu.wait_indirect_dma semaphore(%run_scoped3A_249 : memref<!tpu.dma_semaphore, #tpu.memory_space<semaphore_mem>>) src(%arg13 : memref<64x128xf32, #tpu.memory_space<vmem>>) dst(%dma_wait3A_261 : memref<4224x128xf32, #tpu.memory_space<vmem_shared>>)
          tpu.yield
        }) : () -> ()
        %while3A_248 = arith.constant 0 : i32
        scf.yield %while3A_248 : i32
      }
      %while3A_183 = arith.constant 1 : i32
      %while3A_184 = scf.for %while3A_196 = %while3A_180 to %while3A_176 step %while3A_183 iter_args(%while3A_197 = %while3A_182) -> (i32)  : i32 {
        %scan3A_198 = arith.constant 0 : i32
        %scan3A_199 = arith.constant 0 : i32
        %scan3A_200 = arith.constant 4 : i32
        %scan3A_201 = arith.addi %scan3A_199, %scan3A_200 : i32
        %scan3A_202 = arith.constant 1 : i32
        %scan3A_203 = scf.for %scan3A_249 = %scan3A_199 to %scan3A_201 step %scan3A_202 iter_args(%scan3A_250 = %scan3A_198) -> (i32)  : i32 {
          %mul3A_251 = arith.constant 16 : i32
          %mul3A_252 = arith.muli %scan3A_249, %mul3A_251 : i32
          %get3A_253 = arith.index_cast %while3A_196 : i32 to index
          %get3A_254 = arith.index_cast %mul3A_252 : i32 to index
          %get3A_255 = tpu.vector_load %arg9[%get3A_253, %get3A_254] {strides = array<i32>} : memref<16x64xi32, #tpu.memory_space<vmem>>, vector<16xi32>,
          %and3A = arith.constant 8191 : i32
          %and3A_256 = vector.broadcast %and3A : i32 to vector<16xi32>
          %and3A_257 = arith.andi %get3A_255, %and3A_256 : vector<16xi32>
          %shift_right_arithmetic3A_258 = arith.constant 1 : i32
          %shift_right_arithmetic3A_259 = vector.broadcast %shift_right_arithmetic3A_258 : i32 to vector<16xi32>
          %shift_right_arithmetic3A_260 = arith.shrsi %and3A_257, %shift_right_arithmetic3A_259 : vector<16xi32>
          %shift_right_arithmetic3A_261 = arith.constant 13 : i32
          %shift_right_arithmetic3A_262 = vector.broadcast %shift_right_arithmetic3A_261 : i32 to vector<16xi32>
          %shift_right_arithmetic3A_263 = arith.shrsi %get3A_255, %shift_right_arithmetic3A_262 : vector<16xi32>
          %eq3A_264 = vector.broadcast %while3A_173 : i32 to vector<16xi32>
          %eq3A_265 = arith.cmpi eq, %shift_right_arithmetic3A_263, %eq3A_264 : vector<16xi32>
          %mul3A_266 = arith.constant 16 : i32
          %mul3A_267 = arith.muli %scan3A_249, %mul3A_266 : i32
          %swap3A_268 = arith.constant 0 : i32
          %swap3A_269 = arith.index_cast %swap3A_268 : i32 to index
          %swap3A_270 = arith.index_cast %mul3A_267 : i32 to index
          %swap3A_271 = tpu.vector_load %arg15[%swap3A_269, %swap3A_270] {strides = array<i32>} : memref<1x64xi32, #tpu.memory_space<vmem>>, vector<16xi32>,
          tpu.vector_store %arg15[%swap3A_269, %swap3A_270], %shift_right_arithmetic3A_260 {strides = array<i32>} : memref<1x64xi32, #tpu.memory_space<vmem>>, vector<16xi32>,
          %add3A_272 = arith.addi %get3A_255, %iota3A : vector<16xi32>
          %and3A_273 = arith.constant 127 : i32
          %and3A_274 = vector.broadcast %and3A_273 : i32 to vector<16xi32>
          %and3A_275 = arith.andi %add3A_272, %and3A_274 : vector<16xi32>
          %add3A_276 = arith.constant 4096 : i32
          %add3A_277 = vector.broadcast %add3A_276 : i32 to vector<16xi32>
          %add3A_278 = arith.addi %add3A_277, %and3A_275 : vector<16xi32>
          %select_n3A = arith.select %eq3A_265, %shift_right_arithmetic3A_260, %add3A_278 : vector<16xi1>, vector<16xi32>
          %mul3A_279 = arith.constant 16 : i32
          %mul3A_280 = arith.muli %scan3A_249, %mul3A_279 : i32
          %swap3A_281 = arith.constant 0 : i32
          %swap3A_282 = arith.index_cast %swap3A_281 : i32 to index
          %swap3A_283 = arith.index_cast %mul3A_280 : i32 to index
          %swap3A_284 = tpu.vector_load %arg16[%swap3A_282, %swap3A_283] {strides = array<i32>} : memref<1x64xi32, #tpu.memory_space<vmem>>, vector<16xi32>,
          tpu.vector_store %arg16[%swap3A_282, %swap3A_283], %select_n3A {strides = array<i32>} : memref<1x64xi32, #tpu.memory_space<vmem>>, vector<16xi32>,
          %scan3A_285 = arith.constant 0 : i32
          scf.yield %scan3A_285 : i32
        }
        %scan3A_204 = arith.constant 4 : i32
        %dma_start3A = arith.constant 0 : i32
        %dma_start3A_205 = arith.constant 0 : i32
        %dma_start3A_206 = tpu.memref_slice %arg15[%dma_start3A, %dma_start3A_205] : memref<1x64xi32, #tpu.memory_space<vmem>> -> memref<1x64xi32, #tpu.memory_space<vmem>>
        %dma_start3A_207 = tpu.memref_squeeze %dma_start3A_206 : memref<1x64xi32, #tpu.memory_space<vmem>> -> memref<64xi32, #tpu.memory_space<vmem>>
        %dma_start3A_208 = arith.constant 0 : i32
        %dma_start3A_209 = arith.constant 0 : i32
        %dma_start3A_210 = tpu.memref_slice %arg18[%dma_start3A_208, %dma_start3A_209] : memref<4224x128xf32, #tpu.memory_space<vmem_shared>> -> memref<4224x128xf32, #tpu.memory_space<vmem_shared>>
        tpu.enqueue_indirect_dma source(%dma_start3A_210 : memref<4224x128xf32, #tpu.memory_space<vmem_shared>>) target(%arg12 : memref<64x128xf32, #tpu.memory_space<vmem>>) offsets(%dma_start3A_207 : memref<64xi32, #tpu.memory_space<vmem>>) semaphore(%arg20 : memref<!tpu.dma_semaphore, #tpu.memory_space<semaphore_mem>>)
        %dma_start3A_211 = arith.constant 0 : i32
        %dma_start3A_212 = tpu.memref_slice %arg10[%while3A_196, %dma_start3A_211] : memref<16x64xi32, #tpu.memory_space<vmem>> -> memref<1x64xi32, #tpu.memory_space<vmem>>
        %dma_start3A_213 = tpu.memref_squeeze %dma_start3A_212 : memref<1x64xi32, #tpu.memory_space<vmem>> -> memref<64xi32, #tpu.memory_space<vmem>>
        %dma_start3A_214 = arith.constant 0 : i32
        %dma_start3A_215 = arith.constant 0 : i32
        %dma_start3A_216 = tpu.memref_slice %arg5[%dma_start3A_214, %dma_start3A_215] : memref<16384x128xf32, #tpu.memory_space<hbm>> -> memref<16384x128xf32, #tpu.memory_space<hbm>>
        tpu.enqueue_indirect_dma source(%dma_start3A_216 : memref<16384x128xf32, #tpu.memory_space<hbm>>) target(%arg11 : memref<64x128xf32, #tpu.memory_space<vmem>>) offsets(%dma_start3A_213 : memref<64xi32, #tpu.memory_space<vmem>>) semaphore(%arg21 : memref<!tpu.dma_semaphore, #tpu.memory_space<semaphore_mem>>)
        %dma_start3A_217 = arith.constant 0 : i32
        %dma_start3A_218 = tpu.memref_slice %arg10[%while3A_196, %dma_start3A_217] : memref<16x64xi32, #tpu.memory_space<vmem>> -> memref<1x64xi32, #tpu.memory_space<vmem>>
        %dma_start3A_219 = tpu.memref_squeeze %dma_start3A_218 : memref<1x64xi32, #tpu.memory_space<vmem>> -> memref<64xi32, #tpu.memory_space<vmem>>
        %dma_start3A_220 = arith.constant 0 : i32
        %dma_start3A_221 = arith.constant 0 : i32
        %dma_start3A_222 = tpu.memref_slice %arg6[%dma_start3A_220, %dma_start3A_221] : memref<16384x128xf32, #tpu.memory_space<hbm>> -> memref<16384x128xf32, #tpu.memory_space<hbm>>
        tpu.enqueue_indirect_dma source(%dma_start3A_222 : memref<16384x128xf32, #tpu.memory_space<hbm>>) target(%arg13 : memref<64x128xf32, #tpu.memory_space<vmem>>) offsets(%dma_start3A_219 : memref<64xi32, #tpu.memory_space<vmem>>) semaphore(%arg22 : memref<!tpu.dma_semaphore, #tpu.memory_space<semaphore_mem>>)
        %dma_wait3A = arith.constant 0 : i32
        %dma_wait3A_223 = arith.constant 0 : i32
        %dma_wait3A_224 = tpu.memref_slice %arg15[%dma_wait3A, %dma_wait3A_223] : memref<1x64xi32, #tpu.memory_space<vmem>> -> memref<1x64xi32, #tpu.memory_space<vmem>>
        %dma_wait3A_225 = tpu.memref_squeeze %dma_wait3A_224 : memref<1x64xi32, #tpu.memory_space<vmem>> -> memref<64xi32, #tpu.memory_space<vmem>>
        %dma_wait3A_226 = arith.constant 0 : i32
        %dma_wait3A_227 = arith.constant 0 : i32
        %dma_wait3A_228 = tpu.memref_slice %arg18[%dma_wait3A_226, %dma_wait3A_227] : memref<4224x128xf32, #tpu.memory_space<vmem_shared>> -> memref<4224x128xf32, #tpu.memory_space<vmem_shared>>
        tpu.wait_indirect_dma semaphore(%arg20 : memref<!tpu.dma_semaphore, #tpu.memory_space<semaphore_mem>>) src(%dma_wait3A_228 : memref<4224x128xf32, #tpu.memory_space<vmem_shared>>) dst(%arg12 : memref<64x128xf32, #tpu.memory_space<vmem>>)
        %dma_wait3A_229 = arith.constant 0 : i32
        %dma_wait3A_230 = tpu.memref_slice %arg10[%while3A_196, %dma_wait3A_229] : memref<16x64xi32, #tpu.memory_space<vmem>> -> memref<1x64xi32, #tpu.memory_space<vmem>>
        %dma_wait3A_231 = tpu.memref_squeeze %dma_wait3A_230 : memref<1x64xi32, #tpu.memory_space<vmem>> -> memref<64xi32, #tpu.memory_space<vmem>>
        %dma_wait3A_232 = arith.constant 0 : i32
        %dma_wait3A_233 = arith.constant 0 : i32
        %dma_wait3A_234 = tpu.memref_slice %arg5[%dma_wait3A_232, %dma_wait3A_233] : memref<16384x128xf32, #tpu.memory_space<hbm>> -> memref<16384x128xf32, #tpu.memory_space<hbm>>
        tpu.wait_indirect_dma semaphore(%arg21 : memref<!tpu.dma_semaphore, #tpu.memory_space<semaphore_mem>>) src(%dma_wait3A_234 : memref<16384x128xf32, #tpu.memory_space<hbm>>) dst(%arg11 : memref<64x128xf32, #tpu.memory_space<vmem>>)
        %dma_wait3A_235 = arith.constant 0 : i32
        %dma_wait3A_236 = tpu.memref_slice %arg10[%while3A_196, %dma_wait3A_235] : memref<16x64xi32, #tpu.memory_space<vmem>> -> memref<1x64xi32, #tpu.memory_space<vmem>>
        %dma_wait3A_237 = tpu.memref_squeeze %dma_wait3A_236 : memref<1x64xi32, #tpu.memory_space<vmem>> -> memref<64xi32, #tpu.memory_space<vmem>>
        %dma_wait3A_238 = arith.constant 0 : i32
        %dma_wait3A_239 = arith.constant 0 : i32
        %dma_wait3A_240 = tpu.memref_slice %arg6[%dma_wait3A_238, %dma_wait3A_239] : memref<16384x128xf32, #tpu.memory_space<hbm>> -> memref<16384x128xf32, #tpu.memory_space<hbm>>
        tpu.wait_indirect_dma semaphore(%arg22 : memref<!tpu.dma_semaphore, #tpu.memory_space<semaphore_mem>>) src(%dma_wait3A_240 : memref<16384x128xf32, #tpu.memory_space<hbm>>) dst(%arg13 : memref<64x128xf32, #tpu.memory_space<vmem>>)
        %scan3A_241 = arith.constant 0 : i32
        %scan3A_242 = arith.constant 0 : i32
        %scan3A_243 = arith.constant 64 : i32
        %scan3A_244 = arith.addi %scan3A_242, %scan3A_243 : i32
        %scan3A_245 = arith.constant 1 : i32
        %scan3A_246 = scf.for %scan3A_249 = %scan3A_242 to %scan3A_244 step %scan3A_245 iter_args(%scan3A_250 = %scan3A_241) -> (i32)  : i32 {
          %get3A_251 = arith.index_cast %scan3A_249 : i32 to index
          %get3A_252 = arith.constant 0 : index
          %get3A_253 = tpu.vector_load %arg12[%get3A_251, %get3A_252] {strides = array<i32>} : memref<64x128xf32, #tpu.memory_space<vmem>>, vector<16xf32>,
          %get3A_254 = arith.index_cast %scan3A_249 : i32 to index
          %get3A_255 = arith.constant 0 : index
          %get3A_256 = tpu.vector_load %arg11[%get3A_254, %get3A_255] {strides = array<i32>} : memref<64x128xf32, #tpu.memory_space<vmem>>, vector<16xf32>,
          %mul3A_257 = arith.mulf %get3A_253, %get3A_256 : vector<16xf32>
          %get3A_258 = arith.index_cast %scan3A_249 : i32 to index
          %get3A_259 = arith.constant 16 : index
          %get3A_260 = tpu.vector_load %arg12[%get3A_258, %get3A_259] {strides = array<i32>} : memref<64x128xf32, #tpu.memory_space<vmem>>, vector<16xf32>,
          %get3A_261 = arith.index_cast %scan3A_249 : i32 to index
          %get3A_262 = arith.constant 16 : index
          %get3A_263 = tpu.vector_load %arg11[%get3A_261, %get3A_262] {strides = array<i32>} : memref<64x128xf32, #tpu.memory_space<vmem>>, vector<16xf32>,
          %mul3A_264 = arith.mulf %get3A_260, %get3A_263 : vector<16xf32>
          %add3A_265 = arith.addf %mul3A_257, %mul3A_264 : vector<16xf32>
          %get3A_266 = arith.index_cast %scan3A_249 : i32 to index
          %get3A_267 = arith.constant 32 : index
          %get3A_268 = tpu.vector_load %arg12[%get3A_266, %get3A_267] {strides = array<i32>} : memref<64x128xf32, #tpu.memory_space<vmem>>, vector<16xf32>,
          %get3A_269 = arith.index_cast %scan3A_249 : i32 to index
          %get3A_270 = arith.constant 32 : index
          %get3A_271 = tpu.vector_load %arg11[%get3A_269, %get3A_270] {strides = array<i32>} : memref<64x128xf32, #tpu.memory_space<vmem>>, vector<16xf32>,
          %mul3A_272 = arith.mulf %get3A_268, %get3A_271 : vector<16xf32>
          %add3A_273 = arith.addf %add3A_265, %mul3A_272 : vector<16xf32>
          %get3A_274 = arith.index_cast %scan3A_249 : i32 to index
          %get3A_275 = arith.constant 48 : index
          %get3A_276 = tpu.vector_load %arg12[%get3A_274, %get3A_275] {strides = array<i32>} : memref<64x128xf32, #tpu.memory_space<vmem>>, vector<16xf32>,
          %get3A_277 = arith.index_cast %scan3A_249 : i32 to index
          %get3A_278 = arith.constant 48 : index
          %get3A_279 = tpu.vector_load %arg11[%get3A_277, %get3A_278] {strides = array<i32>} : memref<64x128xf32, #tpu.memory_space<vmem>>, vector<16xf32>,
          %mul3A_280 = arith.mulf %get3A_276, %get3A_279 : vector<16xf32>
          %add3A_281 = arith.addf %add3A_273, %mul3A_280 : vector<16xf32>
          %get3A_282 = arith.index_cast %scan3A_249 : i32 to index
          %get3A_283 = arith.constant 64 : index
          %get3A_284 = tpu.vector_load %arg12[%get3A_282, %get3A_283] {strides = array<i32>} : memref<64x128xf32, #tpu.memory_space<vmem>>, vector<16xf32>,
          %get3A_285 = arith.index_cast %scan3A_249 : i32 to index
          %get3A_286 = arith.constant 64 : index
          %get3A_287 = tpu.vector_load %arg11[%get3A_285, %get3A_286] {strides = array<i32>} : memref<64x128xf32, #tpu.memory_space<vmem>>, vector<16xf32>,
          %mul3A_288 = arith.mulf %get3A_284, %get3A_287 : vector<16xf32>
          %add3A_289 = arith.addf %add3A_281, %mul3A_288 : vector<16xf32>
          %get3A_290 = arith.index_cast %scan3A_249 : i32 to index
          %get3A_291 = arith.constant 80 : index
          %get3A_292 = tpu.vector_load %arg12[%get3A_290, %get3A_291] {strides = array<i32>} : memref<64x128xf32, #tpu.memory_space<vmem>>, vector<16xf32>,
          %get3A_293 = arith.index_cast %scan3A_249 : i32 to index
          %get3A_294 = arith.constant 80 : index
          %get3A_295 = tpu.vector_load %arg11[%get3A_293, %get3A_294] {strides = array<i32>} : memref<64x128xf32, #tpu.memory_space<vmem>>, vector<16xf32>,
          %mul3A_296 = arith.mulf %get3A_292, %get3A_295 : vector<16xf32>
          %add3A_297 = arith.addf %add3A_289, %mul3A_296 : vector<16xf32>
          %get3A_298 = arith.index_cast %scan3A_249 : i32 to index
          %get3A_299 = arith.constant 96 : index
          %get3A_300 = tpu.vector_load %arg12[%get3A_298, %get3A_299] {strides = array<i32>} : memref<64x128xf32, #tpu.memory_space<vmem>>, vector<16xf32>,
          %get3A_301 = arith.index_cast %scan3A_249 : i32 to index
          %get3A_302 = arith.constant 96 : index
          %get3A_303 = tpu.vector_load %arg11[%get3A_301, %get3A_302] {strides = array<i32>} : memref<64x128xf32, #tpu.memory_space<vmem>>, vector<16xf32>,
          %mul3A_304 = arith.mulf %get3A_300, %get3A_303 : vector<16xf32>
          %add3A_305 = arith.addf %add3A_297, %mul3A_304 : vector<16xf32>
          %get3A_306 = arith.index_cast %scan3A_249 : i32 to index
          %get3A_307 = arith.constant 112 : index
          %get3A_308 = tpu.vector_load %arg12[%get3A_306, %get3A_307] {strides = array<i32>} : memref<64x128xf32, #tpu.memory_space<vmem>>, vector<16xf32>,
          %get3A_309 = arith.index_cast %scan3A_249 : i32 to index
          %get3A_310 = arith.constant 112 : index
          %get3A_311 = tpu.vector_load %arg11[%get3A_309, %get3A_310] {strides = array<i32>} : memref<64x128xf32, #tpu.memory_space<vmem>>, vector<16xf32>,
          %mul3A_312 = arith.mulf %get3A_308, %get3A_311 : vector<16xf32>
          %add3A_313 = arith.addf %add3A_305, %mul3A_312 : vector<16xf32>
          %reduce_sum3A = arith.constant true
          %reduce_sum3A_314 = vector.broadcast %reduce_sum3A : i1 to vector<16xi1>
          %reduce_sum3A_315 = tpu.scan <sum>, %add3A_313 masked %reduce_sum3A_314 : vector<16xf32>, vector<16xi1> -> vector<16xf32>
          %reduce_sum3A_316 = vector.extract %reduce_sum3A_315[15] : f32 from vector<16xf32>
          %gt3A = arith.constant 1.500000e-02 : f32
          %gt3A_317 = arith.cmpf ogt, %reduce_sum3A_316, %gt3A : f32
          %jit3A = arith.constant 5.000000e-02 : f32
          %jit3A_318 = arith.constant 0.000000e+00 : f32
          %select_n3A = arith.select %gt3A_317, %jit3A, %jit3A_318 : f32
          %get3A_319 = arith.index_cast %scan3A_249 : i32 to index
          %get3A_320 = arith.constant 0 : index
          %get3A_321 = tpu.vector_load %arg13[%get3A_319, %get3A_320] {strides = array<i32>} : memref<64x128xf32, #tpu.memory_space<vmem>>, vector<16xf32>,
          %mul3A_322 = vector.broadcast %select_n3A : f32 to vector<16xf32>
          %mul3A_323 = arith.mulf %get3A_321, %mul3A_322 : vector<16xf32>
          %swap3A_324 = arith.index_cast %scan3A_249 : i32 to index
          %swap3A_325 = arith.constant 0 : index
          %swap3A_326 = tpu.vector_load %arg13[%swap3A_324, %swap3A_325] {strides = array<i32>} : memref<64x128xf32, #tpu.memory_space<vmem>>, vector<16xf32>,
          tpu.vector_store %arg13[%swap3A_324, %swap3A_325], %mul3A_323 {strides = array<i32>} : memref<64x128xf32, #tpu.memory_space<vmem>>, vector<16xf32>,
          %get3A_327 = arith.index_cast %scan3A_249 : i32 to index
          %get3A_328 = arith.constant 16 : index
          %get3A_329 = tpu.vector_load %arg13[%get3A_327, %get3A_328] {strides = array<i32>} : memref<64x128xf32, #tpu.memory_space<vmem>>, vector<16xf32>,
          %mul3A_330 = vector.broadcast %select_n3A : f32 to vector<16xf32>
          %mul3A_331 = arith.mulf %get3A_329, %mul3A_330 : vector<16xf32>
          %swap3A_332 = arith.index_cast %scan3A_249 : i32 to index
          %swap3A_333 = arith.constant 16 : index
          %swap3A_334 = tpu.vector_load %arg13[%swap3A_332, %swap3A_333] {strides = array<i32>} : memref<64x128xf32, #tpu.memory_space<vmem>>, vector<16xf32>,
          tpu.vector_store %arg13[%swap3A_332, %swap3A_333], %mul3A_331 {strides = array<i32>} : memref<64x128xf32, #tpu.memory_space<vmem>>, vector<16xf32>,
          %get3A_335 = arith.index_cast %scan3A_249 : i32 to index
          %get3A_336 = arith.constant 32 : index
          %get3A_337 = tpu.vector_load %arg13[%get3A_335, %get3A_336] {strides = array<i32>} : memref<64x128xf32, #tpu.memory_space<vmem>>, vector<16xf32>,
          %mul3A_338 = vector.broadcast %select_n3A : f32 to vector<16xf32>
          %mul3A_339 = arith.mulf %get3A_337, %mul3A_338 : vector<16xf32>
          %swap3A_340 = arith.index_cast %scan3A_249 : i32 to index
          %swap3A_341 = arith.constant 32 : index
          %swap3A_342 = tpu.vector_load %arg13[%swap3A_340, %swap3A_341] {strides = array<i32>} : memref<64x128xf32, #tpu.memory_space<vmem>>, vector<16xf32>,
          tpu.vector_store %arg13[%swap3A_340, %swap3A_341], %mul3A_339 {strides = array<i32>} : memref<64x128xf32, #tpu.memory_space<vmem>>, vector<16xf32>,
          %get3A_343 = arith.index_cast %scan3A_249 : i32 to index
          %get3A_344 = arith.constant 48 : index
          %get3A_345 = tpu.vector_load %arg13[%get3A_343, %get3A_344] {strides = array<i32>} : memref<64x128xf32, #tpu.memory_space<vmem>>, vector<16xf32>,
          %mul3A_346 = vector.broadcast %select_n3A : f32 to vector<16xf32>
          %mul3A_347 = arith.mulf %get3A_345, %mul3A_346 : vector<16xf32>
          %swap3A_348 = arith.index_cast %scan3A_249 : i32 to index
          %swap3A_349 = arith.constant 48 : index
          %swap3A_350 = tpu.vector_load %arg13[%swap3A_348, %swap3A_349] {strides = array<i32>} : memref<64x128xf32, #tpu.memory_space<vmem>>, vector<16xf32>,
          tpu.vector_store %arg13[%swap3A_348, %swap3A_349], %mul3A_347 {strides = array<i32>} : memref<64x128xf32, #tpu.memory_space<vmem>>, vector<16xf32>,
          %get3A_351 = arith.index_cast %scan3A_249 : i32 to index
          %get3A_352 = arith.constant 64 : index
          %get3A_353 = tpu.vector_load %arg13[%get3A_351, %get3A_352] {strides = array<i32>} : memref<64x128xf32, #tpu.memory_space<vmem>>, vector<16xf32>,
          %mul3A_354 = vector.broadcast %select_n3A : f32 to vector<16xf32>
          %mul3A_355 = arith.mulf %get3A_353, %mul3A_354 : vector<16xf32>
          %swap3A_356 = arith.index_cast %scan3A_249 : i32 to index
          %swap3A_357 = arith.constant 64 : index
          %swap3A_358 = tpu.vector_load %arg13[%swap3A_356, %swap3A_357] {strides = array<i32>} : memref<64x128xf32, #tpu.memory_space<vmem>>, vector<16xf32>,
          tpu.vector_store %arg13[%swap3A_356, %swap3A_357], %mul3A_355 {strides = array<i32>} : memref<64x128xf32, #tpu.memory_space<vmem>>, vector<16xf32>,
          %get3A_359 = arith.index_cast %scan3A_249 : i32 to index
          %get3A_360 = arith.constant 80 : index
          %get3A_361 = tpu.vector_load %arg13[%get3A_359, %get3A_360] {strides = array<i32>} : memref<64x128xf32, #tpu.memory_space<vmem>>, vector<16xf32>,
          %mul3A_362 = vector.broadcast %select_n3A : f32 to vector<16xf32>
          %mul3A_363 = arith.mulf %get3A_361, %mul3A_362 : vector<16xf32>
          %swap3A_364 = arith.index_cast %scan3A_249 : i32 to index
          %swap3A_365 = arith.constant 80 : index
          %swap3A_366 = tpu.vector_load %arg13[%swap3A_364, %swap3A_365] {strides = array<i32>} : memref<64x128xf32, #tpu.memory_space<vmem>>, vector<16xf32>,
          tpu.vector_store %arg13[%swap3A_364, %swap3A_365], %mul3A_363 {strides = array<i32>} : memref<64x128xf32, #tpu.memory_space<vmem>>, vector<16xf32>,
          %get3A_367 = arith.index_cast %scan3A_249 : i32 to index
          %get3A_368 = arith.constant 96 : index
          %get3A_369 = tpu.vector_load %arg13[%get3A_367, %get3A_368] {strides = array<i32>} : memref<64x128xf32, #tpu.memory_space<vmem>>, vector<16xf32>,
          %mul3A_370 = vector.broadcast %select_n3A : f32 to vector<16xf32>
          %mul3A_371 = arith.mulf %get3A_369, %mul3A_370 : vector<16xf32>
          %swap3A_372 = arith.index_cast %scan3A_249 : i32 to index
          %swap3A_373 = arith.constant 96 : index
          %swap3A_374 = tpu.vector_load %arg13[%swap3A_372, %swap3A_373] {strides = array<i32>} : memref<64x128xf32, #tpu.memory_space<vmem>>, vector<16xf32>,
          tpu.vector_store %arg13[%swap3A_372, %swap3A_373], %mul3A_371 {strides = array<i32>} : memref<64x128xf32, #tpu.memory_space<vmem>>, vector<16xf32>,
          %get3A_375 = arith.index_cast %scan3A_249 : i32 to index
          %get3A_376 = arith.constant 112 : index
          %get3A_377 = tpu.vector_load %arg13[%get3A_375, %get3A_376] {strides = array<i32>} : memref<64x128xf32, #tpu.memory_space<vmem>>, vector<16xf32>,
          %mul3A_378 = vector.broadcast %select_n3A : f32 to vector<16xf32>
          %mul3A_379 = arith.mulf %get3A_377, %mul3A_378 : vector<16xf32>
          %swap3A_380 = arith.index_cast %scan3A_249 : i32 to index
          %swap3A_381 = arith.constant 112 : index
          %swap3A_382 = tpu.vector_load %arg13[%swap3A_380, %swap3A_381] {strides = array<i32>} : memref<64x128xf32, #tpu.memory_space<vmem>>, vector<16xf32>,
          tpu.vector_store %arg13[%swap3A_380, %swap3A_381], %mul3A_379 {strides = array<i32>} : memref<64x128xf32, #tpu.memory_space<vmem>>, vector<16xf32>,
          %scan3A_383 = arith.constant 0 : i32
          scf.yield %scan3A_383 : i32
        }
        %scan3A_247 = arith.constant 64 : i32
        %run_scoped3A = arith.constant 0 : i32
        "tpu.region"() ({
          %run_scoped3A_249 = tpu.sem_alloc : memref<!tpu.dma_semaphore, #tpu.memory_space<semaphore_mem>>
          %dma_start3A_250 = arith.constant 0 : i32
          %dma_start3A_251 = tpu.memref_slice %arg16[%run_scoped3A, %dma_start3A_250] : memref<1x64xi32, #tpu.memory_space<vmem>> -> memref<1x64xi32, #tpu.memory_space<vmem>>
          %dma_start3A_252 = tpu.memref_squeeze %dma_start3A_251 : memref<1x64xi32, #tpu.memory_space<vmem>> -> memref<64xi32, #tpu.memory_space<vmem>>
          %dma_start3A_253 = arith.constant 0 : i32
          %dma_start3A_254 = arith.constant 0 : i32
          %dma_start3A_255 = tpu.memref_slice %arg19[%dma_start3A_253, %dma_start3A_254] : memref<4224x128xf32, #tpu.memory_space<vmem_shared>> -> memref<4224x128xf32, #tpu.memory_space<vmem_shared>>
          tpu.enqueue_indirect_dma source(%arg13 : memref<64x128xf32, #tpu.memory_space<vmem>>) target(%dma_start3A_255 : memref<4224x128xf32, #tpu.memory_space<vmem_shared>>) offsets(%dma_start3A_252 : memref<64xi32, #tpu.memory_space<vmem>>) semaphore(%run_scoped3A_249 : memref<!tpu.dma_semaphore, #tpu.memory_space<semaphore_mem>>) {add = true}
          %dma_wait3A_256 = arith.constant 0 : i32
          %dma_wait3A_257 = tpu.memref_slice %arg16[%run_scoped3A, %dma_wait3A_256] : memref<1x64xi32, #tpu.memory_space<vmem>> -> memref<1x64xi32, #tpu.memory_space<vmem>>
          %dma_wait3A_258 = tpu.memref_squeeze %dma_wait3A_257 : memref<1x64xi32, #tpu.memory_space<vmem>> -> memref<64xi32, #tpu.memory_space<vmem>>
          %dma_wait3A_259 = arith.constant 0 : i32
          %dma_wait3A_260 = arith.constant 0 : i32
          %dma_wait3A_261 = tpu.memref_slice %arg19[%dma_wait3A_259, %dma_wait3A_260] : memref<4224x128xf32, #tpu.memory_space<vmem_shared>> -> memref<4224x128xf32, #tpu.memory_space<vmem_shared>>
          tpu.wait_indirect_dma semaphore(%run_scoped3A_249 : memref<!tpu.dma_semaphore, #tpu.memory_space<semaphore_mem>>) src(%arg13 : memref<64x128xf32, #tpu.memory_space<vmem>>) dst(%dma_wait3A_261 : memref<4224x128xf32, #tpu.memory_space<vmem_shared>>)
          tpu.yield
        }) : () -> ()
        %while3A_248 = arith.constant 0 : i32
        scf.yield %while3A_248 : i32
      }
      %barrier3A_185 = arith.constant 0 : index
      tpu.barrier barrier_id(%barrier3A_185)
      %mul3A_186 = arith.constant 48 : i32
      %mul3A_187 = arith.muli %arg1, %mul3A_186 : i32
      %mul3A_188 = arith.constant 48 : i32
      %mul3A_189 = arith.muli %arg1, %mul3A_188 : i32
      %add3A_190 = arith.addi %mul3A_132, %mul3A_189 : i32
      "tpu.region"() ({
        %run_scoped3A = tpu.sem_alloc : memref<!tpu.dma_semaphore, #tpu.memory_space<semaphore_mem>>
        %dma_start3A = arith.constant 0 : i32
        %dma_start3A_196 = tpu.memref_slice %arg7[%add3A_190, %dma_start3A] : memref<50000x128xf32, #tpu.memory_space<hbm>> -> memref<48x128xf32, #tpu.memory_space<hbm>>
        %dma_start3A_197 = arith.constant 0 : i32
        %dma_start3A_198 = tpu.memref_slice %arg19[%mul3A_187, %dma_start3A_197] : memref<4224x128xf32, #tpu.memory_space<vmem_shared>> -> memref<48x128xf32, #tpu.memory_space<vmem_shared>>
        tpu.enqueue_dma source(%dma_start3A_198 : memref<48x128xf32, #tpu.memory_space<vmem_shared>>) target(%dma_start3A_196 : memref<48x128xf32, #tpu.memory_space<hbm>>) target_semaphore(%run_scoped3A : memref<!tpu.dma_semaphore, #tpu.memory_space<semaphore_mem>>)
        %dma_wait3A = arith.constant 0 : i32
        %dma_wait3A_199 = tpu.memref_slice %arg7[%add3A_190, %dma_wait3A] : memref<50000x128xf32, #tpu.memory_space<hbm>> -> memref<48x128xf32, #tpu.memory_space<hbm>>
        %dma_wait3A_200 = arith.constant 0 : i32
        %dma_wait3A_201 = tpu.memref_slice %arg19[%mul3A_187, %dma_wait3A_200] : memref<4224x128xf32, #tpu.memory_space<vmem_shared>> -> memref<48x128xf32, #tpu.memory_space<vmem_shared>>
        tpu.wait_dma2 semaphore(%run_scoped3A : memref<!tpu.dma_semaphore, #tpu.memory_space<semaphore_mem>>) src(%dma_wait3A_201 : memref<48x128xf32, #tpu.memory_space<vmem_shared>>) dst(%dma_wait3A_199 : memref<48x128xf32, #tpu.memory_space<hbm>>)
        tpu.yield
      }) : () -> ()
      %eq3A_191 = arith.constant 0 : i32
      %eq3A_192 = arith.cmpi eq, %arg1, %eq3A_191 : i32
      %convert_element_type3A_193 = arith.extui %eq3A_192 : i1 to i32
      %cond3A_194 = arith.constant 0 : i32
      %cond3A_195 = arith.cmpi ne, %convert_element_type3A_193, %cond3A_194 : i32
      scf.if %cond3A_195 {
        %add3A_196 = arith.constant 768 : i32
        %add3A_197 = arith.addi %mul3A_132, %add3A_196 : i32
        "tpu.region"() ({
          %run_scoped3A = tpu.sem_alloc : memref<!tpu.dma_semaphore, #tpu.memory_space<semaphore_mem>>
          %dma_start3A = arith.constant 0 : i32
          %dma_start3A_198 = tpu.memref_slice %arg7[%add3A_197, %dma_start3A] : memref<50000x128xf32, #tpu.memory_space<hbm>> -> memref<80x128xf32, #tpu.memory_space<hbm>>
          %dma_start3A_199 = arith.constant 768 : i32
          %dma_start3A_200 = arith.constant 0 : i32
          %dma_start3A_201 = tpu.memref_slice %arg19[%dma_start3A_199, %dma_start3A_200] : memref<4224x128xf32, #tpu.memory_space<vmem_shared>> -> memref<80x128xf32, #tpu.memory_space<vmem_shared>>
          tpu.enqueue_dma source(%dma_start3A_201 : memref<80x128xf32, #tpu.memory_space<vmem_shared>>) target(%dma_start3A_198 : memref<80x128xf32, #tpu.memory_space<hbm>>) target_semaphore(%run_scoped3A : memref<!tpu.dma_semaphore, #tpu.memory_space<semaphore_mem>>)
          %dma_wait3A = arith.constant 0 : i32
          %dma_wait3A_202 = tpu.memref_slice %arg7[%add3A_197, %dma_wait3A] : memref<50000x128xf32, #tpu.memory_space<hbm>> -> memref<80x128xf32, #tpu.memory_space<hbm>>
          %dma_wait3A_203 = arith.constant 768 : i32
          %dma_wait3A_204 = arith.constant 0 : i32
          %dma_wait3A_205 = tpu.memref_slice %arg19[%dma_wait3A_203, %dma_wait3A_204] : memref<4224x128xf32, #tpu.memory_space<vmem_shared>> -> memref<80x128xf32, #tpu.memory_space<vmem_shared>>
          tpu.wait_dma2 semaphore(%run_scoped3A : memref<!tpu.dma_semaphore, #tpu.memory_space<semaphore_mem>>) src(%dma_wait3A_205 : memref<80x128xf32, #tpu.memory_space<vmem_shared>>) dst(%dma_wait3A_202 : memref<80x128xf32, #tpu.memory_space<hbm>>)
          tpu.yield
        }) : () -> ()
      } else {
      }
    } else {
    }
    return
  }
}

</mosaic_0001>

<sc_bundles>
// kernel: kernel.3.cloned.1.call-start
scs
__scs_entry_jumppad:
0x0: {  	(pc) =	sbr.rel $0x88, $3  }
0x1: {  	(tag) =	ssettag $0x0;
	lr =	simm.s32 $0x1  }
0x2: {  	[smem:$0x3F9C] =	sst lr;
	_ =	strace $0xD0000000  }
0x3: {  	_ = 	snop  }
0x4: {  	_ = 	snop  }
0x5: {  	_ = 	snop  }
0x6: {  	_ = 	snop  }
0x7: {  	_ = 	snop  }
__scs_overlays_trampoline_lowered:
0x8: {  	[smem:$0x3FAB] =	sst s0  }
0x9: {  	[smem:$0x3FAC] =	sst s1  }
0xa: {  	[smem:$0x3FAD] =	sst s2  }
0xb: {  	[smem:$0x3FAE] =	sst s3  }
0xc: {  	[smem:$0x3FAF] =	sst s4  }
0xd: {  	[smem:$0x3FB0] =	sst s5  }
0xe: {  	[smem:$0x3FB1] =	sst s6  }
0xf: {  	[smem:$0x3FB2] =	sst s7  }
0x10: {  	[smem:$0x3FB3] =	sst s8  }
0x11: {  	[smem:$0x3FB4] =	sst s9;
	s0 =	simm.s32 @!p0 $0x0  }
0x12: {  	s1 =	sld [smem:$0x3F9A];
	s0 =	simm.s32 @p0 $0x1  }
0x13: {  	[smem:$0x3FB5] =	sst s0;
	s0 =	simm.s32 @!p1 $0x0  }
0x14: {  	s2 =	sld [smem:$0x3F99];
	s0 =	simm.s32 @p1 $0x1  }
0x15: {  	[smem:$0x3FB6] =	sst s0;
	s0 =	simm.s32 @!p2 $0x0  }
0x16: {  	s3 =	sld [smem:$0x3FDB];
	s0 =	simm.s32 @p2 $0x1  }
0x17: {  	s4 =	simm.s32 $0x1BF5;
	[smem:$0x3FB8] =	sst s0  }
0x18: {  	s0 =	sld [smem:$0x3F9B];
	_ =	swait.ge [sflag:s4], $0x0  }
0x19: {  	s7 =	sld [smem:$0x3F9C]  }
0x1a: {  	s8 =	sadd.s32 $0xFFFFE003, lr  }
0x1b: {  	s9 =	sadd.s32 $0xFFFFFEF7, lr;
	s5 =	simm.s32 $0xFFFFFFFF;
	p2 =	slt.u32 s8, $0xFFFFF086  }
0x1c: {  	p1 =	slt.u32 s9, $0xF7A;
	s5 =	simm.s32 @!p2 $0x0  }
0x1d: {  	s5 =	simm.s32 @p1 $0x1;
	p0 =	seq.s32 s7, s2  }
0x1e: {  	s7 =	smul.u32 @!p0 $0xF7A, s2;
	p2 =	seq.s32 @!p0 s5, $0x0  }
0x1f: {  	s9 =	smul.u32 $0xF7A, s1;
	s8 =	simm.s32 @!p0 $0x1BF5;
	p2 =	por !p2, p0  }
0x20: {  	[sflag:s8] =	ssyncset.s32 @!p0 $0xFFFFF086;
	s6 =	sadd.s32 @!p0 s3, s7;
	s7 =	simm.s32 @!p0 $0x108  }
0x21: {  	s3 =	sadd.s32 s3, s9;
	s6 =	sadd.s32 @!p0 $0x88, s6;
	s7 =	simm.s32 @p2 $0x1082  }
0x22: {  	[simem:s7], [sflag:s8] =	dma.local @!p0 [hbm:s6], $0xF7A  }
0x23: {  	s9 =	sor.u32 $0xD0000000, s2;
	s6 =	simm.s32 $0x108;
	_ =	swait.ge @!p0 [sflag:s8], $0x0  }
0x24: {  	s3 =	sadd.s32 $0x88, s3;
	s6 =	simm.s32 @!p1 $0x1082;
	[sflag:s4] =	ssyncset.s32 $0xFFFFF086  }
0x25: {  	[simem:s6], [sflag:s4] =	dma.local [hbm:s3], $0xF7A  }
0x26: {  	[smem:$0x3F9C] =	sst s1;
	(tag) =	ssettag s2;
	_ =	strace s9  }
0x27: {  	s1 =	sld [smem:$0x3FAC]  }
0x28: {  	s2 =	sld [smem:$0x3FAD]  }
0x29: {  	s4 =	sld [smem:$0x3FAF]  }
0x2a: {  	p0 =	seq.s32 s5, $0x0;
	s5 =	sld [smem:$0x3FB0]  }
0x2b: {  	s6 =	sld [smem:$0x3FB1]  }
0x2c: {  	s7 =	sld [smem:$0x3FB2]  }
0x2d: {  	s3 =	simm.s32 $0x108;
	s8 =	sld [smem:$0x3FB3]  }
0x2e: {  	s3 =	simm.s32 @!p0 $0x1082;
	s9 =	sld [smem:$0x3FB4]  }
0x2f: {  	lr =	sadd.s32 s0, s3;
	s0 =	sld [smem:$0x3FAB]  }
0x30: {  	s3 =	sld [smem:$0x3FAE]  }
0x31: {  	[smem:$0x3FB7] =	sst s10  }
0x32: {  	s10 =	sld [smem:$0x3FB5];
	_ =	sdelay $0x3  }
0x33: {  	p0 =	seq.s32 s10, $0x1;
	s10 =	sld [smem:$0x3FB7];
	_ =	sdelay $0x3  }
0x34: {  	[smem:$0x3FB7] =	sst s10  }
0x35: {  	s10 =	sld [smem:$0x3FB6];
	_ =	sdelay $0x3  }
0x36: {  	p1 =	seq.s32 s10, $0x1;
	s10 =	sld [smem:$0x3FB7];
	_ =	sdelay $0x3  }
0x37: {  	[smem:$0x3FB7] =	sst s10  }
0x38: {  	s10 =	sld [smem:$0x3FB8]  }
0x39: {  	_ = 	snop;
	(pc) =	sbr.ind lr, $3  }
0x3a: {  	_ = 	snop  }
0x3b: {  	_ = 	snop  }
0x3c: {  	p2 =	seq.s32 s10, $0x1;
	s10 =	sld [smem:$0x3FB7]  }
0x3d: {  	_ =	shalt  }
0x3e: {  	_ =	shalt  }
0x3f: {  	_ =	shalt  }
0x40: {  	_ =	shalt  }
0x41: {  	_ =	shalt  }
0x42: {  	_ =	shalt  }
0x43: {  	_ =	shalt  }
0x44: {  	_ =	shalt  }
0x45: {  	_ =	shalt  }
0x46: {  	_ =	shalt  }
0x47: {  	_ =	shalt  }
0x48: {  	_ =	shalt  }
0x49: {  	_ =	shalt  }
0x4a: {  	_ =	shalt  }
0x4b: {  	_ =	shalt  }
0x4c: {  	_ =	shalt  }
0x4d: {  	_ =	shalt  }
0x4e: {  	_ =	shalt  }
0x4f: {  	_ =	shalt  }
0x50: {  	_ =	shalt  }
0x51: {  	_ =	shalt  }
0x52: {  	_ =	shalt  }
0x53: {  	_ =	shalt  }
0x54: {  	_ =	shalt  }
0x55: {  	_ =	shalt  }
0x56: {  	_ =	shalt  }
0x57: {  	_ =	shalt  }
0x58: {  	_ =	shalt  }
0x59: {  	_ =	shalt  }
0x5a: {  	_ =	shalt  }
0x5b: {  	_ =	shalt  }
0x5c: {  	_ =	shalt  }
0x5d: {  	_ =	shalt  }
0x5e: {  	_ =	shalt  }
0x5f: {  	_ =	shalt  }
0x60: {  	_ =	shalt  }
0x61: {  	_ =	shalt  }
0x62: {  	_ =	shalt  }
0x63: {  	_ =	shalt  }
0x64: {  	_ =	shalt  }
0x65: {  	_ =	shalt  }
0x66: {  	_ =	shalt  }
0x67: {  	_ =	shalt  }
0x68: {  	_ =	shalt  }
0x69: {  	_ =	shalt  }
0x6a: {  	_ =	shalt  }
0x6b: {  	_ =	shalt  }
0x6c: {  	_ =	shalt  }
0x6d: {  	_ =	shalt  }
0x6e: {  	_ =	shalt  }
0x6f: {  	_ =	shalt  }
0x70: {  	_ =	shalt  }
0x71: {  	_ =	shalt  }
0x72: {  	_ =	shalt  }
0x73: {  	_ =	shalt  }
0x74: {  	_ =	shalt  }
0x75: {  	_ =	shalt  }
0x76: {  	_ =	shalt  }
0x77: {  	_ =	shalt  }
0x78: {  	_ =	shalt  }
0x79: {  	_ =	shalt  }
0x7a: {  	_ =	shalt  }
0x7b: {  	_ =	shalt  }
0x7c: {  	_ =	shalt  }
0x7d: {  	_ =	shalt  }
0x7e: {  	_ =	shalt  }
0x7f: {  	_ =	shalt  }
0x80: {  	_ =	shalt  }
0x81: {  	_ =	shalt  }
0x82: {  	_ =	shalt  }
0x83: {  	_ =	shalt  }
0x84: {  	_ =	shalt  }
0x85: {  	_ =	shalt  }
0x86: {  	_ =	shalt  }
0x87: {  	_ =	shalt  }
.Lfunc_end0:
.L_simem_size_0:
called_computation_lowered:
.L_overlay_start_0:
0x88: {  	s2 =	sld [smem:$0x3FD9]  }
0x89: {  	s3 =	sld [smem:$0x3FFE];
	_ =	sdelay $0x1  }
0x8a: {  	s1 =	srdreg.scid  }
0x8b: {  	s0 =	sand.u32 $0x1, s1  }
0x8c: {  	s17 =	sshll.u32 s0, $0xA;
	s2 =	sadd.s32 s3, s2  }
0x8d: {  	s2 =	sadd.s32 s2, s17  }
0x8e: {  	[smem:$0x3FC3] =	sst s2  }
0x8f: {  	_ = 	snop  }
0x90: {  	s2 =	sld [smem:$0x3FC7]  }
0x91: {  	s18 =	sld [smem:$0x3FD0];
	(tm) =	ssettm $0x1  }
0x92: {  	s4 =	sld [smem:$0x3FFB];
	_ =	sdelay $0x3  }
0x93: {  	_ =	strace s4  }
0x94: {  	s4 =	sld [smem:$0x3FFC];
	_ =	sdelay $0x3  }
0x95: {  	_ =	strace s4  }
0x96: {  	s4 =	sld [smem:$0x3FFD];
	_ =	sdelay $0x3  }
0x97: {  	_ =	strace s4  }
0x98: {  	_ =	strace $0x8FFFFFFF  }
0x99: {  	s19 =	sld [smem:$0x3FDB];
	_ =	sdelay $0x1  }
0x9a: {  	s5 =	simm.s32 $_scs_section_size  }
0x9b: {  	s6 =	simm.s32 $_size__tile_overlayer_lowered;
	s7 =	simm.s32 $_tile_overlayer_lowered  }
0x9c: {  	s22 =	simm.s32 $0x1BFF;
	s21 =	sshll.u32 s7, $0x1;
	s4 =	sadd.s32 s5, s19  }
0x9d: {  	s8 =	simm.s32 $0x0;
	s20 =	sshll.u32 s6, $0x1;
	s6 =	sadd.s32 s21, s4  }
0x9e: {  	[timem:s8], [sflag:s22] =	dma.local [hbm:s6], s20  }
0x9f: {  	_ =	swait.ge [sflag:s22], s20  }
0xa0: {  	s5 =	ssub.s32 $0x0, s20;
	[sflag:s22] =	ssyncset.done $0x0  }
0xa1: {  	[sflag:s22] =	ssyncadd.s32 s5;
	_ =	sdelay $0x1  }
0xa2: {  	s23 =	simm.s32 $0x1B8B  }
0xa3: {  	_ =	swait.ge [sflag:s23], $0x1  }
0xa4: {  	[sflag:s23] =	ssyncset.done $0x0  }
0xa5: {  	s25 =	simm.s32 $0x1B8E;
	s24 =	sld [smem:$0x3FFE];
	[sflag:s23] =	ssyncadd.s32 $0xFFFFFFFF  }
0xa6: {  	s26 =	simm.s32 $execute0_lowered;
	[smem:$0x3FD2] =	sst s25  }
0xa7: {  	s6 =	sshll.u32 s26, $0x1;
	_ =	strace $0x80000046;
	[dreg:$0x1] =	wrdreg $0xFFFFFFFF  }
0xa8: {  	s28 =	simm.s32 $_size_execute0_lowered;
	s4 =	sadd.s32 s4, s6;
	[dreg:$0x0] =	wrdreg $0x0  }
0xa9: {  	s6 =	sshll.u32 s28, $0x1;
	[dreg:$0x2] =	wrdreg s4  }
0xaa: {  	[dreg:$0x3] =	wrdreg s6  }
0xab: {  	[dreg:$0x4] =	wrdreg $0xC0  }
0xac: {  	_ =	task [dreg:s8], $0x5FFFF  }
0xad: {  	[dreg:$0x1] =	wrdreg $0xFFFFFFFF  }
0xae: {  	[dreg:$0x0] =	wrdreg $0x60  }
0xaf: {  	[dreg:$0x2] =	wrdreg s18  }
0xb0: {  	[dreg:$0x3] =	wrdreg s24  }
0xb1: {  	[dreg:$0x4] =	wrdreg s2  }
0xb2: {  	[dreg:$0x5] =	wrdreg $0x76000  }
0xb3: {  	[dreg:$0x6] =	wrdreg $0xFA000  }
0xb4: {  	[dreg:$0x7] =	wrdreg $0x9  }
0xb5: {  	_ =	task.clear_ibuf [dreg:s8], $0x8FFFF;
	_ =	strace $0x90000046  }
0xb6: {  	s29 =	simm.s32 $0x9;
	_ =	strace $0x80000048  }
0xb7: {  	_ =	swait.ge [sflag:s29], $0x1  }
0xb8: {  	[sflag:s29] =	ssyncadd.s32 $0xFFFFFFFF  }
0xb9: {  	_ =	strace $0x90000048  }
0xba: {  	_ =	sfence  }
0xbb: {  	s30 =	sld [smem:$0x0];
	_ =	sdelay $0x2  }
0xbc: {  	s31 =	sshll.u32 s1, $0xD;
	s1 =	sshrl.u32 s1, $0x2  }
0xbd: {  	s3 =	sand.u32 $0x4000, s31;
	s1 =	sadd.s32 s1, s30  }
0xbe: {  	s0 =	sor.u32 s3, s0;
	s1 =	sshll.u32 s1, $0x11  }
0xbf: {  	s0 =	sor.u32 s1, s0  }
0xc0: {  	s0 =	sadd.s32 $0x8F2B, s0  }
0xc1: {  	[sflag:s0] =	ssyncadd.remote.s32 $0x1  }
0xc2: {  	_ =	sfence.sel $0xFFFF  }
0xc3: {  	[dreg:$0x0] =	wrdreg $0xFFFFFFFF;
	(pc) =	sbr.abs _section_cstart, $3  }
0xc4: {  	[dreg:$0x1] =	wrdreg $0xFFFFFFFF  }
0xc5: {  	_ =	task.clear_ibuf [dreg:s8], $0x2FFFF;
	_ =	strace $0x9FFFFFFF  }
0xc6: {  	(tm) =	ssettm $0x7FFFFFFF  }
0xc7: {  	_ =	shalt  }
tec
execute0_lowered:
.L_overlay_start_1:
0x0: {  	(tag) =	ssettag $0x1  }
0x1: {  	s3 =	rddreg [dreg:$0x0]  }
0x2: {  	s0 =	rddreg [dreg:$0x1]  }
0x3: {  	s1 =	rddreg [dreg:$0x2]  }
0x4: {  	s2 =	rddreg [dreg:$0x3]  }
0x5: {  	s10 =	rddreg [dreg:$0x4]  }
0x6: {  	s4 =	simm.s32 $0x0;
	s25 =	srdreg.scid;
	s11 =	stileid.u32  }
0x7: {  	s28 =	simm.s32 $0x4;
	s29 =	simm.s32 $0x480;
	s30 =	simm.s32 $0xC80  }
0x8: {  	s31 =	simm.s32 $0x40;
	[smem:$0x7FF] =	sst s4;
	s16 =	sand.u32 $0x1, s25  }
0x9: {  	s23 =	sadd.s32 $0x189200, s0;
	s7 =	sadd.s32 $0x42800, s0;
	s6 =	sshll.u32 s11, $0xA  }
0xa: {  	s20 =	sadd.s32 $0x24C200, s0;
	_ =	strace $0x80000047;
	[dreg:$0x9] =	wrdreg s6  }
0xb: {  	s8 =	sadd.s32 $0x2800, s0;
	s12 =	sadd.s32 $0x82800, s0;
	[dreg:$0x11] =	wrdreg s20  }
0xc: {  	s26 =	smul.u32 $0x1800, s11;
	s0 =	sadd.s32 $0x145800, s0;
	[dreg:$0x8] =	wrdreg s12  }
0xd: {  	s13 =	sshll.u32 s11, $0x7;
	s9 =	sshll.u32 s11, $0xF;
	[dreg:$0x13] =	wrdreg s0  }
0xe: {  	p0 =	sne.s32 s11, $0x0;
	s4 =	ssub.s32 $0x2, s16;
	[dreg:$0x6] =	wrdreg s16  }
0xf: {  	s1 =	sadd.s32 s1, s13;
	s14 =	sadd.s32 s9, s2;
	[dreg:$0x7] =	wrdreg s23  }
0x10: {  	s13 =	sshll.u32 s11, $0xC;
	s9 =	sadd.s32 s9, s10;
	[dreg:$0xa] =	wrdreg s1  }
0x11: {  	p1 =	sne.s32 s16, $0x0;
	s5 =	sshrl.u32 s4, $0x1;
	[dreg:$0xb] =	wrdreg s13  }
0x12: {  	[dreg:$0xc] =	wrdreg s9;
	s17 =	sadd.s32 s26, s2;
	s24 =	sshrl.u32 s14, $0x3  }
0x13: {  	s4 =	ssub.s32 s4, s5;
	s5 =	sadd.s32 s26, s10;
	[dreg:$0x15] =	wrdreg s24  }
0x14: {  	s15 =	sshrl.u32 s26, $0x3;
	s25 =	sshrl.u32 s17, $0x3;
	[dreg:$0xe] =	wrdreg s5  }
0x15: {  	s6 =	sor.u32 $0xC0000, s15;
	s26 =	sadd.s32 $0x18000, s10;
	[dreg:$0x16] =	wrdreg s25  }
0x16: {  	s20 =	simm.s32 $0x2;
	s18 =	sadd.s32 s3, s6;
	[dreg:$0x18] =	wrdreg s26  }
0x17: {  	s15 =	simm.s32 $0x7480;
	s19 =	sadd.s32 s23, s6;
	[dreg:$0xd] =	wrdreg s18  }
0x18: {  	s17 =	simm.s32 $0x3480;
	s3 =	sadd.s32 $0xC3000, s3;
	[dreg:$0xf] =	wrdreg s19  }
.Ltmp0:
0x19: {  	s21 =	sadd.s32 s12, s6;
	[dreg:$0x10] =	wrdreg s3;
	(pc) =	sbr.rel .LBB2_1-.Ltmp0, $4  }
0x1a: {  	s5 =	sadd.s32 $0x18000, s2;
	s22 =	smax.u32 s4, $0x1;
	[dreg:$0x12] =	wrdreg s21  }
0x1b: {  	s4 =	simm.s32 $0x3;
	[dreg:$0x14] =	wrdreg s22;
	s0 =	sshrl.u32 @!p0 s5, $0x3  }
0x1c: {  	s18 =	simm.s32 $0x5480;
	s19 =	simm.s32 $0x1;
	s21 =	simm.s32 $0x7580  }
0x1d: {  	v0 =	vimm.s32 $0x0;
	v1 =	vlaneseq.u32;
	s3 =	simm.s32 $0x0;
	[dreg:$0x17] =	wrdreg s0;
	s0 =	simm.s32 $0x1480  }
.LBB2_26:
0x1e: {  	[bflag:$0x0] =	sbarrier.arrive $0xFFFF  }
.LBB2_22:
0x1f: {  	[bflag:$0x0] =	sbarrier.arrive $0xFFFF  }
0x20: {  	s1 =	rddreg [dreg:$0x12]  }
0x21: {  	[hbm:s1], [sflag:s25] =	dma.local [spmem:s12], $0x300  }
0x22: {  	_ =	swait.ge [sflag:s28], $0x300  }
0x23: {  	[sflag:s28] =	ssyncset.done $0x0  }
0x24: {  	s1 =	rddreg [dreg:$0x13];
	[sflag:s28] =	ssyncadd.s32 $0xFFFFFD00  }
0x25: {  	[hbm:s1], [sflag:s25] =	dma.local @!p0 [spmem:s26], $0x500  }
0x26: {  	s1 =	simm.s32 @!p0 $0x4  }
0x27: {  	_ =	swait.ge @!p0 [sflag:s1], $0x500  }
0x28: {  	[sflag:s1] =	ssyncset.done @!p0 $0x0  }
0x29: {  	s3 =	rddreg [dreg:$0x19];
	[sflag:s1] =	ssyncadd.s32 @!p0 $0xFFFFFB00  }
.LBB2_23:
0x2a: {  	s3 =	sadd.s32 $0x1, s3;
	s1 =	rddreg [dreg:$0x14]  }
0x2b: {  	p2 =	sne.s32 s3, s1  }
.Ltmp1:
0x2c: {  	_ = 	snop;
	(pc) =	sbr.rel @!p2 .LBB2_24-.Ltmp1, $1  }
0x2d: {  	_ =	sdelay $0x3  }
.LBB2_1:
0x2e: {  	[dreg:$0x19] =	wrdreg s3  }
0x2f: {  	s1 =	simm.s32 $0x0;
	s23 =	rddreg [dreg:$0xa]  }
0x30: {  	[tilespmem:s1], [sflag:$0x4] =	stream.linear.gather [hbm4b:s23+s1], $0x400, $0x38;
	[tilespmem:$0x17E00] =	vst v63  }
0x31: {  	_ =	swait.ge [sflag:s28], $0x400  }
0x32: {  	[sflag:s28] =	ssyncset.done $0x0  }
0x33: {  	s24 =	simm.s32 $0x0;
	[sflag:s28] =	ssyncadd.s32 $0xFFFFFC00  }
0x34: {  	v2 =	vld [tilespmem:s24+$0x0];
	_ =	sdelay $0x4  }
0x35: {  	s25 =	simm.s32 $0x10;
	v2 =	vshra.s32 v2, $0xD  }
0x36: {  	v5 =	vld [tilespmem:s25+$0x0];
	vm0 =	veq.s32 v2, $0x6  }
0x37: {  	vm1 =	veq.s32 v2, $0x0;
	v3 =	vsel vm0, $0x1, v0  }
0x38: {  	vm0 =	veq.s32 v2, $0x7;
	v4 =	vsel vm1, $0x1, v0;
	(xrf0) =	vadd.scan.msk.s32 $0xffff, v3  }
0x39: {  	vm1 =	veq.s32 v2, $0xB;
	v3 =	vsel vm0, $0x1, v0;
	(xrf0) =	vadd.scan.msk.s32 $0xffff, v4  }
0x3a: {  	vm0 =	veq.s32 v2, $0x1;
	v4 =	vsel vm1, $0x1, v0;
	vm1 =	veq.s32 v2, $0x5;
	(xrf0) =	vadd.scan.msk.s32 $0xffff, v3  }
0x3b: {  	v5 =	vshra.s32 v5, $0xD;
	v3 =	vsel vm0, $0x1, v0;
	(xrf0) =	vadd.scan.msk.s32 $0xffff, v4;
	v4 =	vsel vm1, $0x1, v0  }
0x3c: {  	vm2 =	veq.s32 v2, $0xA;
	vm3 =	veq.s32 v2, $0x9;
	vm4 =	veq.s32 v2, $0x2;
	(xrf0) =	vadd.scan.msk.s32 $0xffff, v3  }
0x3d: {  	vm0 =	veq.s32 v2, $0x3;
	vm1 =	veq.s32 v2, $0x4;
	v3 =	vsel vm2, $0x1, v0;
	(xrf0) =	vadd.scan.msk.s32 $0xffff, v4  }
0x3e: {  	vm2 =	veq.s32 v2, $0x8;
	v2 =	vsel vm3, $0x1, v0;
	v4, _, _ =	vpop (xrf0);
	(xrf0) =	vadd.scan.msk.s32 $0xffff, v3;
	v3 =	vsel vm4, $0x1, v0  }
0x3f: {  	vm5 =	veq.s32 v5, $0x8;
	vm6 =	veq.s32 v5, $0x2;
	v7, _, _ =	vpop (xrf0);
	(xrf0) =	vadd.scan.msk.s32 $0xffff, v2  }
0x40: {  	v6 =	vsel vm0, $0x1, v0;
	vm0 =	veq.s32 v5, $0x6;
	v2 =	vsel vm2, $0x1, v0;
	v9, _, _ =	vpop (xrf0);
	(xrf0) =	vadd.scan.msk.s32 $0xffff, v3  }
0x41: {  	vm2 =	veq.s32 v5, $0x0;
	(v2sf) =	vpush v4, $0xF;
	v3, _, _ =	vpop (xrf0);
	(xrf0) =	vadd.scan.msk.s32 $0xffff, v6;
	v6 =	vsel vm0, $0x1, v0  }
0x42: {  	v8 =	vsel vm1, $0x1, v0;
	vm3 =	veq.s32 v5, $0x1;
	v4, _, _ =	vpop (xrf0);
	(xrf0) =	vadd.scan.msk.s32 $0xffff, v6;
	v6 =	vsel vm2, $0x1, v0  }
0x43: {  	vm1 =	veq.s32 v5, $0x3;
	vm4 =	veq.s32 v5, $0x7;
	(v2sf) =	vpush v7, $0xF;
	v10, _, _ =	vpop (xrf0);
	(xrf0) =	vadd.scan.msk.s32 $0xffff, v8  }
0x44: {  	s26 =	simm.s32 $0x20;
	vm2 =	veq.s32 v5, $0xB;
	(v2sf) =	vpush v3, $0xF;
	v8 =	vsel vm4, $0x1, v0;
	v7, _, _ =	vpop (xrf0);
	(xrf0) =	vadd.scan.msk.s32 $0xffff, v6  }
0x45: {  	vm0 =	veq.s32 v5, $0x4;
	v3 =	vsel vm2, $0x1, v0;
	(v2sf) =	vpush v9, $0xF;
	v6, _, _ =	vpop (xrf0);
	(xrf0) =	vadd.scan.msk.s32 $0xffff, v8;
	v8 =	vld [tilespmem:s26+$0x0]  }
0x46: {  	vm2 =	veq.s32 v5, $0x5;
	(v2sf) =	vpush v4, $0xF;
	v9, _, _ =	vpop (xrf0);
	(xrf0) =	vadd.scan.msk.s32 $0xffff, v3;
	v3 =	vsel vm3, $0x1, v0  }
0x47: {  	(v2sf) =	vpush v6, $0xF;
	vm3 =	veq.s32 v5, $0xA;
	v4, _, _ =	vpop (xrf0);
	(xrf0) =	vadd.scan.msk.s32 $0xffff, v2;
	v2 =	vsel vm2, $0x1, v0  }
0x48: {  	vm4 =	veq.s32 v5, $0x9;
	(v2sf) =	vpush v9, $0xF;
	v6 =	vsel vm3, $0x1, v0;
	v5, _, _ =	vpop (xrf0);
	(xrf0) =	vadd.scan.msk.s32 $0xffff, v3  }
0x49: {  	(v2sf) =	vpush v4, $0xF;
	v4 =	vsel vm4, $0x1, v0;
	v3, _, _ =	vpop (xrf0);
	(xrf0) =	vadd.scan.msk.s32 $0xffff, v2  }
0x4a: {  	v9 =	vsel vm6, $0x1, v0;
	(v2sf) =	vpush v5, $0xF;
	v2, _, _ =	vpop (xrf0);
	v8 =	vshra.s32 v8, $0xD;
	(xrf0) =	vadd.scan.msk.s32 $0xffff, v6  }
0x4b: {  	v11 =	vsel vm1, $0x1, v0;
	(v2sf) =	vpush v3, $0xF;
	v6, _, _ =	vpop (xrf0);
	(xrf0) =	vadd.scan.msk.s32 $0xffff, v4;
	vm2 =	veq.s32 v8, $0x6  }
0x4c: {  	v5 =	vsel vm5, $0x1, v0;
	(v2sf) =	vpush v10, $0xF;
	v4, _, _ =	vpop (xrf0);
	(xrf0) =	vadd.scan.msk.s32 $0xffff, v9;
	v10 =	vsel vm2, $0x1, v0  }
0x4d: {  	v3 =	vsel vm0, $0x1, v0;
	vm4 =	veq.s32 v8, $0x0;
	vm3 =	veq.s32 v8, $0x1;
	v9, _, _ =	vpop (xrf0);
	(xrf0) =	vadd.scan.msk.s32 $0xffff, v11  }
0x4e: {  	vm1 =	veq.s32 v8, $0x3;
	vm0 =	veq.s32 v8, $0x4;
	(v2sf) =	vpush v9, $0xF;
	v9, _, _ =	vpop (xrf0);
	(xrf0) =	vadd.scan.msk.s32 $0xffff, v10  }
0x4f: {  	vm5 =	veq.s32 v8, $0x7;
	v11 =	vsel vm4, $0x1, v0;
	v10, _, _ =	vpop (xrf0);
	(v2sf) =	vpush v7, $0xF;
	(xrf0) =	vadd.scan.msk.s32 $0xffff, v3  }
0x50: {  	vm4 =	veq.s32 v8, $0xB;
	s3 =	spop (v2sf);
	v3 =	vsel vm5, $0x1, v0;
	v12, _, _ =	vpop (xrf0);
	(xrf0) =	vadd.scan.msk.s32 $0xffff, v11;
	(v2sf) =	vpush v2, $0xF  }
0x51: {  	s5 =	simm.s32 $0x30;
	vm6 =	veq.s32 v8, $0x5;
	v2 =	vsel vm4, $0x1, v0;
	v7, _, _ =	vpop (xrf0);
	(xrf0) =	vadd.scan.msk.s32 $0xffff, v3;
	(v2sf) =	vpush v4, $0xF  }
0x52: {  	vm7 =	veq.s32 v8, $0x8;
	vm2 =	veq.s32 v8, $0x9;
	s12 =	spop (v2sf);
	v11 =	vld [tilespmem:s5+$0x0];
	v4, _, _ =	vpop (xrf0);
	(xrf0) =	vadd.scan.msk.s32 $0xffff, v2;
	(v2sf) =	vpush v6, $0xF  }
0x53: {  	v15 =	vsel vm1, $0x1, v0;
	v3 =	vsel vm3, $0x1, v0;
	s6 =	spop (v2sf);
	v13, _, _ =	vpop (xrf0);
	(v2sf) =	vpush v9, $0xF;
	(xrf0) =	vadd.scan.msk.s32 $0xffff, v5  }
0x54: {  	vm3 =	veq.s32 v8, $0xA;
	v6 =	vsel vm6, $0x1, v0;
	s9 =	spop (v2sf);
	v14, _, _ =	vpop (xrf0);
	(v2sf) =	vpush v7, $0xF  }
0x55: {  	vm4 =	veq.s32 v8, $0x2;
	v8 =	vsel vm3, $0x1, v0;
	s10 =	spop (v2sf);
	(xrf0) =	vadd.scan.msk.s32 $0xffff, v3;
	(v2sf) =	vpush v4, $0xF;
	v4, _, _ =	vpop (xrf0)  }
0x56: {  	v16 =	vsel vm0, $0x1, v0;
	v2 =	vsel vm7, $0x1, v0;
	(xrf0) =	vadd.scan.msk.s32 $0xffff, v6;
	s11 =	spop (v2sf);
	v7, _, _ =	vpop (xrf0);
	(v2sf) =	vpush v13, $0xF  }
0x57: {  	s14 =	simm.s32 $0x100;
	v9 =	vsel vm2, $0x1, v0;
	v3 =	vshra.s32 v11, $0xD;
	(xrf0) =	vadd.scan.msk.s32 $0xffff, v8;
	s16 =	spop (v2sf);
	(v2sf) =	vpush v14, $0xF;
	v6, _, _ =	vpop (xrf0)  }
0x58: {  	s13 =	sadd.s32 $0x0, s3;
	s24 =	sadd.s32 $0x0, s12;
	v5 =	vsel vm4, $0x1, v0;
	vm4 =	veq.s32 v3, $0x6;
	s22 =	spop (v2sf);
	(xrf0) =	vadd.scan.msk.s32 $0xffff, v9;
	v8, _, _ =	vpop (xrf0);
	(v2sf) =	vpush v4, $0xF  }
0x59: {  	s25 =	sadd.s32 $0x0, s9;
	s26 =	sadd.s32 $0x0, s10;
	vm2 =	veq.s32 v3, $0x0;
	s3 =	spop (v2sf);
	(xrf0) =	vadd.scan.msk.s32 $0xffff, v5;
	v5 =	vsel vm4, $0x1, v0;
	(v2sf) =	vpush v10, $0xF;
	v4, _, _ =	vpop (xrf0)  }
0x5a: {  	s10 =	simm.s32 $0x0;
	vm3 =	veq.s32 v3, $0x1;
	vm1 =	veq.s32 v3, $0x3;
	s12 =	sadd.s32 $0x0, s11;
	s11 =	sadd.s32 $0x0, s6;
	(xrf0) =	vadd.scan.msk.s32 $0xffff, v15;
	(v2sf) =	vpush v4, $0xF  }
0x5b: {  	vm0 =	veq.s32 v3, $0x4;
	vm5 =	veq.s32 v3, $0x7;
	s1 =	sadd.s32 $0x0, s16;
	s9 =	sadd.s32 $0x0, s22;
	s23 =	spop (v2sf);
	v9, _, _ =	vpop (xrf0);
	(v2sf) =	vpush v12, $0xF  }
0x5c: {  	vm7 =	veq.s32 v3, $0xB;
	vm6 =	veq.s32 v3, $0x5;
	v11 =	vsel vm2, $0x1, v0;
	s22 =	sadd.s32 s13, s3;
	s13 =	simm.s32 $0x0;
	s16 =	spop (v2sf);
	(xrf0) =	vadd.scan.msk.s32 $0xffff, v5;
	v5, _, _ =	vpop (xrf0)  }
0x5d: {  	vm2 =	veq.s32 v3, $0x8;
	vm4 =	veq.s32 v3, $0x9;
	v10 =	vsel vm7, $0x1, v0;
	s6 =	sadd.s32 $0x0, s23;
	s5 =	sadd.s32 $0x0, s16;
	(xrf0) =	vadd.scan.msk.s32 $0xffff, v16;
	v4, _, _ =	vpop (xrf0);
	s23 =	spop (v2sf)  }
.LBB2_2:
0x5e: {  	s3 =	sshra.s32 s14, $0x2;
	vm7 =	veq.s32 v3, $0x2;
	v12 =	vsel vm5, $0x1, v0;
	(xrf0) =	vadd.scan.msk.s32 $0xffff, v11;
	(v2sf) =	vpush v7, $0xF;
	v7, _, _ =	vpop (xrf0);
	s13 =	sadd.s32 s13, s23;
	s23 =	spop (v2sf)  }
0x5f: {  	p2 =	sne.s32 s14, $0xFC0;
	s14 =	sadd.s32 $0x40, s14;
	v13 =	vsel vm3, $0x1, v0;
	vm3 =	veq.s32 v3, $0xA;
	v11 =	vld [tilespmem:s3+$0x0];
	(xrf0) =	vadd.scan.msk.s32 $0xffff, v12;
	v3, _, _ =	vpop (xrf0);
	(v2sf) =	vpush v8, $0xF;
	s10 =	sadd.s32 s10, s23  }
0x60: {  	v8 =	vsel vm6, $0x1, v0;
	v12 =	vsel vm3, $0x1, v0;
	(xrf0) =	vadd.scan.msk.s32 $0xffff, v10;
	v10, _, _ =	vpop (xrf0);
	(v2sf) =	vpush v6, $0xF;
	s3 =	spop (v2sf)  }
0x61: {  	v15 =	vsel vm4, $0x1, v0;
	v14 =	vsel vm7, $0x1, v0;
	(v2sf) =	vpush v9, $0xF;
	(xrf0) =	vadd.scan.msk.s32 $0xffff, v2;
	s24 =	sadd.s32 s24, s3;
	s3 =	spop (v2sf)  }
0x62: {  	v9 =	vsel vm1, $0x1, v0;
	(xrf0) =	vadd.scan.msk.s32 $0xffff, v13;
	v6, _, _ =	vpop (xrf0);
	(v2sf) =	vpush v7, $0xF;
	s23 =	spop (v2sf)  }
0x63: {  	v2 =	vsel vm2, $0x1, v0;
	(xrf0) =	vadd.scan.msk.s32 $0xffff, v8;
	(v2sf) =	vpush v3, $0xF;
	v13, _, _ =	vpop (xrf0);
	s25 =	sadd.s32 s25, s23;
	s23 =	spop (v2sf)  }
0x64: {  	v16 =	vsel vm0, $0x1, v0;
	v3 =	vshra.s32 v11, $0xD;
	v7, _, _ =	vpop (xrf0);
	(xrf0) =	vadd.scan.msk.s32 $0xffff, v12;
	(v2sf) =	vpush v10, $0xF;
	s26 =	sadd.s32 s26, s23;
	s23 =	spop (v2sf)  }
0x65: {  	vm2 =	veq.s32 v3, $0x0;
	vm3 =	veq.s32 v3, $0x1;
	(v2sf) =	vpush v6, $0xF;
	v6, _, _ =	vpop (xrf0);
	(xrf0) =	vadd.scan.msk.s32 $0xffff, v15;
	s12 =	sadd.s32 s12, s23;
	s23 =	spop (v2sf)  }
.Ltmp2:
0x66: {  	vm1 =	veq.s32 v3, $0x3;
	vm0 =	veq.s32 v3, $0x4;
	(xrf0) =	vadd.scan.msk.s32 $0xffff, v14;
	v8, _, _ =	vpop (xrf0);
	(v2sf) =	vpush v13, $0xF;
	s1 =	sadd.s32 s1, s23;
	s23 =	spop (v2sf);
	(pc) =	sbr.rel @p2 .LBB2_2-.Ltmp2, $4  }
0x67: {  	vm4 =	veq.s32 v3, $0x6;
	vm5 =	veq.s32 v3, $0x7;
	(xrf0) =	vadd.scan.msk.s32 $0xffff, v9;
	(v2sf) =	vpush v5, $0xF;
	s16 =	spop (v2sf);
	v5, _, _ =	vpop (xrf0);
	s9 =	sadd.s32 s9, s23  }
0x68: {  	s11 =	sadd.s32 s11, s3;
	v10 =	vsel vm4, $0x1, v0;
	vm4 =	veq.s32 v3, $0x9;
	v9, _, _ =	vpop (xrf0);
	s22 =	sadd.s32 s22, s16;
	(v2sf) =	vpush v5, $0xF;
	s3 =	spop (v2sf)  }
0x69: {  	vm7 =	veq.s32 v3, $0xB;
	v11 =	vsel vm2, $0x1, v0;
	(xrf0) =	vadd.scan.msk.s32 $0xffff, v10;
	v5, _, _ =	vpop (xrf0);
	(v2sf) =	vpush v4, $0xF;
	s6 =	sadd.s32 s6, s3;
	s3 =	spop (v2sf)  }
0x6a: {  	vm6 =	veq.s32 v3, $0x5;
	vm2 =	veq.s32 v3, $0x8;
	v10 =	vsel vm7, $0x1, v0;
	(xrf0) =	vadd.scan.msk.s32 $0xffff, v16;
	v4, _, _ =	vpop (xrf0);
	s5 =	sadd.s32 s5, s3;
	s23 =	spop (v2sf)  }
0x6b: {  	(v2sf) =	vpush v7, $0xF  }
0x6c: {  	s3 =	spop (v2sf);
	(v2sf) =	vpush v8, $0xF  }
0x6d: {  	s23 =	sadd.s32 s13, s23;
	[smem:$0x7EB] =	sst s3;
	(v2sf) =	vpush v6, $0xF  }
0x6e: {  	v54, _, _ =	vpop (xrf0);
	[smem:$0x7F5] =	sst s23;
	s14 =	spop (v2sf);
	(v2sf) =	vpush v9, $0xF  }
0x6f: {  	v12 =	vsel vm5, $0x1, v0;
	(xrf0) =	vadd.scan.msk.s32 $0xffff, v11;
	v55, _, _ =	vpop (xrf0);
	s23 =	sld [smem:$0x7EB];
	s16 =	spop (v2sf);
	(v2sf) =	vpush v54, $0xF  }
0x70: {  	(xrf0) =	vadd.scan.msk.s32 $0xffff, v12;
	v56, _, _ =	vpop (xrf0);
	[smem:$0x7EC] =	sst s14;
	s14 =	spop (v2sf);
	(v2sf) =	vpush v55, $0xF  }
0x71: {  	(xrf0) =	vadd.scan.msk.s32 $0xffff, v10;
	[dreg:$0x1a] =	wrdreg s16;
	s16 =	spop (v2sf);
	(v2sf) =	vpush v56, $0xF  }
0x72: {  	(xrf0) =	vadd.scan.msk.s32 $0xffff, v2;
	v2, _, _ =	vpop (xrf0);
	[smem:$0x7ED] =	sst s14;
	s14 =	spop (v2sf)  }
0x73: {  	[smem:$0x7EE] =	sst s16;
	(v2sf) =	vpush v2, $0xF;
	s16 =	spop (v2sf)  }
0x74: {  	[dreg:$0x1b] =	wrdreg s14;
	s14 =	spop (v2sf)  }
0x75: {  	[smem:$0x7EF] =	sst s16;
	s16 =	spop (v2sf)  }
0x76: {  	[smem:$0x7F0] =	sst s14;
	s14 =	spop (v2sf)  }
0x77: {  	[dreg:$0x1e] =	wrdreg s16;
	s16 =	spop (v2sf)  }
0x78: {  	v57 =	vsel vm3, $0x1, v0;
	vm14 =	veq.s32 v3, $0xA;
	v58, _, _ =	vpop (xrf0);
	[smem:$0x7F1] =	sst s14;
	s14 =	spop (v2sf)  }
0x79: {  	v59 =	vsel vm6, $0x1, v0;
	vm15 =	veq.s32 v3, $0x2;
	v3 =	vsel vm4, $0x1, v0;
	(xrf0) =	vadd.scan.msk.s32 $0xffff, v57;
	v60, _, _ =	vpop (xrf0);
	[smem:$0x7F2] =	sst s16;
	s16 =	spop (v2sf)  }
0x7a: {  	v61 =	vsel vm14, $0x1, v0;
	(xrf0) =	vadd.scan.msk.s32 $0xffff, v59;
	v2, _, _ =	vpop (xrf0);
	[dreg:$0x1f] =	wrdreg s14;
	s14 =	spop (v2sf)  }
0x7b: {  	(xrf0) =	vadd.scan.msk.s32 $0xffff, v61;
	v62, _, _ =	vpop (xrf0);
	(v2sf) =	vpush v58, $0xF;
	[dreg:$0x1d] =	wrdreg s16;
	s16 =	spop (v2sf)  }
0x7c: {  	(xrf0) =	vadd.scan.msk.s32 $0xffff, v3;
	(v2sf) =	vpush v5, $0xF;
	v3, _, _ =	vpop (xrf0);
	[smem:$0x7F3] =	sst s14;
	s14 =	spop (v2sf)  }
0x7d: {  	(v2sf) =	vpush v3, $0xF;
	[smem:$0x7F7] =	sst s14;
	s14 =	spop (v2sf)  }
0x7e: {  	[dreg:$0x1c] =	wrdreg s16;
	s16 =	spop (v2sf)  }
0x7f: {  	[smem:$0x7FB] =	sst s16;
	s16 =	spop (v2sf)  }
0x80: {  	(v2sf) =	vpush v4, $0xF;
	s3 =	spop (v2sf)  }
0x81: {  	[smem:$0x7F4] =	sst s3  }
0x82: {  	s13 =	spop (v2sf);
	s3 =	sadd.s32 s10, s23;
	s23 =	sld [smem:$0x7ED]  }
0x83: {  	(v2sf) =	vpush v60, $0xF;
	[smem:$0x7F6] =	sst s13  }
0x84: {  	v63 =	vsel vm15, $0x1, v0;
	v3 =	vsel vm1, $0x1, v0;
	(v2sf) =	vpush v62, $0xF;
	[smem:$0x7FA] =	sst s3  }
0x85: {  	(xrf0) =	vadd.scan.msk.s32 $0xffff, v63;
	s3 =	sadd.s32 s25, s23;
	s25 =	sld [smem:$0x7EE]  }
0x86: {  	(xrf0) =	vadd.scan.msk.s32 $0xffff, v3;
	v4 =	vsel vm0, $0x1, v0;
	s13 =	sld [smem:$0x7EC]  }
0x87: {  	v3, _, _ =	vpop (xrf0);
	(v2sf) =	vpush v2, $0xF;
	[smem:$0x7F8] =	sst s3  }
0x88: {  	v5, _, _ =	vpop (xrf0);
	(v2sf) =	vpush v3, $0xF;
	s3 =	sadd.s32 s26, s25;
	s26 =	sld [smem:$0x7EF]  }
0x89: {  	(xrf0) =	vadd.scan.msk.s32 $0xffff, v4;
	v4, _, _ =	vpop (xrf0);
	s25 =	sld [smem:$0x7F0]  }
0x8a: {  	v2, _, _ =	vpop (xrf0);
	s24 =	sadd.s32 s24, s13;
	s13 =	spop (v2sf)  }
0x8b: {  	v3, _, _ =	vpop (xrf0);
	(v2sf) =	vpush v2, $0xF;
	s23 =	spop (v2sf);
	s10 =	sadd.s32 s1, s26  }
0x8c: {  	(v2sf) =	vpush v3, $0xF;
	v2, _, _ =	vpop (xrf0);
	s9 =	sadd.s32 s9, s25;
	s26 =	spop (v2sf);
	s25 =	sld [smem:$0x7F1]  }
0x8d: {  	(v2sf) =	vpush v2, $0xF;
	[smem:$0x7F9] =	sst s26  }
0x8e: {  	s26 =	sld [smem:$0x7F2]  }
0x8f: {  	v2, _, _ =	vpop (xrf0);
	s6 =	sadd.s32 s6, s25;
	s25 =	spop (v2sf)  }
0x90: {  	(v2sf) =	vpush v2, $0xF;
	[smem:$0x7FC] =	sst s25  }
0x91: {  	s5 =	sadd.s32 s5, s26;
	s26 =	sld [smem:$0x7F3]  }
0x92: {  	s1 =	spop (v2sf);
	s6 =	sadd.s32 s6, s13;
	s13 =	rddreg [dreg:$0x1b]  }
0x93: {  	s25 =	spop (v2sf);
	s5 =	sadd.s32 s5, s23;
	s23 =	sld [smem:$0x7F5]  }
0x94: {  	(v2sf) =	vpush v5, $0xF;
	[smem:$0x7FD] =	sst s25  }
0x95: {  	s25 =	sld [smem:$0x7F4];
	s24 =	sadd.s32 s24, s26;
	s26 =	simm.s32 $0x0  }
0x96: {  	[smem:$0x0] =	sst s26;
	s1 =	sadd.s32 s24, s1;
	s24 =	spop (v2sf)  }
0x97: {  	s14 =	sadd.s32 s3, s14;
	[smem:$0x20] =	sst s26;
	s3 =	spop (v2sf)  }
0x98: {  	[smem:$0x1] =	sst s1;
	s14 =	sadd.s32 s14, s3  }
0x99: {  	s10 =	sadd.s32 s10, s16;
	[smem:$0x21] =	sst s1;
	s1 =	sadd.s32 s1, s14  }
0x9a: {  	s9 =	sadd.s32 s9, s25;
	s16 =	spop (v2sf);
	[smem:$0x2] =	sst s1  }
0x9b: {  	v3 =	vsel vm2, $0x1, v0;
	s3 =	simm.s32 $0x0;
	s14 =	spop (v2sf);
	[smem:$0x22] =	sst s1  }
0x9c: {  	(xrf0) =	vadd.scan.msk.s32 $0xffff, v3;
	s10 =	sadd.s32 s10, s14;
	s25 =	spop (v2sf);
	s14 =	rddreg [dreg:$0x1e]  }
0x9d: {  	v3 =	vld [tilespmem:s3+$0x0];
	s1 =	sadd.s32 s10, s1;
	s3 =	sadd.s32 s9, s25;
	s25 =	sld [smem:$0x7F6]  }
0x9e: {  	[smem:$0x3] =	sst s1  }
0x9f: {  	s9 =	spop (v2sf);
	[smem:$0x23] =	sst s1;
	s1 =	sadd.s32 s3, s1  }
0xa0: {  	s3 =	sadd.s32 s6, s9;
	s6 =	sadd.s32 s12, s13;
	s12 =	sld [smem:$0x7F8]  }
0xa1: {  	s13 =	sld [smem:$0x7F9]  }
0xa2: {  	v2, _, _ =	vpop (xrf0);
	[smem:$0x4] =	sst s1  }
0xa3: {  	(v2sf) =	vpush v2, $0xF;
	s10 =	spop (v2sf);
	[smem:$0x24] =	sst s1;
	s1 =	sadd.s32 s3, s1  }
0xa4: {  	s3 =	sadd.s32 s5, s10;
	s5 =	sadd.s32 s22, s14;
	s22 =	rddreg [dreg:$0x1f]  }
0xa5: {  	s10 =	sld [smem:$0x7F7]  }
0xa6: {  	(v2sf) =	vpush v4, $0xF;
	[smem:$0x5] =	sst s1  }
0xa7: {  	[smem:$0x25] =	sst s1  }
0xa8: {  	s1 =	sadd.s32 s3, s1;
	s3 =	sadd.s32 s23, s22;
	s23 =	rddreg [dreg:$0x1d]  }
0xa9: {  	s5 =	sadd.s32 s5, s25;
	s25 =	sld [smem:$0x7FB]  }
0xaa: {  	[smem:$0x6] =	sst s1  }
0xab: {  	[smem:$0x26] =	sst s1  }
0xac: {  	(v2sf) =	vpush v3, $0x0;
	s1 =	sadd.s32 s5, s1;
	s3 =	sadd.s32 s3, s13;
	s13 =	rddreg [dreg:$0x1a]  }
0xad: {  	[smem:$0x7] =	sst s1  }
0xae: {  	s9 =	sadd.s32 s12, s10;
	[smem:$0x27] =	sst s1  }
0xaf: {  	s14 =	sadd.s32 s9, s24;
	s24 =	sld [smem:$0x7FA]  }
0xb0: {  	s9 =	sld [smem:$0x7FC]  }
0xb1: {  	s6 =	sadd.s32 s6, s25;
	s1 =	sadd.s32 s14, s1;
	s14 =	rddreg [dreg:$0x1c]  }
0xb2: {  	s22 =	spop (v2sf);
	s10 =	sadd.s32 s6, s16;
	s16 =	sld [smem:$0x7FD]  }
0xb3: {  	s3 =	sadd.s32 s3, s22;
	[smem:$0x8] =	sst s1  }
0xb4: {  	[smem:$0x28] =	sst s1;
	s1 =	sadd.s32 s3, s1  }
0xb5: {  	s12 =	spop (v2sf);
	s5 =	sadd.s32 s24, s23;
	[smem:$0x9] =	sst s1  }
0xb6: {  	[smem:$0x29] =	sst s1;
	s1 =	sadd.s32 s10, s1;
	s3 =	sadd.s32 s5, s9  }
0xb7: {  	s5 =	sadd.s32 s11, s13;
	[smem:$0xA] =	sst s1;
	s3 =	sadd.s32 s3, s12  }
0xb8: {  	[smem:$0x2A] =	sst s1;
	s5 =	sadd.s32 s5, s14;
	s1 =	sadd.s32 s3, s1  }
0xb9: {  	s3 =	sadd.s32 s5, s16;
	[smem:$0xB] =	sst s1  }
0xba: {  	[smem:$0x2B] =	sst s1;
	s1 =	sadd.s32 s3, s1  }
0xbb: {  	[smem:$0xC] =	sst s1;
	s22 =	spop (v2sf)  }
0xbc: {  	[smem:$0x2C] =	sst s1;
	s23 =	sshra.s32 s22, $0xD  }
0xbd: {  	s3 =	sld [smem:s23+$0x20];
	_ =	sdelay $0x2  }
0xbe: {  	s24 =	sshll.u32 s3, $0x1  }
0xbf: {  	s25 =	sand.u32 $0x3F, s3;
	s5 =	sand.u32 $0xFFFFFF80, s24  }
0xc0: {  	s5 =	sor.u32 s25, s5  }
0xc1: {  	v2 =	vmov s5;
	_ =	sdelay $0x2  }
0xc2: {  	v3 =	vbroadcast v3, $0x0  }
0xc3: {  	s1 =	rddreg [dreg:$0x9];
	s3 =	sadd.s32 $0x1, s3  }
0xc4: {  	s6 =	simm.s32 $0x8;
	[smem:s23+$0x20] =	sst s3;
	s5 =	simm.s32 $0x4;
	[tilespmem:v2+s29+$0x0] =	vst.idx.msk $0x1, v3;
	v3 =	vmov s1  }
.LBB2_4:
0xc5: {  	s3 =	sshra.s32 s5, $0x2  }
0xc6: {  	[tilespmem:v2+s30+$0x0] =	vst.idx.msk $0x1, v3;
	s1 =	sadd.s32 $0x1, s1;
	s5 =	smov.u32 s6;
	s9 =	sadd.s32 $0x4, s6  }
0xc7: {  	p2 =	sne.s32 s6, $0xFFC;
	v3 =	vld [tilespmem:s3+$0x0];
	_ =	sdelay $0x4  }
0xc8: {  	(v2sf) =	vpush v3, $0x0;
	_ =	sdelay $0xe  }
0xc9: {  	s3 =	spop (v2sf)  }
0xca: {  	s3 =	sshra.s32 s3, $0xD  }
0xcb: {  	s6 =	sld [smem:s3+$0x20];
	_ =	sdelay $0x2  }
0xcc: {  	s10 =	sadd.s32 $0x1, s6;
	s11 =	sshll.u32 s6, $0x1  }
0xcd: {  	[smem:s3+$0x20] =	sst s10;
	s3 =	sand.u32 $0x3F, s6;
	s6 =	sand.u32 $0xFFFFFF80, s11  }
0xce: {  	s3 =	sor.u32 s3, s6  }
0xcf: {  	v2 =	vmov s3  }
.Ltmp3:
0xd0: {  	(pc) =	sbr.rel @p2 .LBB2_4-.Ltmp3, $3  }
0xd1: {  	_ = 	snop  }
0xd2: {  	v3 =	vbroadcast v3, $0x0;
	_ =	sdelay $0x1  }
0xd3: {  	s6 =	smov.u32 s9;
	[tilespmem:v2+s29+$0x0] =	vst.idx.msk $0x1, v3;
	v3 =	vmov s1  }
0xd4: {  	_ =	sdelay $0x3  }
0xd5: {  	s3 =	sshra.s32 s5, $0x2;
	[tilespmem:v2+s30+$0x0] =	vst.idx.msk $0x1, v3  }
0xd6: {  	v2 =	vld [tilespmem:s3+$0x0];
	_ =	sdelay $0x4  }
0xd7: {  	(v2sf) =	vpush v2, $0x0;
	_ =	sdelay $0xe  }
0xd8: {  	s24 =	spop (v2sf)  }
0xd9: {  	s3 =	sshra.s32 s24, $0xD  }
0xda: {  	s25 =	sld [smem:s3+$0x20];
	_ =	sdelay $0x2  }
0xdb: {  	s6 =	sshll.u32 s25, $0x1  }
0xdc: {  	s9 =	sand.u32 $0x3F, s25;
	s6 =	sand.u32 $0xFFFFFF80, s6  }
0xdd: {  	s6 =	sor.u32 s9, s6  }
0xde: {  	v3 =	vmov s6;
	_ =	sdelay $0x1  }
.Ltmp4:
0xdf: {  	s13 =	rddreg [dreg:$0x0];
	(pc) =	sbr.rel .LBB2_6-.Ltmp4, $4  }
0xe0: {  	s14 =	rddreg [dreg:$0x4];
	v2 =	vbroadcast v2, $0x0  }
0xe1: {  	s1 =	sadd.s32 $0x1, s1;
	s16 =	rddreg [dreg:$0x6]  }
0xe2: {  	s23 =	rddreg [dreg:$0x7];
	s5 =	sadd.s32 $0x1, s25;
	[tilespmem:v3+s29+$0x0] =	vst.idx.msk $0x1, v2;
	v2 =	vmov s1  }
0xe3: {  	[smem:s3+$0x20] =	sst s5;
	[tilespmem:v3+s30+$0x0] =	vst.idx.msk $0x1, v2  }
.LBB2_25:
0xe4: {  	[bflag:$0x0] =	sbarrier.arrive $0xFFFF  }
.LBB2_13:
0xe5: {  	[bflag:$0x0] =	sbarrier.arrive $0xFFFF;
	s26 =	sadd.s32 $0x1, s26  }
0xe6: {  	s1 =	rddreg [dreg:$0x8];
	p2 =	sne.s32 s26, $0x6  }
.Ltmp5:
0xe7: {  	s1 =	sadd.s32 s1, s12;
	(pc) =	sbr.rel @!p2 .LBB2_14-.Ltmp5, $4  }
0xe8: {  	[hbm:s1], [sflag:s25] =	dma.local [spmem:s22], $0x1000  }
0xe9: {  	_ =	swait.ge [sflag:s28], $0x1000  }
0xea: {  	[sflag:s28] =	ssyncset.done $0x0  }
0xeb: {  	[sflag:s28] =	ssyncadd.s32 $0xFFFFF000  }
.LBB2_6:
0xec: {  	s1 =	sshll.u32 s26, $0x1  }
0xed: {  	s5 =	rddreg [dreg:$0xb];
	s6 =	sor.u32 s16, s1  }
0xee: {  	s22 =	stileid.u32;
	s10 =	rddreg [dreg:$0x15];
	s1 =	sshll.u32 s6, $0x10  }
0xef: {  	s3 =	sld [smem:s6+$0x0];
	s12 =	sor.u32 s5, s1;
	s1 =	sshll.u32 s22, $0x6  }
0xf0: {  	s24 =	sld [smem:s6+$0x20];
	s9 =	sadd.s32 s13, s12;
	s25 =	sor.u32 $0x1C04, s1  }
0xf1: {  	[spmem:s10], [sflag:s25] =	dma.local [hbm:s9], $0x1000  }
0xf2: {  	_ =	swait.ge [sflag:s28], $0x1000  }
0xf3: {  	s11 =	sadd.s32 s23, s12;
	[sflag:s28] =	ssyncset.done $0x0;
	s22 =	rddreg [dreg:$0xc]  }
0xf4: {  	s24 =	sadd.s32 $0x3F, s24;
	[sflag:s28] =	ssyncadd.s32 $0xFFFFF000;
	s22 =	sshrl.u32 s22, $0x3  }
0xf5: {  	[spmem:s22], [sflag:s25] =	dma.local [hbm:s11], $0x1000  }
0xf6: {  	s24 =	sshra.s32 s24, $0x6;
	s11 =	sshra.s32 s3, $0x6  }
0xf7: {  	p2 =	sle.s32 s24, s11  }
.Ltmp6:
0xf8: {  	_ =	swait.ge [sflag:s28], $0x1000;
	(pc) =	sbr.rel @p2 .LBB2_25-.Ltmp6, $3  }
0xf9: {  	[sflag:s28] =	ssyncset.done $0x0  }
0xfa: {  	[sflag:s28] =	ssyncadd.s32 $0xFFFFF000  }
0xfb: {  	[bflag:$0x0] =	sbarrier.arrive $0xFFFF;
	_ =	sdelay $0x1  }
0xfc: {  	s1 =	sshll.u32 s11, $0x9  }
0xfd: {  	s3 =	sshra.s32 s1, $0x2  }
0xfe: {  	s1 =	sadd.s32 $0xC80, s3;
	s5 =	sadd.s32 $0x4A0, s3  }
0xff: {  	[tilespmem:s0], [sflag:$0x3] =	stream.indirect.gather [hbm4b:s7+s31], $0x80, s1, s31, $0xb8;
	[tilespmem:$0x17E00] =	vst v63  }
0x100: {  	v3 =	vld [tilespmem:s5+$0xFFFFFFE0];
	_ =	sdelay $0x4  }
0x101: {  	v2 =	vmov s6;
	v4 =	vadd.s32 v1, v3  }
0x102: {  	v5 =	vshra.s32 v3, $0xD;
	v3 =	vshrl.u32 v3, $0x1;
	v4 =	vand.u32 $0x7F, v4  }
0x103: {  	vm0 =	veq.s32 v5, v2;
	v3 =	vand.u32 $0xFFF, v3;
	v4 =	vor.u32 $0x1000, v4  }
0x104: {  	v3 =	vsel vm0, v3, v4  }
0x105: {  	[tilespmem:$0x7480] =	vst v3  }
0x106: {  	v3 =	vld [tilespmem:s5+$0xFFFFFFF0];
	_ =	sdelay $0x4  }
0x107: {  	v58 =	vadd.s32 v1, v3  }
0x108: {  	v59 =	vshra.s32 v3, $0xD;
	v3 =	vshrl.u32 v3, $0x1;
	v4 =	vand.u32 $0x7F, v58  }
0x109: {  	vm13 =	veq.s32 v59, v2;
	v3 =	vand.u32 $0xFFF, v3;
	v4 =	vor.u32 $0x1000, v4  }
0x10a: {  	v3 =	vsel vm13, v3, v4  }
0x10b: {  	[tilespmem:$0x7490] =	vst v3  }
0x10c: {  	v3 =	vld [tilespmem:s5+$0x0];
	_ =	sdelay $0x4  }
0x10d: {  	v60 =	vadd.s32 v1, v3  }
0x10e: {  	v61 =	vshra.s32 v3, $0xD;
	v3 =	vshrl.u32 v3, $0x1;
	v4 =	vand.u32 $0x7F, v60  }
0x10f: {  	vm14 =	veq.s32 v61, v2;
	v3 =	vand.u32 $0xFFF, v3;
	v4 =	vor.u32 $0x1000, v4  }
0x110: {  	v3 =	vsel vm14, v3, v4  }
0x111: {  	[tilespmem:$0x74A0] =	vst v3  }
0x112: {  	v3 =	vld [tilespmem:s5+$0x10];
	_ =	sdelay $0x4  }
0x113: {  	v62 =	vadd.s32 v1, v3  }
0x114: {  	v63 =	vshra.s32 v3, $0xD;
	v3 =	vshrl.u32 v3, $0x1;
	v4 =	vand.u32 $0x7F, v62  }
0x115: {  	vm15 =	veq.s32 v63, v2;
	v3 =	vand.u32 $0xFFF, v3;
	v4 =	vor.u32 $0x1000, v4  }
0x116: {  	v3 =	vsel vm15, v3, v4  }
0x117: {  	s10 =	ssub.s32 s24, s11;
	[tilespmem:$0x74B0] =	vst v3  }
0x118: {  	p2 =	seq.s32 s10, $0x1;
	_ =	swait.ge [sflag:s4], $0x2000  }
.Ltmp7:
0x119: {  	[sflag:s4] =	ssyncset.done $0x0;
	(pc) =	sbr.rel @p2 .LBB2_9-.Ltmp7, $4  }
0x11a: {  	[sflag:s4] =	ssyncadd.s32 $0xFFFFE000  }
0x11b: {  	[spmem:s2] =	stream.indirect.scatter.add.f32 [tilespmem:s0], [sflag:$0x4], $0x80, s15, s31, $0xb8;
	[tilespmem:$0x17E00] =	vst v63  }
0x11c: {  	_ =	swait.ge [sflag:s28], $0x2000  }
0x11d: {  	s6 =	sadd.s32 $0xFFFFFFFF, s10;
	[sflag:s28] =	ssyncset.done $0x0  }
.LBB2_8:
0x11e: {  	[sflag:s28] =	ssyncadd.s32 $0xFFFFE000;
	s1 =	sadd.s32 $0x80, s1;
	s5 =	sadd.s32 $0x80, s5  }
0x11f: {  	[tilespmem:s0], [sflag:$0x3] =	stream.indirect.gather [hbm4b:s7+s31], $0x80, s1, s31, $0xb8;
	[tilespmem:$0x17E00] =	vst v63  }
0x120: {  	p2 =	seq.s32 s6, $0x1;
	s6 =	sadd.s32 $0xFFFFFFFF, s6;
	v3 =	vld [tilespmem:s5+$0xFFFFFFE0];
	_ =	sdelay $0x4  }
0x121: {  	v4 =	vshra.s32 v3, $0xD;
	v5 =	vshrl.u32 v3, $0x1;
	v3 =	vadd.s32 v1, v3  }
0x122: {  	v3 =	vand.u32 $0x7F, v3  }
0x123: {  	vm0 =	veq.s32 v4, v2;
	v4 =	vand.u32 $0xFFF, v5;
	v3 =	vor.u32 $0x1000, v3  }
0x124: {  	v3 =	vsel vm0, v4, v3  }
0x125: {  	[tilespmem:$0x7480] =	vst v3  }
0x126: {  	v3 =	vld [tilespmem:s5+$0xFFFFFFF0];
	_ =	sdelay $0x4  }
0x127: {  	v4 =	vshra.s32 v3, $0xD;
	v5 =	vshrl.u32 v3, $0x1;
	v3 =	vadd.s32 v1, v3  }
0x128: {  	v3 =	vand.u32 $0x7F, v3  }
0x129: {  	vm0 =	veq.s32 v4, v2;
	v4 =	vand.u32 $0xFFF, v5;
	v3 =	vor.u32 $0x1000, v3  }
0x12a: {  	v3 =	vsel vm0, v4, v3  }
0x12b: {  	[tilespmem:$0x7490] =	vst v3  }
0x12c: {  	v3 =	vld [tilespmem:s5+$0x0];
	_ =	sdelay $0x4  }
0x12d: {  	v4 =	vshra.s32 v3, $0xD;
	v5 =	vshrl.u32 v3, $0x1;
	v3 =	vadd.s32 v1, v3  }
0x12e: {  	v3 =	vand.u32 $0x7F, v3  }
0x12f: {  	vm0 =	veq.s32 v4, v2;
	v4 =	vand.u32 $0xFFF, v5;
	v3 =	vor.u32 $0x1000, v3  }
0x130: {  	v3 =	vsel vm0, v4, v3  }
0x131: {  	[tilespmem:$0x74A0] =	vst v3  }
0x132: {  	v3 =	vld [tilespmem:s5+$0x10];
	_ =	sdelay $0x4  }
0x133: {  	v4 =	vshra.s32 v3, $0xD;
	v5 =	vshrl.u32 v3, $0x1;
	v3 =	vadd.s32 v1, v3  }
0x134: {  	v3 =	vand.u32 $0x7F, v3  }
0x135: {  	vm0 =	veq.s32 v4, v2;
	v4 =	vand.u32 $0xFFF, v5;
	v3 =	vor.u32 $0x1000, v3  }
0x136: {  	v3 =	vsel vm0, v4, v3  }
0x137: {  	[tilespmem:$0x74B0] =	vst v3  }
0x138: {  	_ =	swait.ge [sflag:s4], $0x2000  }
.Ltmp8:
0x139: {  	[sflag:s4] =	ssyncset.done $0x0;
	(pc) =	sbr.rel @!p2 .LBB2_8-.Ltmp8, $4  }
0x13a: {  	[sflag:s4] =	ssyncadd.s32 $0xFFFFE000  }
0x13b: {  	[spmem:s2] =	stream.indirect.scatter.add.f32 [tilespmem:s0], [sflag:$0x4], $0x80, s15, s31, $0xb8;
	[tilespmem:$0x17E00] =	vst v63  }
0x13c: {  	_ =	swait.ge [sflag:s28], $0x2000  }
0x13d: {  	[sflag:s28] =	ssyncset.done $0x0  }
.LBB2_9:
0x13e: {  	[sflag:s28] =	ssyncadd.s32 $0xFFFFE000  }
0x13f: {  	[bflag:$0x0] =	sbarrier.arrive $0xFFFF  }
.LBB2_10:
0x140: {  	s1 =	sshll.u32 s11, $0x9  }
0x141: {  	s1 =	sshra.s32 s1, $0x2  }
0x142: {  	v3 =	vld [tilespmem:s1+$0x480];
	_ =	sdelay $0x4  }
0x143: {  	v4 =	vadd.s32 v1, v3  }
0x144: {  	v5 =	vshrl.u32 v3, $0x1;
	v3 =	vshra.s32 v3, $0xD;
	v4 =	vand.u32 $0x7F, v4  }
0x145: {  	v5 =	vand.u32 $0xFFF, v5;
	vm0 =	veq.s32 v3, v2;
	v3 =	vor.u32 $0x1000, v4  }
0x146: {  	[tilespmem:$0x7500] =	vst v5;
	v3 =	vsel vm0, v5, v3  }
0x147: {  	[tilespmem:$0x7580] =	vst v3  }
0x148: {  	v3 =	vld [tilespmem:s1+$0x490];
	_ =	sdelay $0x4  }
0x149: {  	v4 =	vadd.s32 v1, v3  }
0x14a: {  	v5 =	vshrl.u32 v3, $0x1;
	v3 =	vshra.s32 v3, $0xD;
	v4 =	vand.u32 $0x7F, v4  }
0x14b: {  	v5 =	vand.u32 $0xFFF, v5;
	vm13 =	veq.s32 v3, v2;
	v3 =	vor.u32 $0x1000, v4  }
0x14c: {  	[tilespmem:$0x7510] =	vst v5;
	v3 =	vsel vm13, v5, v3  }
0x14d: {  	[tilespmem:$0x7590] =	vst v3  }
0x14e: {  	v3 =	vld [tilespmem:s1+$0x4A0];
	_ =	sdelay $0x4  }
0x14f: {  	v4 =	vadd.s32 v1, v3  }
0x150: {  	v5 =	vshrl.u32 v3, $0x1;
	v3 =	vshra.s32 v3, $0xD;
	v4 =	vand.u32 $0x7F, v4  }
0x151: {  	v5 =	vand.u32 $0xFFF, v5;
	vm14 =	veq.s32 v3, v2;
	v3 =	vor.u32 $0x1000, v4  }
0x152: {  	[tilespmem:$0x7520] =	vst v5;
	v3 =	vsel vm14, v5, v3  }
0x153: {  	[tilespmem:$0x75A0] =	vst v3  }
0x154: {  	v3 =	vld [tilespmem:s1+$0x4B0];
	_ =	sdelay $0x4  }
0x155: {  	v4 =	vadd.s32 v1, v3  }
0x156: {  	v5 =	vshrl.u32 v3, $0x1;
	v3 =	vshra.s32 v3, $0xD;
	v4 =	vand.u32 $0x7F, v4  }
0x157: {  	v5 =	vand.u32 $0xFFF, v5;
	vm15 =	veq.s32 v3, v2;
	v3 =	vor.u32 $0x1000, v4  }
0x158: {  	[tilespmem:$0x7530] =	vst v5;
	v3 =	vsel vm15, v5, v3  }
0x159: {  	s3 =	simm.s32 $0x7500;
	[tilespmem:$0x75B0] =	vst v3  }
0x15a: {  	[tilespmem:s17], [sflag:$0x1] =	stream.indirect.gather [spmem:s2], $0x80, s3, s31, $0xb8;
	[tilespmem:$0x17E00] =	vst v63  }
0x15b: {  	s1 =	sadd.s32 $0xC80, s1  }
0x15c: {  	[tilespmem:s0], [sflag:$0x2] =	stream.indirect.gather [hbm4b:s7+s31], $0x80, s1, s31, $0xb8;
	[tilespmem:$0x17E00] =	vst v63  }
0x15d: {  	_ = 	snop  }
0x15e: {  	[tilespmem:s18], [sflag:$0x3] =	stream.indirect.gather [hbm4b:s8+s31], $0x80, s1, s31, $0xb8;
	[tilespmem:$0x17E00] =	vst v63  }
0x15f: {  	_ =	swait.ge [sflag:s19], $0x2000  }
0x160: {  	[sflag:s19] =	ssyncset.done $0x0  }
0x161: {  	[sflag:s19] =	ssyncadd.s32 $0xFFFFE000  }
0x162: {  	_ =	swait.ge [sflag:s20], $0x2000  }
0x163: {  	[sflag:s20] =	ssyncset.done $0x0  }
0x164: {  	[sflag:s20] =	ssyncadd.s32 $0xFFFFE000  }
0x165: {  	_ =	swait.ge [sflag:s4], $0x2000  }
0x166: {  	[sflag:s4] =	ssyncset.done $0x0  }
0x167: {  	s9 =	simm.s32 $0x0;
	[sflag:s4] =	ssyncadd.s32 $0xFFFFE000  }
0x168: {  	v3 =	vld [tilespmem:s9+$0x3480]  }
0x169: {  	v4 =	vld [tilespmem:s9+$0x1480]  }
0x16a: {  	v5 =	vld [tilespmem:s9+$0x3490]  }
0x16b: {  	v6 =	vld [tilespmem:s9+$0x1490]  }
0x16c: {  	v7 =	vld [tilespmem:s9+$0x34A0]  }
0x16d: {  	v8 =	vld [tilespmem:s9+$0x14A0]  }
0x16e: {  	v9 =	vld [tilespmem:s9+$0x34B0]  }
0x16f: {  	v10 =	vld [tilespmem:s9+$0x14B0]  }
0x170: {  	v11 =	vld [tilespmem:s9+$0x34C0];
	v3 =	vmul.f32 v4, v3;
	v4 =	vmul.f32 v6, v5  }
0x171: {  	v5 =	vld [tilespmem:s9+$0x14C0]  }
0x172: {  	v6 =	vld [tilespmem:s9+$0x34D0];
	v3 =	vadd.f32 v4, v3;
	v4 =	vmul.f32 v8, v7  }
0x173: {  	v7 =	vld [tilespmem:s9+$0x14D0]  }
0x174: {  	v8 =	vld [tilespmem:s9+$0x34E0];
	v3 =	vadd.f32 v4, v3;
	v4 =	vmul.f32 v10, v9  }
0x175: {  	v9 =	vld [tilespmem:s9+$0x14E0]  }
0x176: {  	v10 =	vld [tilespmem:s9+$0x14F0];
	v3 =	vadd.f32 v4, v3;
	v4 =	vmul.f32 v5, v11  }
0x177: {  	v5 =	vld [tilespmem:s9+$0x34F0]  }
0x178: {  	v3 =	vadd.f32 v4, v3;
	v4 =	vmul.f32 v7, v6;
	_ =	sdelay $0x1  }
0x179: {  	v3 =	vadd.f32 v4, v3;
	v4 =	vmul.f32 v9, v8;
	_ =	sdelay $0x1  }
0x17a: {  	v3 =	vadd.f32 v4, v3;
	v4 =	vmul.f32 v10, v5;
	_ =	sdelay $0x1  }
0x17b: {  	v3 =	vadd.f32 v4, v3;
	_ =	sdelay $0x1  }
0x17c: {  	(xrf2) =	vadd.scan.msk.f32 $0xffff, v3;
	_ =	sdelay $0x5  }
0x17d: {  	s6 =	simm.s32 $0x80  }
0x17e: {  	v12 =	vld [tilespmem:s6+$0x14A0]  }
0x17f: {  	v13 =	vld [tilespmem:s6+$0x3490]  }
0x180: {  	v14 =	vld [tilespmem:s6+$0x1490]  }
0x181: {  	v15 =	vld [tilespmem:s6+$0x14C0];
	v3, _, _ =	vpop (xrf2)  }
0x182: {  	v16 =	vld [tilespmem:s6+$0x34D0];
	(v2sf) =	vpush v3, $0xF  }
0x183: {  	v6 =	vld [tilespmem:s6+$0x3480]  }
0x184: {  	v7 =	vld [tilespmem:s6+$0x1480]  }
0x185: {  	v17 =	vld [tilespmem:s6+$0x14D0]  }
0x186: {  	v11 =	vld [tilespmem:s6+$0x34A0]  }
0x187: {  	v9 =	vld [tilespmem:s6+$0x34B0]  }
0x188: {  	v10 =	vld [tilespmem:s6+$0x14B0]  }
0x189: {  	v18 =	vld [tilespmem:s6+$0x34E0];
	v13 =	vmul.f32 v14, v13;
	v22 =	vmul.f32 v7, v6  }
0x18a: {  	v8 =	vld [tilespmem:s6+$0x34C0]  }
0x18b: {  	v19 =	vld [tilespmem:s6+$0x14E0];
	v11 =	vmul.f32 v12, v11;
	v13 =	vadd.f32 v13, v22  }
0x18c: {  	v20 =	vld [tilespmem:s6+$0x34F0]  }
0x18d: {  	s1 =	simm.s32 $0x100;
	v21 =	vld [tilespmem:s6+$0x14F0];
	v11 =	vadd.f32 v11, v13;
	v9 =	vmul.f32 v10, v9  }
0x18e: {  	v63 =	vld [tilespmem:s1+$0x1480]  }
0x18f: {  	v23 =	vld [tilespmem:s1+$0x1490];
	v8 =	vmul.f32 v15, v8;
	v9 =	vadd.f32 v9, v11  }
0x190: {  	v11 =	vld [tilespmem:s9+$0x5480]  }
0x191: {  	v14 =	vld [tilespmem:s1+$0x3480];
	v8 =	vadd.f32 v8, v9;
	v9 =	vmul.f32 v17, v16;
	s10 =	spop (v2sf)  }
0x192: {  	v5 =	vld [tilespmem:s1+$0x14B0];
	p2 =	sgt.f32 s10, $1.499999970e-02  }
0x193: {  	s5 =	simm.f32 $5.000000070e-02;
	v6 =	vld [tilespmem:s1+$0x34A0];
	v8 =	vadd.f32 v9, v8;
	v9 =	vmul.f32 v19, v18  }
0x194: {  	v7 =	vld [tilespmem:s1+$0x14A0];
	s5 =	simm.s32 @!p2 $0x0  }
0x195: {  	v4 =	vld [tilespmem:s1+$0x34B0];
	v18 =	vmul.f32 v21, v20;
	v8 =	vadd.f32 v9, v8;
	v17 =	vmul.f32 s5, v11  }
0x196: {  	v10 =	vld [tilespmem:s1+$0x3490]  }
0x197: {  	v3 =	vld [tilespmem:s1+$0x34C0];
	[tilespmem:s9+$0x5480] =	vst v17;
	v17 =	vadd.f32 v18, v8;
	_ =	sdelay $0x1  }
0x198: {  	(xrf2) =	vadd.scan.msk.f32 $0xffff, v17  }
0x199: {  	v15 =	vld [tilespmem:s9+$0x54A0]  }
0x19a: {  	v13 =	vld [tilespmem:s9+$0x5490];
	_ =	sdelay $0x1  }
0x19b: {  	v16 =	vld [tilespmem:s9+$0x54B0]  }
0x19c: {  	v12 =	vld [tilespmem:s9+$0x54C0]  }
0x19d: {  	v11 =	vld [tilespmem:s9+$0x54D0]  }
0x19e: {  	v9 =	vld [tilespmem:s9+$0x54E0];
	v15 =	vmul.f32 s5, v15;
	v18 =	vmul.f32 s5, v13  }
0x19f: {  	v8 =	vld [tilespmem:s9+$0x54F0];
	v13 =	vmul.f32 v63, v14;
	v14 =	vmul.f32 v23, v10  }
0x1a0: {  	s10 =	simm.s32 $0x600;
	v16 =	vmul.f32 s5, v16;
	v10 =	vld [tilespmem:s1+$0x14C0];
	[tilespmem:s9+$0x5490] =	vst v18  }
.LBB2_11:
0x1a1: {  	p2 =	sne.s32 s10, $0x7E00;
	v13 =	vadd.f32 v14, v13;
	v6 =	vmul.f32 v7, v6;
	v7 =	vld [tilespmem:s1+$0x34D0];
	v14, _, _ =	vpop (xrf2);
	[tilespmem:s9+$0x54A0] =	vst v15;
	v12 =	vmul.f32 s5, v12  }
0x1a2: {  	v15 =	vld [tilespmem:s1+$0x14D0];
	(v2sf) =	vpush v14, $0xF;
	[tilespmem:s9+$0x54B0] =	vst v16;
	v11 =	vmul.f32 s5, v11  }
0x1a3: {  	v4 =	vmul.f32 v5, v4;
	v6 =	vadd.f32 v6, v13;
	v13 =	vld [tilespmem:s1+$0x34E0];
	[tilespmem:s9+$0x54C0] =	vst v12;
	v5 =	vmul.f32 s5, v9  }
0x1a4: {  	v9 =	vld [tilespmem:s1+$0x14E0];
	[tilespmem:s9+$0x54D0] =	vst v11;
	v8 =	vmul.f32 s5, v8  }
0x1a5: {  	v4 =	vadd.f32 v4, v6;
	v6 =	vmul.f32 v10, v3;
	v10 =	vld [tilespmem:s1+$0x34F0];
	[tilespmem:s9+$0x54E0] =	vst v5  }
0x1a6: {  	v11 =	vld [tilespmem:s1+$0x14F0];
	[tilespmem:s9+$0x54F0] =	vst v8;
	s9 =	smov.u32 s6;
	s6 =	smov.u32 s1;
	s1 =	sshra.s32 s10, $0x2  }
0x1a7: {  	v3 =	vld [tilespmem:s1+$0x34C0];
	v6 =	vadd.f32 v6, v4;
	v7 =	vmul.f32 v15, v7  }
0x1a8: {  	v4 =	vld [tilespmem:s1+$0x34B0]  }
0x1a9: {  	v5 =	vld [tilespmem:s1+$0x14B0];
	v8 =	vadd.f32 v7, v6;
	v9 =	vmul.f32 v9, v13  }
0x1aa: {  	v6 =	vld [tilespmem:s1+$0x34A0]  }
0x1ab: {  	v7 =	vld [tilespmem:s1+$0x14A0];
	v8 =	vadd.f32 v9, v8;
	v9 =	vmul.f32 v11, v10  }
0x1ac: {  	v10 =	vld [tilespmem:s1+$0x3480]  }
0x1ad: {  	v13 =	vld [tilespmem:s1+$0x1480];
	v8 =	vadd.f32 v9, v8  }
0x1ae: {  	v14 =	vld [tilespmem:s1+$0x3490]  }
0x1af: {  	v15 =	vld [tilespmem:s1+$0x1490];
	(xrf2) =	vadd.scan.msk.f32 $0xffff, v8  }
0x1b0: {  	v8 =	vld [tilespmem:s9+$0x5480]  }
0x1b1: {  	v9 =	vld [tilespmem:s9+$0x5490];
	s3 =	spop (v2sf)  }
0x1b2: {  	p3 =	sgt.f32 s3, $1.499999970e-02;
	v16 =	vld [tilespmem:s9+$0x54A0]  }
0x1b3: {  	s5 =	simm.f32 $5.000000070e-02;
	v17 =	vld [tilespmem:s9+$0x54B0]  }
.Ltmp9:
0x1b4: {  	s5 =	simm.s32 @!p3 $0x0;
	v12 =	vld [tilespmem:s9+$0x54C0];
	(pc) =	sbr.rel @p2 .LBB2_11-.Ltmp9, $4  }
0x1b5: {  	v8 =	vmul.f32 s5, v8;
	v11 =	vld [tilespmem:s9+$0x54D0]  }
0x1b6: {  	v13 =	vmul.f32 v13, v10;
	v18 =	vmul.f32 s5, v9;
	v9 =	vld [tilespmem:s9+$0x54E0]  }
0x1b7: {  	v14 =	vmul.f32 v15, v14;
	[tilespmem:s9+$0x5480] =	vst v8;
	v15 =	vmul.f32 s5, v16;
	v8 =	vld [tilespmem:s9+$0x54F0]  }
0x1b8: {  	s10 =	sadd.s32 $0x200, s10;
	v10 =	vld [tilespmem:s1+$0x14C0];
	[tilespmem:s9+$0x5490] =	vst v18;
	v16 =	vmul.f32 s5, v17  }
0x1b9: {  	v17 =	vld [tilespmem:s1+$0x34D0];
	[tilespmem:s9+$0x54A0] =	vst v15;
	v12 =	vmul.f32 s5, v12;
	v13 =	vadd.f32 v14, v13;
	v6 =	vmul.f32 v7, v6  }
0x1ba: {  	v15 =	vld [tilespmem:s1+$0x14D0];
	[tilespmem:s9+$0x54B0] =	vst v16;
	v37 =	vmul.f32 s5, v11  }
0x1bb: {  	v4 =	vmul.f32 v5, v4;
	v16 =	vld [tilespmem:s1+$0x34E0];
	[tilespmem:s9+$0x54C0] =	vst v12;
	v6 =	vadd.f32 v6, v13;
	v39 =	vmul.f32 s5, v9  }
0x1bc: {  	v38 =	vld [tilespmem:s1+$0x14E0];
	[tilespmem:s9+$0x54D0] =	vst v37  }
0x1bd: {  	v7 =	vld [tilespmem:s1+$0x34F0];
	v4 =	vadd.f32 v4, v6;
	v3 =	vmul.f32 v10, v3;
	[tilespmem:s9+$0x54E0] =	vst v39  }
0x1be: {  	v5 =	vld [tilespmem:s1+$0x14F0]  }
0x1bf: {  	v3 =	vadd.f32 v3, v4;
	v40 =	vmul.f32 v15, v17;
	_ =	sdelay $0x1  }
0x1c0: {  	v3 =	vadd.f32 v40, v3;
	v42 =	vmul.f32 v38, v16  }
0x1c1: {  	v41, _, _ =	vpop (xrf2)  }
0x1c2: {  	(v2sf) =	vpush v41, $0xF;
	v3 =	vadd.f32 v42, v3;
	v43 =	vmul.f32 v5, v7;
	_ =	sdelay $0x1  }
0x1c3: {  	v3 =	vadd.f32 v43, v3;
	_ =	sdelay $0x1  }
0x1c4: {  	(xrf2) =	vadd.scan.msk.f32 $0xffff, v3;
	_ =	sdelay $0x6  }
0x1c5: {  	v3 =	vmul.f32 s5, v8;
	_ =	sdelay $0x1  }
0x1c6: {  	[tilespmem:s9+$0x54F0] =	vst v3  }
0x1c7: {  	v3 =	vld [tilespmem:s6+$0x5480];
	v45, _, _ =	vpop (xrf2)  }
0x1c8: {  	s3 =	spop (v2sf);
	v44 =	vld [tilespmem:s6+$0x5490];
	(v2sf) =	vpush v45, $0xF  }
0x1c9: {  	p2 =	sgt.f32 s3, $1.499999970e-02;
	v47 =	vld [tilespmem:s6+$0x54B0]  }
0x1ca: {  	v46 =	vld [tilespmem:s6+$0x54A0];
	s3 =	simm.f32 $5.000000070e-02  }
0x1cb: {  	v49 =	vld [tilespmem:s6+$0x54D0];
	s3 =	simm.s32 @!p2 $0x0  }
0x1cc: {  	v48 =	vld [tilespmem:s6+$0x54C0];
	v3 =	vmul.f32 s3, v3  }
0x1cd: {  	v51 =	vld [tilespmem:s6+$0x54F0];
	v4 =	vmul.f32 s3, v44  }
0x1ce: {  	v50 =	vld [tilespmem:s6+$0x54E0];
	v52 =	vmul.f32 s3, v47;
	[tilespmem:s6+$0x5480] =	vst v3  }
0x1cf: {  	v3 =	vmul.f32 s3, v46;
	[tilespmem:s6+$0x5490] =	vst v4  }
0x1d0: {  	v53 =	vmul.f32 s3, v49;
	[tilespmem:s6+$0x54B0] =	vst v52  }
0x1d1: {  	[tilespmem:s6+$0x54A0] =	vst v3;
	v3 =	vmul.f32 s3, v48  }
0x1d2: {  	v54 =	vmul.f32 s3, v51;
	[tilespmem:s6+$0x54D0] =	vst v53  }
0x1d3: {  	[tilespmem:s6+$0x54C0] =	vst v3;
	v3 =	vmul.f32 s3, v50  }
0x1d4: {  	[tilespmem:s6+$0x54F0] =	vst v54  }
0x1d5: {  	[tilespmem:s6+$0x54E0] =	vst v3  }
0x1d6: {  	v3 =	vld [tilespmem:s1+$0x5480]  }
0x1d7: {  	v4 =	vld [tilespmem:s1+$0x5490];
	s10 =	spop (v2sf)  }
0x1d8: {  	v56 =	vld [tilespmem:s1+$0x54B0];
	p2 =	sgt.f32 s10, $1.499999970e-02  }
0x1d9: {  	s3 =	simm.f32 $5.000000070e-02;
	v55 =	vld [tilespmem:s1+$0x54A0]  }
0x1da: {  	v58 =	vld [tilespmem:s1+$0x54D0];
	s3 =	simm.s32 @!p2 $0x0  }
0x1db: {  	v57 =	vld [tilespmem:s1+$0x54C0];
	v3 =	vmul.f32 s3, v3  }
0x1dc: {  	v60 =	vld [tilespmem:s1+$0x54F0];
	v4 =	vmul.f32 s3, v4  }
0x1dd: {  	v59 =	vld [tilespmem:s1+$0x54E0];
	v61 =	vmul.f32 s3, v56;
	[tilespmem:s1+$0x5480] =	vst v3  }
0x1de: {  	v3 =	vmul.f32 s3, v55;
	[tilespmem:s1+$0x5490] =	vst v4  }
0x1df: {  	v62 =	vmul.f32 s3, v58;
	[tilespmem:s1+$0x54B0] =	vst v61  }
0x1e0: {  	[tilespmem:s1+$0x54A0] =	vst v3;
	v3 =	vmul.f32 s3, v57  }
0x1e1: {  	v63 =	vmul.f32 s3, v60;
	[tilespmem:s1+$0x54D0] =	vst v62  }
0x1e2: {  	[tilespmem:s1+$0x54C0] =	vst v3;
	v3 =	vmul.f32 s3, v59  }
0x1e3: {  	s11 =	sadd.s32 $0x1, s11;
	[tilespmem:s1+$0x54F0] =	vst v63  }
0x1e4: {  	p2 =	sne.s32 s11, s24;
	[tilespmem:s1+$0x54E0] =	vst v3  }
0x1e5: {  	[spmem:s14] =	stream.indirect.scatter.add.f32 [tilespmem:s18], [sflag:$0x4], $0x80, s21, s31, $0xb8;
	[tilespmem:$0x17E00] =	vst v63  }
.Ltmp10:
0x1e6: {  	_ = 	snop;
	(pc) =	sbr.rel @p2 .LBB2_10-.Ltmp10, $4  }
.Ltmp11:
0x1e7: {  	_ = 	snop;
	(pc) =	sbr.rel @!p2 .LBB2_13-.Ltmp11, $4  }
0x1e8: {  	_ =	swait.ge [sflag:s28], $0x2000  }
0x1e9: {  	[sflag:s28] =	ssyncset.done $0x0  }
0x1ea: {  	[sflag:s28] =	ssyncadd.s32 $0xFFFFE000  }
0x1eb: {  	_ = 	snop  }
.LBB2_14:
.Ltmp12:
0x1ec: {  	(pc) =	sbr.rel @p1 .LBB2_23-.Ltmp12, $2  }
0x1ed: {  	_ =	sdelay $0x2  }
0x1ee: {  	s3 =	rddreg [dreg:$0x19]  }
0x1ef: {  	s1 =	sld [smem:$0xC]  }
0x1f0: {  	s3 =	sld [smem:$0x2C]  }
0x1f1: {  	s5 =	rddreg [dreg:$0xd]  }
0x1f2: {  	s6 =	rddreg [dreg:$0x16]  }
0x1f3: {  	[spmem:s6], [sflag:s25] =	dma.local [hbm:s5], $0x300  }
0x1f4: {  	_ =	swait.ge [sflag:s28], $0x300  }
0x1f5: {  	[sflag:s28] =	ssyncset.done $0x0;
	s24 =	rddreg [dreg:$0xe]  }
0x1f6: {  	s26 =	rddreg [dreg:$0xf];
	[sflag:s28] =	ssyncadd.s32 $0xFFFFFD00;
	s12 =	sshrl.u32 s24, $0x3  }
0x1f7: {  	[spmem:s12], [sflag:s25] =	dma.local [hbm:s26], $0x300  }
0x1f8: {  	_ =	swait.ge [sflag:s28], $0x300  }
0x1f9: {  	[sflag:s28] =	ssyncset.done $0x0;
	s5 =	rddreg [dreg:$0x10]  }
0x1fa: {  	s6 =	rddreg [dreg:$0x17];
	[sflag:s28] =	ssyncadd.s32 $0xFFFFFD00  }
0x1fb: {  	[spmem:s6], [sflag:s25] =	dma.local @!p0 [hbm:s5], $0x500  }
0x1fc: {  	s3 =	sadd.s32 $0x3F, s3;
	s5 =	simm.s32 @!p0 $0x4  }
0x1fd: {  	s11 =	sshra.s32 s1, $0x6;
	s22 =	sshra.s32 s3, $0x6;
	_ =	swait.ge @!p0 [sflag:s5], $0x500  }
0x1fe: {  	p2 =	sle.s32 s22, s11;
	[sflag:s5] =	ssyncset.done @!p0 $0x0;
	s6 =	rddreg [dreg:$0x18]  }
0x1ff: {  	[sflag:s5] =	ssyncadd.s32 @!p0 $0xFFFFFB00;
	s26 =	sshrl.u32 @!p0 s6, $0x3;
	s6 =	rddreg [dreg:$0x11]  }
0x200: {  	[spmem:s26], [sflag:s25] =	dma.local @!p0 [hbm:s6], $0x500  }
.Ltmp13:
0x201: {  	_ =	swait.ge @!p0 [sflag:s5], $0x500;
	(pc) =	sbr.rel @p2 .LBB2_26-.Ltmp13, $3  }
0x202: {  	[sflag:s5] =	ssyncset.done @!p0 $0x0  }
0x203: {  	[sflag:s5] =	ssyncadd.s32 @!p0 $0xFFFFFB00  }
0x204: {  	[bflag:$0x0] =	sbarrier.arrive $0xFFFF;
	_ =	sdelay $0x1  }
0x205: {  	s1 =	sshll.u32 s11, $0x9  }
0x206: {  	s3 =	sshra.s32 s1, $0x2  }
0x207: {  	s1 =	sadd.s32 $0xC80, s3;
	s5 =	sadd.s32 $0x4A0, s3  }
0x208: {  	[tilespmem:s0], [sflag:$0x3] =	stream.indirect.gather [hbm4b:s7+s31], $0x80, s1, s31, $0xb8;
	[tilespmem:$0x17E00] =	vst v63  }
0x209: {  	v2 =	vld [tilespmem:s5+$0xFFFFFFE0];
	_ =	sdelay $0x4  }
0x20a: {  	v3 =	vadd.s32 v1, v2  }
0x20b: {  	v4 =	vand.u32 $0xFFFFE000, v2;
	v2 =	vshrl.u32 v2, $0x1;
	v3 =	vand.u32 $0x7F, v3  }
0x20c: {  	vm0 =	veq.s32 v4, $0x18000;
	v2 =	vand.u32 $0xFFF, v2;
	v3 =	vor.u32 $0x1000, v3  }
0x20d: {  	v2 =	vsel vm0, v2, v3  }
0x20e: {  	[tilespmem:$0x7480] =	vst v2  }
0x20f: {  	v2 =	vld [tilespmem:s5+$0xFFFFFFF0];
	_ =	sdelay $0x4  }
0x210: {  	v3 =	vadd.s32 v1, v2  }
0x211: {  	v61 =	vand.u32 $0xFFFFE000, v2;
	v2 =	vshrl.u32 v2, $0x1;
	v3 =	vand.u32 $0x7F, v3  }
0x212: {  	vm13 =	veq.s32 v61, $0x18000;
	v2 =	vand.u32 $0xFFF, v2;
	v3 =	vor.u32 $0x1000, v3  }
0x213: {  	v2 =	vsel vm13, v2, v3  }
0x214: {  	[tilespmem:$0x7490] =	vst v2  }
0x215: {  	v2 =	vld [tilespmem:s5+$0x0];
	_ =	sdelay $0x4  }
0x216: {  	v3 =	vadd.s32 v1, v2  }
0x217: {  	v62 =	vand.u32 $0xFFFFE000, v2;
	v2 =	vshrl.u32 v2, $0x1;
	v3 =	vand.u32 $0x7F, v3  }
0x218: {  	vm14 =	veq.s32 v62, $0x18000;
	v2 =	vand.u32 $0xFFF, v2;
	v3 =	vor.u32 $0x1000, v3  }
0x219: {  	v2 =	vsel vm14, v2, v3  }
0x21a: {  	[tilespmem:$0x74A0] =	vst v2  }
0x21b: {  	v2 =	vld [tilespmem:s5+$0x10];
	_ =	sdelay $0x4  }
0x21c: {  	v3 =	vadd.s32 v1, v2  }
0x21d: {  	v63 =	vand.u32 $0xFFFFE000, v2;
	v2 =	vshrl.u32 v2, $0x1;
	v3 =	vand.u32 $0x7F, v3  }
0x21e: {  	vm15 =	veq.s32 v63, $0x18000;
	v2 =	vand.u32 $0xFFF, v2;
	v3 =	vor.u32 $0x1000, v3  }
0x21f: {  	v2 =	vsel vm15, v2, v3  }
0x220: {  	s24 =	ssub.s32 s22, s11;
	[tilespmem:$0x74B0] =	vst v2  }
0x221: {  	p2 =	seq.s32 s24, $0x1;
	_ =	swait.ge [sflag:s4], $0x2000  }
.Ltmp14:
0x222: {  	[sflag:s4] =	ssyncset.done $0x0;
	(pc) =	sbr.rel @p2 .LBB2_18-.Ltmp14, $4  }
0x223: {  	[sflag:s4] =	ssyncadd.s32 $0xFFFFE000  }
0x224: {  	[spmem:s2] =	stream.indirect.scatter.add.f32 [tilespmem:s0], [sflag:$0x4], $0x80, s15, s31, $0xb8;
	[tilespmem:$0x17E00] =	vst v63  }
0x225: {  	_ =	swait.ge [sflag:s28], $0x2000  }
0x226: {  	s6 =	sadd.s32 $0xFFFFFFFF, s24;
	[sflag:s28] =	ssyncset.done $0x0  }
.LBB2_17:
0x227: {  	[sflag:s28] =	ssyncadd.s32 $0xFFFFE000;
	s1 =	sadd.s32 $0x80, s1;
	s5 =	sadd.s32 $0x80, s5  }
0x228: {  	[tilespmem:s0], [sflag:$0x3] =	stream.indirect.gather [hbm4b:s7+s31], $0x80, s1, s31, $0xb8;
	[tilespmem:$0x17E00] =	vst v63  }
0x229: {  	p2 =	seq.s32 s6, $0x1;
	s6 =	sadd.s32 $0xFFFFFFFF, s6;
	v2 =	vld [tilespmem:s5+$0xFFFFFFE0];
	_ =	sdelay $0x4  }
0x22a: {  	v3 =	vand.u32 $0xFFFFE000, v2;
	v4 =	vshrl.u32 v2, $0x1;
	v2 =	vadd.s32 v1, v2  }
0x22b: {  	v2 =	vand.u32 $0x7F, v2  }
0x22c: {  	vm0 =	veq.s32 v3, $0x18000;
	v3 =	vand.u32 $0xFFF, v4;
	v2 =	vor.u32 $0x1000, v2  }
0x22d: {  	v2 =	vsel vm0, v3, v2  }
0x22e: {  	[tilespmem:$0x7480] =	vst v2  }
0x22f: {  	v2 =	vld [tilespmem:s5+$0xFFFFFFF0];
	_ =	sdelay $0x4  }
0x230: {  	v3 =	vand.u32 $0xFFFFE000, v2;
	v4 =	vshrl.u32 v2, $0x1;
	v2 =	vadd.s32 v1, v2  }
0x231: {  	v2 =	vand.u32 $0x7F, v2  }
0x232: {  	vm0 =	veq.s32 v3, $0x18000;
	v3 =	vand.u32 $0xFFF, v4;
	v2 =	vor.u32 $0x1000, v2  }
0x233: {  	v2 =	vsel vm0, v3, v2  }
0x234: {  	[tilespmem:$0x7490] =	vst v2  }
0x235: {  	v2 =	vld [tilespmem:s5+$0x0];
	_ =	sdelay $0x4  }
0x236: {  	v3 =	vand.u32 $0xFFFFE000, v2;
	v4 =	vshrl.u32 v2, $0x1;
	v2 =	vadd.s32 v1, v2  }
0x237: {  	v2 =	vand.u32 $0x7F, v2  }
0x238: {  	vm0 =	veq.s32 v3, $0x18000;
	v3 =	vand.u32 $0xFFF, v4;
	v2 =	vor.u32 $0x1000, v2  }
0x239: {  	v2 =	vsel vm0, v3, v2  }
0x23a: {  	[tilespmem:$0x74A0] =	vst v2  }
0x23b: {  	v2 =	vld [tilespmem:s5+$0x10];
	_ =	sdelay $0x4  }
0x23c: {  	v3 =	vand.u32 $0xFFFFE000, v2;
	v4 =	vshrl.u32 v2, $0x1;
	v2 =	vadd.s32 v1, v2  }
0x23d: {  	v2 =	vand.u32 $0x7F, v2  }
0x23e: {  	vm0 =	veq.s32 v3, $0x18000;
	v3 =	vand.u32 $0xFFF, v4;
	v2 =	vor.u32 $0x1000, v2  }
0x23f: {  	v2 =	vsel vm0, v3, v2  }
0x240: {  	[tilespmem:$0x74B0] =	vst v2  }
0x241: {  	_ =	swait.ge [sflag:s4], $0x2000  }
.Ltmp15:
0x242: {  	[sflag:s4] =	ssyncset.done $0x0;
	(pc) =	sbr.rel @!p2 .LBB2_17-.Ltmp15, $4  }
0x243: {  	[sflag:s4] =	ssyncadd.s32 $0xFFFFE000  }
0x244: {  	[spmem:s2] =	stream.indirect.scatter.add.f32 [tilespmem:s0], [sflag:$0x4], $0x80, s15, s31, $0xb8;
	[tilespmem:$0x17E00] =	vst v63  }
0x245: {  	_ =	swait.ge [sflag:s28], $0x2000  }
0x246: {  	[sflag:s28] =	ssyncset.done $0x0  }
.LBB2_18:
0x247: {  	[sflag:s28] =	ssyncadd.s32 $0xFFFFE000  }
0x248: {  	[bflag:$0x0] =	sbarrier.arrive $0xFFFF  }
.LBB2_19:
0x249: {  	s1 =	sshll.u32 s11, $0x9  }
0x24a: {  	s1 =	sshra.s32 s1, $0x2  }
0x24b: {  	v2 =	vld [tilespmem:s1+$0x480];
	_ =	sdelay $0x4  }
0x24c: {  	v3 =	vadd.s32 v1, v2  }
0x24d: {  	v4 =	vshrl.u32 v2, $0x1;
	v2 =	vand.u32 $0xFFFFE000, v2;
	v3 =	vand.u32 $0x7F, v3  }
0x24e: {  	v4 =	vand.u32 $0xFFF, v4;
	vm0 =	veq.s32 v2, $0x18000;
	v2 =	vor.u32 $0x1000, v3  }
0x24f: {  	[tilespmem:$0x7500] =	vst v4;
	v2 =	vsel vm0, v4, v2  }
0x250: {  	[tilespmem:$0x7580] =	vst v2  }
0x251: {  	v2 =	vld [tilespmem:s1+$0x490];
	_ =	sdelay $0x4  }
0x252: {  	v3 =	vadd.s32 v1, v2  }
0x253: {  	v4 =	vshrl.u32 v2, $0x1;
	v2 =	vand.u32 $0xFFFFE000, v2;
	v3 =	vand.u32 $0x7F, v3  }
0x254: {  	v4 =	vand.u32 $0xFFF, v4;
	vm13 =	veq.s32 v2, $0x18000;
	v2 =	vor.u32 $0x1000, v3  }
0x255: {  	[tilespmem:$0x7510] =	vst v4;
	v2 =	vsel vm13, v4, v2  }
0x256: {  	[tilespmem:$0x7590] =	vst v2  }
0x257: {  	v2 =	vld [tilespmem:s1+$0x4A0];
	_ =	sdelay $0x4  }
0x258: {  	v3 =	vadd.s32 v1, v2  }
0x259: {  	v4 =	vshrl.u32 v2, $0x1;
	v2 =	vand.u32 $0xFFFFE000, v2;
	v3 =	vand.u32 $0x7F, v3  }
0x25a: {  	v4 =	vand.u32 $0xFFF, v4;
	vm14 =	veq.s32 v2, $0x18000;
	v2 =	vor.u32 $0x1000, v3  }
0x25b: {  	[tilespmem:$0x7520] =	vst v4;
	v2 =	vsel vm14, v4, v2  }
0x25c: {  	[tilespmem:$0x75A0] =	vst v2  }
0x25d: {  	v2 =	vld [tilespmem:s1+$0x4B0];
	_ =	sdelay $0x4  }
0x25e: {  	v3 =	vadd.s32 v1, v2  }
0x25f: {  	v4 =	vshrl.u32 v2, $0x1;
	v2 =	vand.u32 $0xFFFFE000, v2;
	v3 =	vand.u32 $0x7F, v3  }
0x260: {  	v4 =	vand.u32 $0xFFF, v4;
	vm15 =	veq.s32 v2, $0x18000;
	v2 =	vor.u32 $0x1000, v3  }
0x261: {  	[tilespmem:$0x7530] =	vst v4;
	v2 =	vsel vm15, v4, v2  }
0x262: {  	s3 =	simm.s32 $0x7500;
	[tilespmem:$0x75B0] =	vst v2  }
0x263: {  	[tilespmem:s17], [sflag:$0x1] =	stream.indirect.gather [spmem:s2], $0x80, s3, s31, $0xb8;
	[tilespmem:$0x17E00] =	vst v63  }
0x264: {  	s1 =	sadd.s32 $0xC80, s1  }
0x265: {  	[tilespmem:s0], [sflag:$0x2] =	stream.indirect.gather [hbm4b:s7+s31], $0x80, s1, s31, $0xb8;
	[tilespmem:$0x17E00] =	vst v63  }
0x266: {  	_ = 	snop  }
0x267: {  	[tilespmem:s18], [sflag:$0x3] =	stream.indirect.gather [hbm4b:s8+s31], $0x80, s1, s31, $0xb8;
	[tilespmem:$0x17E00] =	vst v63  }
0x268: {  	_ =	swait.ge [sflag:s19], $0x2000  }
0x269: {  	[sflag:s19] =	ssyncset.done $0x0  }
0x26a: {  	[sflag:s19] =	ssyncadd.s32 $0xFFFFE000  }
0x26b: {  	_ =	swait.ge [sflag:s20], $0x2000  }
0x26c: {  	[sflag:s20] =	ssyncset.done $0x0  }
0x26d: {  	[sflag:s20] =	ssyncadd.s32 $0xFFFFE000  }
0x26e: {  	_ =	swait.ge [sflag:s4], $0x2000  }
0x26f: {  	[sflag:s4] =	ssyncset.done $0x0  }
0x270: {  	s9 =	simm.s32 $0x0;
	[sflag:s4] =	ssyncadd.s32 $0xFFFFE000  }
0x271: {  	v2 =	vld [tilespmem:s9+$0x3480]  }
0x272: {  	v3 =	vld [tilespmem:s9+$0x1480]  }
0x273: {  	v4 =	vld [tilespmem:s9+$0x3490]  }
0x274: {  	v5 =	vld [tilespmem:s9+$0x1490]  }
0x275: {  	v6 =	vld [tilespmem:s9+$0x34A0]  }
0x276: {  	v7 =	vld [tilespmem:s9+$0x14A0]  }
0x277: {  	v8 =	vld [tilespmem:s9+$0x34B0]  }
0x278: {  	v9 =	vld [tilespmem:s9+$0x14B0]  }
0x279: {  	v10 =	vld [tilespmem:s9+$0x34C0];
	v2 =	vmul.f32 v3, v2;
	v3 =	vmul.f32 v5, v4  }
0x27a: {  	v4 =	vld [tilespmem:s9+$0x14C0]  }
0x27b: {  	v5 =	vld [tilespmem:s9+$0x34D0];
	v2 =	vadd.f32 v3, v2;
	v3 =	vmul.f32 v7, v6  }
0x27c: {  	v6 =	vld [tilespmem:s9+$0x14D0]  }
0x27d: {  	v7 =	vld [tilespmem:s9+$0x34E0];
	v2 =	vadd.f32 v3, v2;
	v3 =	vmul.f32 v9, v8  }
0x27e: {  	v8 =	vld [tilespmem:s9+$0x14E0]  }
0x27f: {  	v9 =	vld [tilespmem:s9+$0x14F0];
	v2 =	vadd.f32 v3, v2;
	v3 =	vmul.f32 v4, v10  }
0x280: {  	v4 =	vld [tilespmem:s9+$0x34F0]  }
0x281: {  	v2 =	vadd.f32 v3, v2;
	v3 =	vmul.f32 v6, v5;
	_ =	sdelay $0x1  }
0x282: {  	v2 =	vadd.f32 v3, v2;
	v3 =	vmul.f32 v8, v7;
	_ =	sdelay $0x1  }
0x283: {  	v2 =	vadd.f32 v3, v2;
	v3 =	vmul.f32 v9, v4;
	_ =	sdelay $0x1  }
0x284: {  	v2 =	vadd.f32 v3, v2;
	_ =	sdelay $0x1  }
0x285: {  	(xrf2) =	vadd.scan.msk.f32 $0xffff, v2;
	_ =	sdelay $0x5  }
0x286: {  	s6 =	simm.s32 $0x80  }
0x287: {  	v11 =	vld [tilespmem:s6+$0x14A0]  }
0x288: {  	v12 =	vld [tilespmem:s6+$0x3490]  }
0x289: {  	v13 =	vld [tilespmem:s6+$0x1490]  }
0x28a: {  	v14 =	vld [tilespmem:s6+$0x14C0];
	v2, _, _ =	vpop (xrf2)  }
0x28b: {  	v15 =	vld [tilespmem:s6+$0x34D0];
	(v2sf) =	vpush v2, $0xF  }
0x28c: {  	v5 =	vld [tilespmem:s6+$0x3480]  }
0x28d: {  	v6 =	vld [tilespmem:s6+$0x1480]  }
0x28e: {  	v16 =	vld [tilespmem:s6+$0x14D0]  }
0x28f: {  	v10 =	vld [tilespmem:s6+$0x34A0]  }
0x290: {  	v8 =	vld [tilespmem:s6+$0x34B0]  }
0x291: {  	v9 =	vld [tilespmem:s6+$0x14B0]  }
0x292: {  	v17 =	vld [tilespmem:s6+$0x34E0];
	v12 =	vmul.f32 v13, v12;
	v21 =	vmul.f32 v6, v5  }
0x293: {  	v7 =	vld [tilespmem:s6+$0x34C0]  }
0x294: {  	v18 =	vld [tilespmem:s6+$0x14E0];
	v10 =	vmul.f32 v11, v10;
	v12 =	vadd.f32 v12, v21  }
0x295: {  	v19 =	vld [tilespmem:s6+$0x34F0]  }
0x296: {  	s1 =	simm.s32 $0x100;
	v20 =	vld [tilespmem:s6+$0x14F0];
	v10 =	vadd.f32 v10, v12;
	v8 =	vmul.f32 v9, v8  }
0x297: {  	v63 =	vld [tilespmem:s1+$0x1480]  }
0x298: {  	v22 =	vld [tilespmem:s1+$0x1490];
	v7 =	vmul.f32 v14, v7;
	v8 =	vadd.f32 v8, v10  }
0x299: {  	v10 =	vld [tilespmem:s9+$0x5480]  }
0x29a: {  	v13 =	vld [tilespmem:s1+$0x3480];
	v7 =	vadd.f32 v7, v8;
	v8 =	vmul.f32 v16, v15;
	s24 =	spop (v2sf)  }
0x29b: {  	v4 =	vld [tilespmem:s1+$0x14B0];
	p2 =	sgt.f32 s24, $1.499999970e-02  }
0x29c: {  	s5 =	simm.f32 $5.000000070e-02;
	v5 =	vld [tilespmem:s1+$0x34A0];
	v7 =	vadd.f32 v8, v7;
	v8 =	vmul.f32 v18, v17  }
0x29d: {  	v6 =	vld [tilespmem:s1+$0x14A0];
	s5 =	simm.s32 @!p2 $0x0  }
0x29e: {  	v3 =	vld [tilespmem:s1+$0x34B0];
	v17 =	vmul.f32 v20, v19;
	v7 =	vadd.f32 v8, v7;
	v16 =	vmul.f32 s5, v10  }
0x29f: {  	v9 =	vld [tilespmem:s1+$0x3490]  }
0x2a0: {  	v2 =	vld [tilespmem:s1+$0x34C0];
	[tilespmem:s9+$0x5480] =	vst v16;
	v16 =	vadd.f32 v17, v7;
	_ =	sdelay $0x1  }
0x2a1: {  	(xrf2) =	vadd.scan.msk.f32 $0xffff, v16  }
0x2a2: {  	v14 =	vld [tilespmem:s9+$0x54A0]  }
0x2a3: {  	v12 =	vld [tilespmem:s9+$0x5490];
	_ =	sdelay $0x1  }
0x2a4: {  	v15 =	vld [tilespmem:s9+$0x54B0]  }
0x2a5: {  	v11 =	vld [tilespmem:s9+$0x54C0]  }
0x2a6: {  	v10 =	vld [tilespmem:s9+$0x54D0]  }
0x2a7: {  	v8 =	vld [tilespmem:s9+$0x54E0];
	v14 =	vmul.f32 s5, v14;
	v17 =	vmul.f32 s5, v12  }
0x2a8: {  	v7 =	vld [tilespmem:s9+$0x54F0];
	v12 =	vmul.f32 v63, v13;
	v13 =	vmul.f32 v22, v9  }
0x2a9: {  	s10 =	simm.s32 $0x600;
	v15 =	vmul.f32 s5, v15;
	v9 =	vld [tilespmem:s1+$0x14C0];
	[tilespmem:s9+$0x5490] =	vst v17  }
.LBB2_20:
0x2aa: {  	p2 =	sne.s32 s10, $0x7E00;
	v12 =	vadd.f32 v13, v12;
	v5 =	vmul.f32 v6, v5;
	v6 =	vld [tilespmem:s1+$0x34D0];
	v13, _, _ =	vpop (xrf2);
	[tilespmem:s9+$0x54A0] =	vst v14;
	v11 =	vmul.f32 s5, v11  }
0x2ab: {  	v14 =	vld [tilespmem:s1+$0x14D0];
	(v2sf) =	vpush v13, $0xF;
	[tilespmem:s9+$0x54B0] =	vst v15;
	v10 =	vmul.f32 s5, v10  }
0x2ac: {  	v3 =	vmul.f32 v4, v3;
	v5 =	vadd.f32 v5, v12;
	v12 =	vld [tilespmem:s1+$0x34E0];
	[tilespmem:s9+$0x54C0] =	vst v11;
	v4 =	vmul.f32 s5, v8  }
0x2ad: {  	v8 =	vld [tilespmem:s1+$0x14E0];
	[tilespmem:s9+$0x54D0] =	vst v10;
	v7 =	vmul.f32 s5, v7  }
0x2ae: {  	v3 =	vadd.f32 v3, v5;
	v5 =	vmul.f32 v9, v2;
	v9 =	vld [tilespmem:s1+$0x34F0];
	[tilespmem:s9+$0x54E0] =	vst v4  }
0x2af: {  	v10 =	vld [tilespmem:s1+$0x14F0];
	[tilespmem:s9+$0x54F0] =	vst v7;
	s9 =	smov.u32 s6;
	s6 =	smov.u32 s1;
	s1 =	sshra.s32 s10, $0x2  }
0x2b0: {  	v2 =	vld [tilespmem:s1+$0x34C0];
	v5 =	vadd.f32 v5, v3;
	v6 =	vmul.f32 v14, v6  }
0x2b1: {  	v3 =	vld [tilespmem:s1+$0x34B0]  }
0x2b2: {  	v4 =	vld [tilespmem:s1+$0x14B0];
	v7 =	vadd.f32 v6, v5;
	v8 =	vmul.f32 v8, v12  }
0x2b3: {  	v5 =	vld [tilespmem:s1+$0x34A0]  }
0x2b4: {  	v6 =	vld [tilespmem:s1+$0x14A0];
	v7 =	vadd.f32 v8, v7;
	v8 =	vmul.f32 v10, v9  }
0x2b5: {  	v9 =	vld [tilespmem:s1+$0x3480]  }
0x2b6: {  	v12 =	vld [tilespmem:s1+$0x1480];
	v7 =	vadd.f32 v8, v7  }
0x2b7: {  	v13 =	vld [tilespmem:s1+$0x3490]  }
0x2b8: {  	v14 =	vld [tilespmem:s1+$0x1490];
	(xrf2) =	vadd.scan.msk.f32 $0xffff, v7  }
0x2b9: {  	v7 =	vld [tilespmem:s9+$0x5480]  }
0x2ba: {  	v8 =	vld [tilespmem:s9+$0x5490];
	s3 =	spop (v2sf)  }
0x2bb: {  	p3 =	sgt.f32 s3, $1.499999970e-02;
	v15 =	vld [tilespmem:s9+$0x54A0]  }
0x2bc: {  	s5 =	simm.f32 $5.000000070e-02;
	v16 =	vld [tilespmem:s9+$0x54B0]  }
.Ltmp16:
0x2bd: {  	s5 =	simm.s32 @!p3 $0x0;
	v11 =	vld [tilespmem:s9+$0x54C0];
	(pc) =	sbr.rel @p2 .LBB2_20-.Ltmp16, $4  }
0x2be: {  	v7 =	vmul.f32 s5, v7;
	v10 =	vld [tilespmem:s9+$0x54D0]  }
0x2bf: {  	v12 =	vmul.f32 v12, v9;
	v17 =	vmul.f32 s5, v8;
	v8 =	vld [tilespmem:s9+$0x54E0]  }
0x2c0: {  	v13 =	vmul.f32 v14, v13;
	[tilespmem:s9+$0x5480] =	vst v7;
	v14 =	vmul.f32 s5, v15;
	v7 =	vld [tilespmem:s9+$0x54F0]  }
0x2c1: {  	s10 =	sadd.s32 $0x200, s10;
	v9 =	vld [tilespmem:s1+$0x14C0];
	[tilespmem:s9+$0x5490] =	vst v17;
	v15 =	vmul.f32 s5, v16  }
0x2c2: {  	v16 =	vld [tilespmem:s1+$0x34D0];
	[tilespmem:s9+$0x54A0] =	vst v14;
	v11 =	vmul.f32 s5, v11;
	v12 =	vadd.f32 v13, v12;
	v5 =	vmul.f32 v6, v5  }
0x2c3: {  	v14 =	vld [tilespmem:s1+$0x14D0];
	[tilespmem:s9+$0x54B0] =	vst v15;
	v47 =	vmul.f32 s5, v10  }
0x2c4: {  	v3 =	vmul.f32 v4, v3;
	v15 =	vld [tilespmem:s1+$0x34E0];
	[tilespmem:s9+$0x54C0] =	vst v11;
	v5 =	vadd.f32 v5, v12;
	v49 =	vmul.f32 s5, v8  }
0x2c5: {  	v48 =	vld [tilespmem:s1+$0x14E0];
	[tilespmem:s9+$0x54D0] =	vst v47  }
0x2c6: {  	v6 =	vld [tilespmem:s1+$0x34F0];
	v3 =	vadd.f32 v3, v5;
	v2 =	vmul.f32 v9, v2;
	[tilespmem:s9+$0x54E0] =	vst v49  }
0x2c7: {  	v4 =	vld [tilespmem:s1+$0x14F0]  }
0x2c8: {  	v2 =	vadd.f32 v2, v3;
	v3 =	vmul.f32 v14, v16;
	_ =	sdelay $0x1  }
0x2c9: {  	v2 =	vadd.f32 v3, v2;
	v3 =	vmul.f32 v48, v15  }
0x2ca: {  	v50, _, _ =	vpop (xrf2)  }
0x2cb: {  	(v2sf) =	vpush v50, $0xF;
	v2 =	vadd.f32 v3, v2;
	v3 =	vmul.f32 v4, v6;
	_ =	sdelay $0x1  }
0x2cc: {  	v2 =	vadd.f32 v3, v2;
	_ =	sdelay $0x1  }
0x2cd: {  	(xrf2) =	vadd.scan.msk.f32 $0xffff, v2;
	_ =	sdelay $0x6  }
0x2ce: {  	v2 =	vmul.f32 s5, v7;
	_ =	sdelay $0x1  }
0x2cf: {  	[tilespmem:s9+$0x54F0] =	vst v2  }
0x2d0: {  	v2 =	vld [tilespmem:s6+$0x5480];
	v51, _, _ =	vpop (xrf2)  }
0x2d1: {  	s3 =	spop (v2sf);
	v3 =	vld [tilespmem:s6+$0x5490];
	(v2sf) =	vpush v51, $0xF  }
0x2d2: {  	p2 =	sgt.f32 s3, $1.499999970e-02;
	v52 =	vld [tilespmem:s6+$0x54A0]  }
0x2d3: {  	v53 =	vld [tilespmem:s6+$0x54B0];
	s3 =	simm.f32 $5.000000070e-02  }
0x2d4: {  	v54 =	vld [tilespmem:s6+$0x54C0];
	s3 =	simm.s32 @!p2 $0x0  }
0x2d5: {  	v55 =	vld [tilespmem:s6+$0x54D0];
	v2 =	vmul.f32 s3, v2  }
0x2d6: {  	v56 =	vld [tilespmem:s6+$0x54E0];
	v3 =	vmul.f32 s3, v3  }
0x2d7: {  	v57 =	vld [tilespmem:s6+$0x54F0];
	[tilespmem:s6+$0x5480] =	vst v2;
	v2 =	vmul.f32 s3, v52  }
0x2d8: {  	[tilespmem:s6+$0x5490] =	vst v3;
	v3 =	vmul.f32 s3, v53  }
0x2d9: {  	[tilespmem:s6+$0x54A0] =	vst v2;
	v2 =	vmul.f32 s3, v54  }
0x2da: {  	[tilespmem:s6+$0x54B0] =	vst v3;
	v3 =	vmul.f32 s3, v55  }
0x2db: {  	[tilespmem:s6+$0x54C0] =	vst v2;
	v2 =	vmul.f32 s3, v56  }
0x2dc: {  	[tilespmem:s6+$0x54D0] =	vst v3;
	v3 =	vmul.f32 s3, v57  }
0x2dd: {  	[tilespmem:s6+$0x54E0] =	vst v2  }
0x2de: {  	[tilespmem:s6+$0x54F0] =	vst v3  }
0x2df: {  	v2 =	vld [tilespmem:s1+$0x5480]  }
0x2e0: {  	v3 =	vld [tilespmem:s1+$0x5490];
	s24 =	spop (v2sf)  }
0x2e1: {  	v58 =	vld [tilespmem:s1+$0x54A0];
	p2 =	sgt.f32 s24, $1.499999970e-02  }
0x2e2: {  	s3 =	simm.f32 $5.000000070e-02;
	v59 =	vld [tilespmem:s1+$0x54B0]  }
0x2e3: {  	v60 =	vld [tilespmem:s1+$0x54C0];
	s3 =	simm.s32 @!p2 $0x0  }
0x2e4: {  	v61 =	vld [tilespmem:s1+$0x54D0];
	v2 =	vmul.f32 s3, v2  }
0x2e5: {  	v62 =	vld [tilespmem:s1+$0x54E0];
	v3 =	vmul.f32 s3, v3  }
0x2e6: {  	v63 =	vld [tilespmem:s1+$0x54F0];
	[tilespmem:s1+$0x5480] =	vst v2;
	v2 =	vmul.f32 s3, v58  }
0x2e7: {  	[tilespmem:s1+$0x5490] =	vst v3;
	v3 =	vmul.f32 s3, v59  }
0x2e8: {  	[tilespmem:s1+$0x54A0] =	vst v2;
	v2 =	vmul.f32 s3, v60  }
0x2e9: {  	[tilespmem:s1+$0x54B0] =	vst v3;
	v3 =	vmul.f32 s3, v61  }
0x2ea: {  	[tilespmem:s1+$0x54C0] =	vst v2;
	v2 =	vmul.f32 s3, v62  }
0x2eb: {  	[tilespmem:s1+$0x54D0] =	vst v3;
	v3 =	vmul.f32 s3, v63  }
0x2ec: {  	s11 =	sadd.s32 $0x1, s11;
	[tilespmem:s1+$0x54E0] =	vst v2  }
0x2ed: {  	p2 =	sne.s32 s11, s22;
	[tilespmem:s1+$0x54F0] =	vst v3  }
0x2ee: {  	[spmem:s14] =	stream.indirect.scatter.add.f32 [tilespmem:s18], [sflag:$0x4], $0x80, s21, s31, $0xb8;
	[tilespmem:$0x17E00] =	vst v63  }
.Ltmp17:
0x2ef: {  	_ = 	snop;
	(pc) =	sbr.rel @p2 .LBB2_19-.Ltmp17, $4  }
.Ltmp18:
0x2f0: {  	_ = 	snop;
	(pc) =	sbr.rel @!p2 .LBB2_22-.Ltmp18, $4  }
0x2f1: {  	_ =	swait.ge [sflag:s28], $0x2000  }
0x2f2: {  	[sflag:s28] =	ssyncset.done $0x0  }
0x2f3: {  	[sflag:s28] =	ssyncadd.s32 $0xFFFFE000  }
0x2f4: {  	_ = 	snop  }
.LBB2_24:
0x2f5: {  	_ =	sfence.sel $0x180000  }
0x2f6: {  	[bflag:$0x0] =	sbarrier.arrive $0xFFFF  }
0x2f7: {  	_ =	strace $0x90000047  }
0x2f8: {  	[bflag:$0x2] =	sbarrier.arrive $0xFFFF  }
0x2f9: {  	s0 =	rddreg [dreg:$0x5]  }
0x2fa: {  	s0 =	sadd.s32 @!p0 $0x100000, s0  }
0x2fb: {  	[sflag:s0] =	ssyncadd.tile.s32 @!p0 $0x1;
	_ =	shalt  }
.Lfunc_end2:
_tile_overlayer_lowered:
.L_overlay_start_2:
0x2fc: {  	(tag) =	ssettag $0x2  }
0x2fd: {  	s0 =	rddreg [dreg:$0x0];
	s2 =	stileid.u32  }
0x2fe: {  	s1 =	rddreg [dreg:$0x1];
	p0 =	sne.s32 s2, $0x0  }
0x2ff: {  	s3 =	rddreg [dreg:$0x2];
	[bflag:$0x3] =	sbarrier.arrive $0xFFFF;
	s2 =	simm.s32 @!p0 $0x1C04  }
0x300: {  	[timem:s3], [sflag:s2] =	dma.local @!p0 [hbm:s0], s1  }
0x301: {  	s0 =	simm.s32 @!p0 $0x4  }
0x302: {  	_ =	swait.ge @!p0 [sflag:s0], s1  }
0x303: {  	s1 =	ssub.s32 @!p0 $0x0, s1;
	[sflag:s0] =	ssyncset.done @!p0 $0x0  }
0x304: {  	[sflag:s0] =	ssyncadd.s32 @!p0 s1  }
0x305: {  	[bflag:$0x3] =	sbarrier.arrive $0xFFFF  }
0x306: {  	_ =	shalt  }

</sc_bundles>
